<compile_context>
chip_gen: v7x
topology: tpu7x:2x2x1
jax: 0.10.2.dev20260603
libtpu: 0.0.44.dev20260713+nightly
codegen_flags: <defaults>
</compile_context>

<pallas_src>
import jax
import jax.numpy as jnp
from jax import lax
from jax.experimental import pallas as pl
from jax.experimental.pallas import tpu as pltpu
from jax.experimental.pallas import tpu_sc as plsc

N = 100000
E = 3200000
EDGE_DIM = 16
K = 5

NC, NS, L = 2, 16, 16
NW = NC * NS
NPAD = 100352
E_PER_TILE = E // NW
CHUNK = 10000
N_CHUNKS = E_PER_TILE // CHUNK
NSLICE = NPAD // NS
NROWS = NPAD // 128

_mesh = plsc.VectorSubcoreMesh(core_axis_name="c", subcore_axis_name="s")


def _fill_zero(zv):
    zero = jnp.zeros((L,), jnp.float32)

    def zloop(i, carry):
        zv[pl.ds(i * L, L)] = zero
        return carry

    lax.fori_loop(0, NSLICE // L, zloop, 0)


def _scatter_chunks(wid, row_hbm, col_hbm, w_hbm, row_v, col_v, w_v,
                    gath_v, y_sh, acc, sem, gather):
    base = wid * E_PER_TILE

    def chunk(j, carry):
        e0 = base + j * CHUNK
        if gather:
            c1 = pltpu.async_copy(row_hbm.at[pl.ds(e0, CHUNK)], row_v, sem)
        c3 = pltpu.async_copy(w_hbm.at[pl.ds(e0, CHUNK)], w_v, sem)
        c2 = pltpu.async_copy(col_hbm.at[pl.ds(e0, CHUNK)], col_v, sem)
        if gather:
            c1.wait()
            pltpu.sync_copy(y_sh.at[row_v], gath_v)
            c3.wait()

            def mul_group(g, c_):
                s = pl.ds(g * L, L)
                gath_v[s] = gath_v[s] * w_v[s]
                return c_

            lax.fori_loop(0, CHUNK // L, mul_group, 0)
            src = gath_v
        else:
            c3.wait()
            src = w_v
        c2.wait()
        pltpu.sync_copy(src, acc.at[col_v], add=True)
        return carry

    lax.fori_loop(0, N_CHUNKS, chunk, 0)


def _writeback(cid, sid, acc, out0, out1):
    sl = pl.ds(sid * NSLICE, NSLICE)

    @pl.when(cid == 0)
    def _():
        pltpu.sync_copy(acc.at[sl], out0.at[sl])

    @pl.when(cid == 1)
    def _():
        pltpu.sync_copy(acc.at[sl], out1.at[sl])


def _deg_body(col_hbm, w_hbm, out0, out1, col_v, w_v, zv, acc, sem):
    cid = lax.axis_index("c")
    sid = lax.axis_index("s")
    wid = cid * NS + sid
    _fill_zero(zv)
    pltpu.sync_copy(zv, acc.at[pl.ds(sid * NSLICE, NSLICE)])
    plsc.subcore_barrier()
    _scatter_chunks(wid, None, col_hbm, w_hbm, None, col_v, w_v,
                    None, None, acc, sem, gather=False)
    plsc.subcore_barrier()
    _writeback(cid, sid, acc, out0, out1)


_deg_call = pl.kernel(
    _deg_body,
    out_type=[jax.ShapeDtypeStruct((NPAD,), jnp.float32)] * 2,
    mesh=_mesh,
    scratch_types=[
        pltpu.VMEM((CHUNK,), jnp.int32),
        pltpu.VMEM((CHUNK,), jnp.float32),
        pltpu.VMEM((NSLICE,), jnp.float32),
        pltpu.VMEM_SHARED((NPAD,), jnp.float32),
        pltpu.SemaphoreType.DMA,
    ],
)


def _make_prop(first):
    if first:
        def body(y_hbm, row_hbm, col_hbm, w_hbm, out0, out1,
                 row_v, col_v, w_v, gath_v, zv, y_sh, acc, sem):
            cid = lax.axis_index("c")
            sid = lax.axis_index("s")
            wid = cid * NS + sid
            sl = pl.ds(sid * NSLICE, NSLICE)
            pltpu.sync_copy(y_hbm.at[sl], zv)
            pltpu.sync_copy(zv, y_sh.at[sl])
            _fill_zero(zv)
            pltpu.sync_copy(zv, acc.at[sl])
            plsc.subcore_barrier()
            _scatter_chunks(wid, row_hbm, col_hbm, w_hbm, row_v, col_v,
                            w_v, gath_v, y_sh, acc, sem, gather=True)
            plsc.subcore_barrier()
            _writeback(cid, sid, acc, out0, out1)

        extra_in = 0
    else:
        def body(alpha_hbm, a0_hbm, a1_hbm, xp_hbm, dis_hbm, dinv_hbm,
                 h_hbm, row_hbm, col_hbm, w_hbm, out0, out1, xn_hbm,
                 row_v, col_v, w_v, gath_v, zv,
                 a0_v, a1_v, xp_v, dis_v, dinv_v, h_v, av,
                 y_sh, acc, sem):
            cid = lax.axis_index("c")
            sid = lax.axis_index("s")
            wid = cid * NS + sid
            sl = pl.ds(sid * NSLICE, NSLICE)
            pltpu.sync_copy(alpha_hbm, av)
            d1 = pltpu.async_copy(a0_hbm.at[sl], a0_v, sem)
            d2 = pltpu.async_copy(a1_hbm.at[sl], a1_v, sem)
            d3 = pltpu.async_copy(xp_hbm.at[sl], xp_v, sem)
            d4 = pltpu.async_copy(dis_hbm.at[sl], dis_v, sem)
            d5 = pltpu.async_copy(dinv_hbm.at[sl], dinv_v, sem)
            d6 = pltpu.async_copy(h_hbm.at[sl], h_v, sem)
            alpha = av[pl.ds(0, L)]
            one_m_alpha = 1.0 - alpha
            d1.wait(); d2.wait(); d3.wait(); d4.wait(); d5.wait(); d6.wait()

            def up_group(g, carry):
                s = pl.ds(g * L, L)
                agg = dis_v[s] * (a0_v[s] + a1_v[s]) + xp_v[s] * dinv_v[s]
                xn = agg * one_m_alpha + alpha * h_v[s]
                xp_v[s] = xn
                a0_v[s] = dis_v[s] * xn
                return carry

            lax.fori_loop(0, NSLICE // L, up_group, 0)
            pltpu.sync_copy(a0_v, y_sh.at[sl])

            @pl.when(cid == 0)
            def _():
                pltpu.sync_copy(xp_v, xn_hbm.at[sl])

            _fill_zero(zv)
            pltpu.sync_copy(zv, acc.at[sl])
            plsc.subcore_barrier()
            _scatter_chunks(wid, row_hbm, col_hbm, w_hbm, row_v, col_v,
                            w_v, gath_v, y_sh, acc, sem, gather=True)
            plsc.subcore_barrier()
            _writeback(cid, sid, acc, out0, out1)

        extra_in = 1

    node_bufs = 6 if not first else 0
    out_types = [jax.ShapeDtypeStruct((NPAD,), jnp.float32)] * 2
    if not first:
        out_types.append(jax.ShapeDtypeStruct((NPAD,), jnp.float32))
    scratch = [
        pltpu.VMEM((CHUNK,), jnp.int32),
        pltpu.VMEM((CHUNK,), jnp.int32),
        pltpu.VMEM((CHUNK,), jnp.float32),
        pltpu.VMEM((CHUNK,), jnp.float32),
        pltpu.VMEM((NSLICE,), jnp.float32),
    ]
    scratch += [pltpu.VMEM((NSLICE,), jnp.float32)] * node_bufs
    if not first:
        scratch.append(pltpu.VMEM((L,), jnp.float32))
    scratch += [
        pltpu.VMEM_SHARED((NPAD,), jnp.float32),
        pltpu.VMEM_SHARED((NPAD,), jnp.float32),
        pltpu.SemaphoreType.DMA,
    ]
    return pl.kernel(
        body,
        out_type=out_types,
        mesh=_mesh,
        scratch_types=scratch,
    )


_prop_first = _make_prop(True)
_prop_rest = _make_prop(False)


_EW_BLK = 25600
_EW_GRID = E // _EW_BLK


def _ew_body(a_ref, w_ref, b_ref, o_ref):
    s = jnp.sum(a_ref[...] * w_ref[...], axis=0) + b_ref[0]
    o_ref[...] = 0.5 * jnp.tanh(0.5 * s) + 0.5


_ew_call = pl.pallas_call(
    _ew_body,
    grid=(_EW_GRID,),
    in_specs=[
        pl.BlockSpec((EDGE_DIM, _EW_BLK), lambda i: (0, i)),
        pl.BlockSpec((EDGE_DIM, 1), lambda i: (0, 0)),
        pl.BlockSpec(memory_space=pltpu.SMEM),
    ],
    out_specs=pl.BlockSpec((_EW_BLK,), lambda i: (i,)),
    out_shape=jax.ShapeDtypeStruct((E,), jnp.float32),
    compiler_params=pltpu.CompilerParams(
        dimension_semantics=("parallel",)),
)


_IX_BLOCK = 25600
_IX_GRID = E // _IX_BLOCK


def _ix_body(ei_ref, row_ref, col_ref):
    row_ref[...] = ei_ref[0, :]
    col_ref[...] = ei_ref[1, :]


_ix_call = pl.pallas_call(
    _ix_body,
    grid=(_IX_GRID,),
    in_specs=[pl.BlockSpec((2, _IX_BLOCK), lambda i: (0, i))],
    out_specs=[
        pl.BlockSpec((_IX_BLOCK,), lambda i: (i,)),
        pl.BlockSpec((_IX_BLOCK,), lambda i: (i,)),
    ],
    out_shape=[
        jax.ShapeDtypeStruct((E,), jnp.int32),
        jax.ShapeDtypeStruct((E,), jnp.int32),
    ],
    compiler_params=pltpu.CompilerParams(
        dimension_semantics=("parallel",)),
)


def _prep_body(p0_ref, p1_ref, m_ref, dis_ref, dinv_ref, h_ref, y_ref):
    deg = p0_ref[...] + p1_ref[...] + 1.0
    dinv = 1.0 / deg
    dis = lax.rsqrt(deg)
    h = jnp.maximum(m_ref[...], 0.0)
    dis_ref[...] = dis
    dinv_ref[...] = dinv
    h_ref[...] = h
    y_ref[...] = dis * h


_prep_call = pl.pallas_call(
    _prep_body,
    out_shape=[jax.ShapeDtypeStruct((NROWS, 128), jnp.float32)] * 4,
)


def _finish_body(alpha_ref, bias_ref, a0_ref, a1_ref, x_ref, dis_ref,
                 dinv_ref, h_ref, o_ref):
    alpha = alpha_ref[0]
    agg = dis_ref[...] * (a0_ref[...] + a1_ref[...]) + x_ref[...] * dinv_ref[...]
    xn = agg * (1.0 - alpha) + alpha * h_ref[...]
    o_ref[...] = jnp.tanh(xn - jax.nn.softplus(bias_ref[0]))


_finish_call = pl.pallas_call(
    _finish_body,
    in_specs=[
        pl.BlockSpec(memory_space=pltpu.SMEM),
        pl.BlockSpec(memory_space=pltpu.SMEM),
    ] + [pl.BlockSpec((NROWS, 128), lambda: (0, 0))] * 6,
    out_shape=jax.ShapeDtypeStruct((NROWS, 128), jnp.float32),
)


def kernel(edge_attr, mask, edge_index, W_edge, b_edge, alpha, bias):
    ei = edge_index.astype(jnp.int32)
    b1 = b_edge.astype(jnp.float32).reshape(1)
    alpha1 = alpha.astype(jnp.float32).reshape(1)
    bias1 = bias.astype(jnp.float32).reshape(1)

    ew = _ew_call(edge_attr.T, W_edge.astype(jnp.float32), b1)
    row, col = _ix_call(ei)

    d0, d1 = _deg_call(col, ew)
    maskp = jnp.pad(mask.reshape(N), (0, NPAD - N)).reshape(NROWS, 128)
    dis, dinv, h, y = _prep_call(d0.reshape(NROWS, 128),
                                 d1.reshape(NROWS, 128), maskp)

    disf = dis.reshape(NPAD)
    dinvf = dinv.reshape(NPAD)
    hf = h.reshape(NPAD)
    a0, a1 = _prop_first(y.reshape(NPAD), row, col, ew)
    x = hf
    alpha16 = jnp.broadcast_to(alpha1, (L,))
    for _ in range(K - 1):
        a0, a1, x = _prop_rest(alpha16, a0, a1, x, disf, dinvf, hf,
                               row, col, ew)

    out = _finish_call(alpha1, bias1, a0.reshape(NROWS, 128),
                       a1.reshape(NROWS, 128), x.reshape(NROWS, 128),
                       dis, dinv, h)
    fill = out.reshape(NPAD)[:N].reshape(N, 1)
    return (fill, ew)

# --- scband reference (transcript-rebuilt; emitter-appended) ---
"""Pipeline reference for scband-edge-mask-18150531792933 (READ-ONLY COPY).

The authoritative reference and input builder live on the scoring server;
editing this copy changes nothing except your own understanding.
"""

import jax, jax.numpy as jnp
import numpy as np

N = 100000
E = 3200000
EDGE_DIM = 16
K = 5


def setup_inputs(seed: int = 0) -> dict:
    key = jax.random.key(seed)
    k1, k2, k3, k4 = jax.random.split(key, 4)
    edge_attr = jax.random.normal(k1, (E, EDGE_DIM), dtype=jnp.float32)
    mask = jax.random.normal(k2, (N, 1), dtype=jnp.float32)
    edge_index = jax.random.randint(k3, (2, E), 0, N)
    W_edge = jax.random.normal(k4, (EDGE_DIM, 1), dtype=jnp.float32) * 0.1
    b_edge = jnp.zeros((1,), dtype=jnp.float32)
    alpha = jnp.asarray(0.001, dtype=jnp.float32)
    bias = jnp.ones((1,), dtype=jnp.float32) * -3.0
    return {
        'edge_attr': edge_attr,
        'mask': mask,
        'edge_index': edge_index,
        'W_edge': W_edge,
        'b_edge': b_edge,
        'alpha': alpha,
        'bias': bias,
    }


def _appnp(x, edge_index, edge_weight, alpha, num_nodes, k_iters):
    # APPNP with default normalize=True: gcn_norm with added self-loops (fill=1)
    row = edge_index[0]
    col = edge_index[1]
    loop = jnp.arange(num_nodes, dtype=row.dtype)
    row_f = jnp.concatenate([row, loop])
    col_f = jnp.concatenate([col, loop])
    w_f = jnp.concatenate([edge_weight, jnp.ones((num_nodes,), dtype=edge_weight.dtype)])
    deg = jnp.zeros((num_nodes,), dtype=w_f.dtype).at[col_f].add(w_f)
    deg_inv_sqrt = jnp.where(deg > 0, jax.lax.rsqrt(jnp.where(deg > 0, deg, 1.0)), 0.0)
    norm = deg_inv_sqrt[row_f] * w_f * deg_inv_sqrt[col_f]
    h = x
    for _ in range(k_iters):
        msg = x[row_f] * norm[:, None]
        agg = jnp.zeros_like(x).at[col_f].add(msg)
        x = agg * (1.0 - alpha) + alpha * h
    return x


def reference(edge_attr, mask, edge_index, W_edge, b_edge, alpha, bias):
    edge_weights = jax.nn.sigmoid(edge_attr @ W_edge + b_edge).reshape(-1)
    fill = jax.nn.relu(mask)
    fill = _appnp(fill, edge_index, edge_weights, alpha, mask.shape[0], K)
    fill = fill - jax.nn.softplus(bias)
    fill = jnp.tanh(fill)
    return (fill, edge_weights)

if __name__ == "__main__":
    import jax
    _d = setup_inputs()
    print(jax.jit(kernel)(*tuple(_d.values())))

</pallas_src>

<mosaic_0001>
#map = affine_map<(d0, d1) -> (0)>
module attributes {stable_mosaic.version = 14 : i64} {
  func.func @body(%arg0: i32, %arg1: i32, %arg2: memref<16xf32, #tpu.memory_space<hbm>>, %arg3: memref<100352xf32, #tpu.memory_space<hbm>>, %arg4: memref<100352xf32, #tpu.memory_space<hbm>>, %arg5: memref<100352xf32, #tpu.memory_space<hbm>>, %arg6: memref<100352xf32, #tpu.memory_space<hbm>>, %arg7: memref<100352xf32, #tpu.memory_space<hbm>>, %arg8: memref<100352xf32, #tpu.memory_space<hbm>>, %arg9: memref<3200000xi32, #tpu.memory_space<hbm>>, %arg10: memref<3200000xi32, #tpu.memory_space<hbm>>, %arg11: memref<3200000xf32, #tpu.memory_space<hbm>>, %arg12: memref<100352xf32, #tpu.memory_space<hbm>>, %arg13: memref<100352xf32, #tpu.memory_space<hbm>>, %arg14: memref<100352xf32, #tpu.memory_space<hbm>>, %arg15: memref<10000xi32, #tpu.memory_space<vmem>>, %arg16: memref<10000xi32, #tpu.memory_space<vmem>>, %arg17: memref<10000xf32, #tpu.memory_space<vmem>>, %arg18: memref<10000xf32, #tpu.memory_space<vmem>>, %arg19: memref<6272xf32, #tpu.memory_space<vmem>>, %arg20: memref<6272xf32, #tpu.memory_space<vmem>>, %arg21: memref<6272xf32, #tpu.memory_space<vmem>>, %arg22: memref<6272xf32, #tpu.memory_space<vmem>>, %arg23: memref<6272xf32, #tpu.memory_space<vmem>>, %arg24: memref<6272xf32, #tpu.memory_space<vmem>>, %arg25: memref<6272xf32, #tpu.memory_space<vmem>>, %arg26: memref<16xf32, #tpu.memory_space<vmem>>, %arg27: memref<100352xf32, #tpu.memory_space<vmem_shared>>, %arg28: memref<100352xf32, #tpu.memory_space<vmem_shared>>, %arg29: memref<!tpu.dma_semaphore, #tpu.memory_space<semaphore_mem>>) attributes {dimension_semantics = [#tpu.dimension_semantics<core_parallel>, #tpu.dimension_semantics<subcore_parallel>], iteration_bounds = array<i64: 2, 16>, scalar_prefetch = 0 : i64, scratch_operands = 15 : i64, tpu.core_type = #tpu.core_type<sc_vector_subcore>, window_params = [{transform_indices = #map}, {transform_indices = #map}, {transform_indices = #map}, {transform_indices = #map}, {transform_indices = #map}, {transform_indices = #map}, {transform_indices = #map}, {transform_indices = #map}, {transform_indices = #map}, {transform_indices = #map}, {transform_indices = #map}, {transform_indices = #map}, {transform_indices = #map}]} {
    %mul3A = arith.constant 16 : i32
    %mul3A_0 = arith.muli %arg0, %mul3A : i32
    %add3A = arith.addi %mul3A_0, %arg1 : i32
    %mul3A_1 = arith.constant 6272 : i32
    %mul3A_2 = arith.muli %arg1, %mul3A_1 : i32
    "tpu.region"() ({
      %run_scoped3A = tpu.sem_alloc : memref<!tpu.dma_semaphore, #tpu.memory_space<semaphore_mem>>
      tpu.enqueue_dma source(%arg2 : memref<16xf32, #tpu.memory_space<hbm>>) target(%arg26 : memref<16xf32, #tpu.memory_space<vmem>>) target_semaphore(%run_scoped3A : memref<!tpu.dma_semaphore, #tpu.memory_space<semaphore_mem>>)
      tpu.wait_dma2 semaphore(%run_scoped3A : memref<!tpu.dma_semaphore, #tpu.memory_space<semaphore_mem>>) src(%arg2 : memref<16xf32, #tpu.memory_space<hbm>>) dst(%arg26 : memref<16xf32, #tpu.memory_space<vmem>>)
      tpu.yield
    }) : () -> ()
    %dma_start3A = tpu.memref_slice %arg3[%mul3A_2] : memref<100352xf32, #tpu.memory_space<hbm>> -> memref<6272xf32, #tpu.memory_space<hbm>>
    %dma_start3A_3 = tpu.memref_slice %arg3[%mul3A_2] : memref<100352xf32, #tpu.memory_space<hbm>> -> memref<6272xf32, #tpu.memory_space<hbm>>
    tpu.enqueue_dma source(%dma_start3A_3 : memref<6272xf32, #tpu.memory_space<hbm>>) target(%arg20 : memref<6272xf32, #tpu.memory_space<vmem>>) target_semaphore(%arg29 : memref<!tpu.dma_semaphore, #tpu.memory_space<semaphore_mem>>)
    %dma_start3A_4 = tpu.memref_slice %arg4[%mul3A_2] : memref<100352xf32, #tpu.memory_space<hbm>> -> memref<6272xf32, #tpu.memory_space<hbm>>
    %dma_start3A_5 = tpu.memref_slice %arg4[%mul3A_2] : memref<100352xf32, #tpu.memory_space<hbm>> -> memref<6272xf32, #tpu.memory_space<hbm>>
    tpu.enqueue_dma source(%dma_start3A_5 : memref<6272xf32, #tpu.memory_space<hbm>>) target(%arg21 : memref<6272xf32, #tpu.memory_space<vmem>>) target_semaphore(%arg29 : memref<!tpu.dma_semaphore, #tpu.memory_space<semaphore_mem>>)
    %dma_start3A_6 = tpu.memref_slice %arg5[%mul3A_2] : memref<100352xf32, #tpu.memory_space<hbm>> -> memref<6272xf32, #tpu.memory_space<hbm>>
    %dma_start3A_7 = tpu.memref_slice %arg5[%mul3A_2] : memref<100352xf32, #tpu.memory_space<hbm>> -> memref<6272xf32, #tpu.memory_space<hbm>>
    tpu.enqueue_dma source(%dma_start3A_7 : memref<6272xf32, #tpu.memory_space<hbm>>) target(%arg22 : memref<6272xf32, #tpu.memory_space<vmem>>) target_semaphore(%arg29 : memref<!tpu.dma_semaphore, #tpu.memory_space<semaphore_mem>>)
    %dma_start3A_8 = tpu.memref_slice %arg6[%mul3A_2] : memref<100352xf32, #tpu.memory_space<hbm>> -> memref<6272xf32, #tpu.memory_space<hbm>>
    %dma_start3A_9 = tpu.memref_slice %arg6[%mul3A_2] : memref<100352xf32, #tpu.memory_space<hbm>> -> memref<6272xf32, #tpu.memory_space<hbm>>
    tpu.enqueue_dma source(%dma_start3A_9 : memref<6272xf32, #tpu.memory_space<hbm>>) target(%arg23 : memref<6272xf32, #tpu.memory_space<vmem>>) target_semaphore(%arg29 : memref<!tpu.dma_semaphore, #tpu.memory_space<semaphore_mem>>)
    %dma_start3A_10 = tpu.memref_slice %arg7[%mul3A_2] : memref<100352xf32, #tpu.memory_space<hbm>> -> memref<6272xf32, #tpu.memory_space<hbm>>
    %dma_start3A_11 = tpu.memref_slice %arg7[%mul3A_2] : memref<100352xf32, #tpu.memory_space<hbm>> -> memref<6272xf32, #tpu.memory_space<hbm>>
    tpu.enqueue_dma source(%dma_start3A_11 : memref<6272xf32, #tpu.memory_space<hbm>>) target(%arg24 : memref<6272xf32, #tpu.memory_space<vmem>>) target_semaphore(%arg29 : memref<!tpu.dma_semaphore, #tpu.memory_space<semaphore_mem>>)
    %dma_start3A_12 = tpu.memref_slice %arg8[%mul3A_2] : memref<100352xf32, #tpu.memory_space<hbm>> -> memref<6272xf32, #tpu.memory_space<hbm>>
    %dma_start3A_13 = tpu.memref_slice %arg8[%mul3A_2] : memref<100352xf32, #tpu.memory_space<hbm>> -> memref<6272xf32, #tpu.memory_space<hbm>>
    tpu.enqueue_dma source(%dma_start3A_13 : memref<6272xf32, #tpu.memory_space<hbm>>) target(%arg25 : memref<6272xf32, #tpu.memory_space<vmem>>) target_semaphore(%arg29 : memref<!tpu.dma_semaphore, #tpu.memory_space<semaphore_mem>>)
    %get3A = arith.constant 0 : index
    %get3A_14 = tpu.vector_load %arg26[%get3A] {strides = array<i32>} : memref<16xf32, #tpu.memory_space<vmem>>, vector<16xf32>,
    %get3A_15 = vector.shape_cast %get3A_14 : vector<16xf32> to vector<16xf32>
    %sub3A = arith.constant 1.000000e+00 : f32
    %sub3A_16 = vector.broadcast %sub3A : f32 to vector<16xf32>
    %sub3A_17 = arith.subf %sub3A_16, %get3A_15 : vector<16xf32>
    %dma_wait3A = tpu.memref_slice %arg3[%mul3A_2] : memref<100352xf32, #tpu.memory_space<hbm>> -> memref<6272xf32, #tpu.memory_space<hbm>>
    %dma_wait3A_18 = tpu.memref_slice %arg3[%mul3A_2] : memref<100352xf32, #tpu.memory_space<hbm>> -> memref<6272xf32, #tpu.memory_space<hbm>>
    tpu.wait_dma2 semaphore(%arg29 : memref<!tpu.dma_semaphore, #tpu.memory_space<semaphore_mem>>) src(%dma_wait3A_18 : memref<6272xf32, #tpu.memory_space<hbm>>) dst(%arg20 : memref<6272xf32, #tpu.memory_space<vmem>>)
    %dma_wait3A_19 = tpu.memref_slice %arg4[%mul3A_2] : memref<100352xf32, #tpu.memory_space<hbm>> -> memref<6272xf32, #tpu.memory_space<hbm>>
    %dma_wait3A_20 = tpu.memref_slice %arg4[%mul3A_2] : memref<100352xf32, #tpu.memory_space<hbm>> -> memref<6272xf32, #tpu.memory_space<hbm>>
    tpu.wait_dma2 semaphore(%arg29 : memref<!tpu.dma_semaphore, #tpu.memory_space<semaphore_mem>>) src(%dma_wait3A_20 : memref<6272xf32, #tpu.memory_space<hbm>>) dst(%arg21 : memref<6272xf32, #tpu.memory_space<vmem>>)
    %dma_wait3A_21 = tpu.memref_slice %arg5[%mul3A_2] : memref<100352xf32, #tpu.memory_space<hbm>> -> memref<6272xf32, #tpu.memory_space<hbm>>
    %dma_wait3A_22 = tpu.memref_slice %arg5[%mul3A_2] : memref<100352xf32, #tpu.memory_space<hbm>> -> memref<6272xf32, #tpu.memory_space<hbm>>
    tpu.wait_dma2 semaphore(%arg29 : memref<!tpu.dma_semaphore, #tpu.memory_space<semaphore_mem>>) src(%dma_wait3A_22 : memref<6272xf32, #tpu.memory_space<hbm>>) dst(%arg22 : memref<6272xf32, #tpu.memory_space<vmem>>)
    %dma_wait3A_23 = tpu.memref_slice %arg6[%mul3A_2] : memref<100352xf32, #tpu.memory_space<hbm>> -> memref<6272xf32, #tpu.memory_space<hbm>>
    %dma_wait3A_24 = tpu.memref_slice %arg6[%mul3A_2] : memref<100352xf32, #tpu.memory_space<hbm>> -> memref<6272xf32, #tpu.memory_space<hbm>>
    tpu.wait_dma2 semaphore(%arg29 : memref<!tpu.dma_semaphore, #tpu.memory_space<semaphore_mem>>) src(%dma_wait3A_24 : memref<6272xf32, #tpu.memory_space<hbm>>) dst(%arg23 : memref<6272xf32, #tpu.memory_space<vmem>>)
    %dma_wait3A_25 = tpu.memref_slice %arg7[%mul3A_2] : memref<100352xf32, #tpu.memory_space<hbm>> -> memref<6272xf32, #tpu.memory_space<hbm>>
    %dma_wait3A_26 = tpu.memref_slice %arg7[%mul3A_2] : memref<100352xf32, #tpu.memory_space<hbm>> -> memref<6272xf32, #tpu.memory_space<hbm>>
    tpu.wait_dma2 semaphore(%arg29 : memref<!tpu.dma_semaphore, #tpu.memory_space<semaphore_mem>>) src(%dma_wait3A_26 : memref<6272xf32, #tpu.memory_space<hbm>>) dst(%arg24 : memref<6272xf32, #tpu.memory_space<vmem>>)
    %dma_wait3A_27 = tpu.memref_slice %arg8[%mul3A_2] : memref<100352xf32, #tpu.memory_space<hbm>> -> memref<6272xf32, #tpu.memory_space<hbm>>
    %dma_wait3A_28 = tpu.memref_slice %arg8[%mul3A_2] : memref<100352xf32, #tpu.memory_space<hbm>> -> memref<6272xf32, #tpu.memory_space<hbm>>
    tpu.wait_dma2 semaphore(%arg29 : memref<!tpu.dma_semaphore, #tpu.memory_space<semaphore_mem>>) src(%dma_wait3A_28 : memref<6272xf32, #tpu.memory_space<hbm>>) dst(%arg25 : memref<6272xf32, #tpu.memory_space<vmem>>)
    %scan3A = arith.constant 0 : i32
    %scan3A_29 = arith.constant 0 : i32
    %scan3A_30 = arith.constant 392 : i32
    %scan3A_31 = arith.addi %scan3A_29, %scan3A_30 : i32
    %scan3A_32 = arith.constant 1 : i32
    scf.for %scan3A_64 = %scan3A_29 to %scan3A_31 step %scan3A_32  : i32 {
      %mul3A_65 = arith.constant 16 : i32
      %mul3A_66 = arith.muli %scan3A_64, %mul3A_65 : i32
      %get3A_67 = arith.index_cast %mul3A_66 : i32 to index
      %get3A_68 = tpu.vector_load %arg23[%get3A_67] {strides = array<i32>} : memref<6272xf32, #tpu.memory_space<vmem>>, vector<16xf32>,
      %get3A_69 = vector.shape_cast %get3A_68 : vector<16xf32> to vector<16xf32>
      %get3A_70 = arith.index_cast %mul3A_66 : i32 to index
      %get3A_71 = tpu.vector_load %arg20[%get3A_70] {strides = array<i32>} : memref<6272xf32, #tpu.memory_space<vmem>>, vector<16xf32>,
      %get3A_72 = vector.shape_cast %get3A_71 : vector<16xf32> to vector<16xf32>
      %get3A_73 = arith.index_cast %mul3A_66 : i32 to index
      %get3A_74 = tpu.vector_load %arg21[%get3A_73] {strides = array<i32>} : memref<6272xf32, #tpu.memory_space<vmem>>, vector<16xf32>,
      %get3A_75 = vector.shape_cast %get3A_74 : vector<16xf32> to vector<16xf32>
      %add3A_76 = arith.addf %get3A_72, %get3A_75 : vector<16xf32>
      %mul3A_77 = arith.mulf %get3A_69, %add3A_76 : vector<16xf32>
      %get3A_78 = arith.index_cast %mul3A_66 : i32 to index
      %get3A_79 = tpu.vector_load %arg22[%get3A_78] {strides = array<i32>} : memref<6272xf32, #tpu.memory_space<vmem>>, vector<16xf32>,
      %get3A_80 = vector.shape_cast %get3A_79 : vector<16xf32> to vector<16xf32>
      %get3A_81 = arith.index_cast %mul3A_66 : i32 to index
      %get3A_82 = tpu.vector_load %arg24[%get3A_81] {strides = array<i32>} : memref<6272xf32, #tpu.memory_space<vmem>>, vector<16xf32>,
      %get3A_83 = vector.shape_cast %get3A_82 : vector<16xf32> to vector<16xf32>
      %mul3A_84 = arith.mulf %get3A_80, %get3A_83 : vector<16xf32>
      %add3A_85 = arith.addf %mul3A_77, %mul3A_84 : vector<16xf32>
      %mul3A_86 = arith.mulf %add3A_85, %sub3A_17 : vector<16xf32>
      %get3A_87 = arith.index_cast %mul3A_66 : i32 to index
      %get3A_88 = tpu.vector_load %arg25[%get3A_87] {strides = array<i32>} : memref<6272xf32, #tpu.memory_space<vmem>>, vector<16xf32>,
      %get3A_89 = vector.shape_cast %get3A_88 : vector<16xf32> to vector<16xf32>
      %mul3A_90 = arith.mulf %get3A_15, %get3A_89 : vector<16xf32>
      %add3A_91 = arith.addf %mul3A_86, %mul3A_90 : vector<16xf32>
      %swap3A = arith.index_cast %mul3A_66 : i32 to index
      %swap3A_92 = tpu.vector_load %arg22[%swap3A] {strides = array<i32>} : memref<6272xf32, #tpu.memory_space<vmem>>, vector<16xf32>,
      %swap3A_93 = vector.shape_cast %swap3A_92 : vector<16xf32> to vector<16xf32>
      %swap3A_94 = vector.shape_cast %add3A_91 : vector<16xf32> to vector<16xf32>
      tpu.vector_store %arg22[%swap3A], %swap3A_94 {strides = array<i32>} : memref<6272xf32, #tpu.memory_space<vmem>>, vector<16xf32>,
      %get3A_95 = arith.index_cast %mul3A_66 : i32 to index
      %get3A_96 = tpu.vector_load %arg23[%get3A_95] {strides = array<i32>} : memref<6272xf32, #tpu.memory_space<vmem>>, vector<16xf32>,
      %get3A_97 = vector.shape_cast %get3A_96 : vector<16xf32> to vector<16xf32>
      %mul3A_98 = arith.mulf %get3A_97, %add3A_91 : vector<16xf32>
      %swap3A_99 = arith.index_cast %mul3A_66 : i32 to index
      %swap3A_100 = tpu.vector_load %arg20[%swap3A_99] {strides = array<i32>} : memref<6272xf32, #tpu.memory_space<vmem>>, vector<16xf32>,
      %swap3A_101 = vector.shape_cast %swap3A_100 : vector<16xf32> to vector<16xf32>
      %swap3A_102 = vector.shape_cast %mul3A_98 : vector<16xf32> to vector<16xf32>
      tpu.vector_store %arg20[%swap3A_99], %swap3A_102 {strides = array<i32>} : memref<6272xf32, #tpu.memory_space<vmem>>, vector<16xf32>,
    }
    %scan3A_33 = arith.constant 392 : i32
    "tpu.region"() ({
      %run_scoped3A = tpu.sem_alloc : memref<!tpu.dma_semaphore, #tpu.memory_space<semaphore_mem>>
      %dma_start3A_64 = tpu.memref_slice %arg27[%mul3A_2] : memref<100352xf32, #tpu.memory_space<vmem_shared>> -> memref<6272xf32, #tpu.memory_space<vmem_shared>>
      %dma_start3A_65 = tpu.memref_slice %arg27[%mul3A_2] : memref<100352xf32, #tpu.memory_space<vmem_shared>> -> memref<6272xf32, #tpu.memory_space<vmem_shared>>
      tpu.enqueue_dma source(%arg20 : memref<6272xf32, #tpu.memory_space<vmem>>) target(%dma_start3A_65 : memref<6272xf32, #tpu.memory_space<vmem_shared>>) target_semaphore(%run_scoped3A : memref<!tpu.dma_semaphore, #tpu.memory_space<semaphore_mem>>)
      %dma_wait3A_66 = tpu.memref_slice %arg27[%mul3A_2] : memref<100352xf32, #tpu.memory_space<vmem_shared>> -> memref<6272xf32, #tpu.memory_space<vmem_shared>>
      %dma_wait3A_67 = tpu.memref_slice %arg27[%mul3A_2] : memref<100352xf32, #tpu.memory_space<vmem_shared>> -> memref<6272xf32, #tpu.memory_space<vmem_shared>>
      tpu.wait_dma2 semaphore(%run_scoped3A : memref<!tpu.dma_semaphore, #tpu.memory_space<semaphore_mem>>) src(%arg20 : memref<6272xf32, #tpu.memory_space<vmem>>) dst(%dma_wait3A_67 : memref<6272xf32, #tpu.memory_space<vmem_shared>>)
      tpu.yield
    }) : () -> ()
    %eq3A = arith.constant 0 : i32
    %eq3A_34 = arith.cmpi eq, %arg0, %eq3A : i32
    %convert_element_type3A = arith.extui %eq3A_34 : i1 to i32
    %cond3A = arith.constant 0 : i32
    %cond3A_35 = arith.cmpi ne, %convert_element_type3A, %cond3A : i32
    scf.if %cond3A_35 {
      "tpu.region"() ({
        %run_scoped3A = tpu.sem_alloc : memref<!tpu.dma_semaphore, #tpu.memory_space<semaphore_mem>>
        %dma_start3A_64 = tpu.memref_slice %arg14[%mul3A_2] : memref<100352xf32, #tpu.memory_space<hbm>> -> memref<6272xf32, #tpu.memory_space<hbm>>
        %dma_start3A_65 = tpu.memref_slice %arg14[%mul3A_2] : memref<100352xf32, #tpu.memory_space<hbm>> -> memref<6272xf32, #tpu.memory_space<hbm>>
        tpu.enqueue_dma source(%arg22 : memref<6272xf32, #tpu.memory_space<vmem>>) target(%dma_start3A_65 : memref<6272xf32, #tpu.memory_space<hbm>>) target_semaphore(%run_scoped3A : memref<!tpu.dma_semaphore, #tpu.memory_space<semaphore_mem>>)
        %dma_wait3A_66 = tpu.memref_slice %arg14[%mul3A_2] : memref<100352xf32, #tpu.memory_space<hbm>> -> memref<6272xf32, #tpu.memory_space<hbm>>
        %dma_wait3A_67 = tpu.memref_slice %arg14[%mul3A_2] : memref<100352xf32, #tpu.memory_space<hbm>> -> memref<6272xf32, #tpu.memory_space<hbm>>
        tpu.wait_dma2 semaphore(%run_scoped3A : memref<!tpu.dma_semaphore, #tpu.memory_space<semaphore_mem>>) src(%arg22 : memref<6272xf32, #tpu.memory_space<vmem>>) dst(%dma_wait3A_67 : memref<6272xf32, #tpu.memory_space<hbm>>)
        tpu.yield
      }) : () -> ()
    } else {
    }
    %broadcast_in_dim3A = arith.constant 0.000000e+00 : f32
    %broadcast_in_dim3A_36 = vector.broadcast %broadcast_in_dim3A : f32 to vector<16xf32>
    %scan3A_37 = arith.constant 0 : i32
    %scan3A_38 = arith.constant 0 : i32
    %scan3A_39 = arith.constant 392 : i32
    %scan3A_40 = arith.addi %scan3A_38, %scan3A_39 : i32
    %scan3A_41 = arith.constant 1 : i32
    scf.for %scan3A_64 = %scan3A_38 to %scan3A_40 step %scan3A_41  : i32 {
      %mul3A_65 = arith.constant 16 : i32
      %mul3A_66 = arith.muli %scan3A_64, %mul3A_65 : i32
      %swap3A = arith.index_cast %mul3A_66 : i32 to index
      %swap3A_67 = tpu.vector_load %arg19[%swap3A] {strides = array<i32>} : memref<6272xf32, #tpu.memory_space<vmem>>, vector<16xf32>,
      %swap3A_68 = vector.shape_cast %swap3A_67 : vector<16xf32> to vector<16xf32>
      %swap3A_69 = vector.shape_cast %broadcast_in_dim3A_36 : vector<16xf32> to vector<16xf32>
      tpu.vector_store %arg19[%swap3A], %swap3A_69 {strides = array<i32>} : memref<6272xf32, #tpu.memory_space<vmem>>, vector<16xf32>,
    }
    %scan3A_42 = arith.constant 392 : i32
    "tpu.region"() ({
      %run_scoped3A = tpu.sem_alloc : memref<!tpu.dma_semaphore, #tpu.memory_space<semaphore_mem>>
      %dma_start3A_64 = tpu.memref_slice %arg28[%mul3A_2] : memref<100352xf32, #tpu.memory_space<vmem_shared>> -> memref<6272xf32, #tpu.memory_space<vmem_shared>>
      %dma_start3A_65 = tpu.memref_slice %arg28[%mul3A_2] : memref<100352xf32, #tpu.memory_space<vmem_shared>> -> memref<6272xf32, #tpu.memory_space<vmem_shared>>
      tpu.enqueue_dma source(%arg19 : memref<6272xf32, #tpu.memory_space<vmem>>) target(%dma_start3A_65 : memref<6272xf32, #tpu.memory_space<vmem_shared>>) target_semaphore(%run_scoped3A : memref<!tpu.dma_semaphore, #tpu.memory_space<semaphore_mem>>)
      %dma_wait3A_66 = tpu.memref_slice %arg28[%mul3A_2] : memref<100352xf32, #tpu.memory_space<vmem_shared>> -> memref<6272xf32, #tpu.memory_space<vmem_shared>>
      %dma_wait3A_67 = tpu.memref_slice %arg28[%mul3A_2] : memref<100352xf32, #tpu.memory_space<vmem_shared>> -> memref<6272xf32, #tpu.memory_space<vmem_shared>>
      tpu.wait_dma2 semaphore(%run_scoped3A : memref<!tpu.dma_semaphore, #tpu.memory_space<semaphore_mem>>) src(%arg19 : memref<6272xf32, #tpu.memory_space<vmem>>) dst(%dma_wait3A_67 : memref<6272xf32, #tpu.memory_space<vmem_shared>>)
      tpu.yield
    }) : () -> ()
    %barrier3A = arith.constant 0 : index
    tpu.barrier barrier_id(%barrier3A)
    %mul3A_43 = arith.constant 100000 : i32
    %mul3A_44 = arith.muli %add3A, %mul3A_43 : i32
    %scan3A_45 = arith.constant 0 : i32
    %scan3A_46 = arith.constant 0 : i32
    %scan3A_47 = arith.constant 10 : i32
    %scan3A_48 = arith.addi %scan3A_46, %scan3A_47 : i32
    %scan3A_49 = arith.constant 1 : i32
    scf.for %scan3A_64 = %scan3A_46 to %scan3A_48 step %scan3A_49  : i32 {
      %mul3A_65 = arith.constant 10000 : i32
      %mul3A_66 = arith.muli %scan3A_64, %mul3A_65 : i32
      %add3A_67 = arith.addi %mul3A_44, %mul3A_66 : i32
      %dma_start3A_68 = tpu.memref_slice %arg9[%add3A_67] : memref<3200000xi32, #tpu.memory_space<hbm>> -> memref<10000xi32, #tpu.memory_space<hbm>>
      %dma_start3A_69 = tpu.memref_slice %arg9[%add3A_67] : memref<3200000xi32, #tpu.memory_space<hbm>> -> memref<10000xi32, #tpu.memory_space<hbm>>
      tpu.enqueue_dma source(%dma_start3A_69 : memref<10000xi32, #tpu.memory_space<hbm>>) target(%arg15 : memref<10000xi32, #tpu.memory_space<vmem>>) target_semaphore(%arg29 : memref<!tpu.dma_semaphore, #tpu.memory_space<semaphore_mem>>)
      %dma_start3A_70 = tpu.memref_slice %arg11[%add3A_67] : memref<3200000xf32, #tpu.memory_space<hbm>> -> memref<10000xf32, #tpu.memory_space<hbm>>
      %dma_start3A_71 = tpu.memref_slice %arg11[%add3A_67] : memref<3200000xf32, #tpu.memory_space<hbm>> -> memref<10000xf32, #tpu.memory_space<hbm>>
      tpu.enqueue_dma source(%dma_start3A_71 : memref<10000xf32, #tpu.memory_space<hbm>>) target(%arg17 : memref<10000xf32, #tpu.memory_space<vmem>>) target_semaphore(%arg29 : memref<!tpu.dma_semaphore, #tpu.memory_space<semaphore_mem>>)
      %dma_start3A_72 = tpu.memref_slice %arg10[%add3A_67] : memref<3200000xi32, #tpu.memory_space<hbm>> -> memref<10000xi32, #tpu.memory_space<hbm>>
      %dma_start3A_73 = tpu.memref_slice %arg10[%add3A_67] : memref<3200000xi32, #tpu.memory_space<hbm>> -> memref<10000xi32, #tpu.memory_space<hbm>>
      tpu.enqueue_dma source(%dma_start3A_73 : memref<10000xi32, #tpu.memory_space<hbm>>) target(%arg16 : memref<10000xi32, #tpu.memory_space<vmem>>) target_semaphore(%arg29 : memref<!tpu.dma_semaphore, #tpu.memory_space<semaphore_mem>>)
      %dma_wait3A_74 = tpu.memref_slice %arg9[%add3A_67] : memref<3200000xi32, #tpu.memory_space<hbm>> -> memref<10000xi32, #tpu.memory_space<hbm>>
      %dma_wait3A_75 = tpu.memref_slice %arg9[%add3A_67] : memref<3200000xi32, #tpu.memory_space<hbm>> -> memref<10000xi32, #tpu.memory_space<hbm>>
      tpu.wait_dma2 semaphore(%arg29 : memref<!tpu.dma_semaphore, #tpu.memory_space<semaphore_mem>>) src(%dma_wait3A_75 : memref<10000xi32, #tpu.memory_space<hbm>>) dst(%arg15 : memref<10000xi32, #tpu.memory_space<vmem>>)
      "tpu.region"() ({
        %run_scoped3A = tpu.sem_alloc : memref<!tpu.dma_semaphore, #tpu.memory_space<semaphore_mem>>
        %dma_start3A_86 = arith.constant 0 : i32
        %dma_start3A_87 = tpu.memref_slice %arg27[%dma_start3A_86] : memref<100352xf32, #tpu.memory_space<vmem_shared>> -> memref<100352xf32, #tpu.memory_space<vmem_shared>>
        tpu.enqueue_indirect_dma source(%dma_start3A_87 : memref<100352xf32, #tpu.memory_space<vmem_shared>>) target(%arg18 : memref<10000xf32, #tpu.memory_space<vmem>>) offsets(%arg15 : memref<10000xi32, #tpu.memory_space<vmem>>) semaphore(%run_scoped3A : memref<!tpu.dma_semaphore, #tpu.memory_space<semaphore_mem>>)
        %dma_wait3A_88 = arith.constant 0 : i32
        %dma_wait3A_89 = tpu.memref_slice %arg27[%dma_wait3A_88] : memref<100352xf32, #tpu.memory_space<vmem_shared>> -> memref<100352xf32, #tpu.memory_space<vmem_shared>>
        tpu.wait_indirect_dma semaphore(%run_scoped3A : memref<!tpu.dma_semaphore, #tpu.memory_space<semaphore_mem>>) src(%dma_wait3A_89 : memref<100352xf32, #tpu.memory_space<vmem_shared>>) dst(%arg18 : memref<10000xf32, #tpu.memory_space<vmem>>)
        tpu.yield
      }) : () -> ()
      %dma_wait3A_76 = tpu.memref_slice %arg11[%add3A_67] : memref<3200000xf32, #tpu.memory_space<hbm>> -> memref<10000xf32, #tpu.memory_space<hbm>>
      %dma_wait3A_77 = tpu.memref_slice %arg11[%add3A_67] : memref<3200000xf32, #tpu.memory_space<hbm>> -> memref<10000xf32, #tpu.memory_space<hbm>>
      tpu.wait_dma2 semaphore(%arg29 : memref<!tpu.dma_semaphore, #tpu.memory_space<semaphore_mem>>) src(%dma_wait3A_77 : memref<10000xf32, #tpu.memory_space<hbm>>) dst(%arg17 : memref<10000xf32, #tpu.memory_space<vmem>>)
      %scan3A_78 = arith.constant 0 : i32
      %scan3A_79 = arith.constant 0 : i32
      %scan3A_80 = arith.constant 625 : i32
      %scan3A_81 = arith.addi %scan3A_79, %scan3A_80 : i32
      %scan3A_82 = arith.constant 1 : i32
      scf.for %scan3A_86 = %scan3A_79 to %scan3A_81 step %scan3A_82  : i32 {
        %mul3A_87 = arith.constant 16 : i32
        %mul3A_88 = arith.muli %scan3A_86, %mul3A_87 : i32
        %get3A_89 = arith.index_cast %mul3A_88 : i32 to index
        %get3A_90 = tpu.vector_load %arg18[%get3A_89] {strides = array<i32>} : memref<10000xf32, #tpu.memory_space<vmem>>, vector<16xf32>,
        %get3A_91 = vector.shape_cast %get3A_90 : vector<16xf32> to vector<16xf32>
        %get3A_92 = arith.index_cast %mul3A_88 : i32 to index
        %get3A_93 = tpu.vector_load %arg17[%get3A_92] {strides = array<i32>} : memref<10000xf32, #tpu.memory_space<vmem>>, vector<16xf32>,
        %get3A_94 = vector.shape_cast %get3A_93 : vector<16xf32> to vector<16xf32>
        %mul3A_95 = arith.mulf %get3A_91, %get3A_94 : vector<16xf32>
        %swap3A = arith.index_cast %mul3A_88 : i32 to index
        %swap3A_96 = tpu.vector_load %arg18[%swap3A] {strides = array<i32>} : memref<10000xf32, #tpu.memory_space<vmem>>, vector<16xf32>,
        %swap3A_97 = vector.shape_cast %swap3A_96 : vector<16xf32> to vector<16xf32>
        %swap3A_98 = vector.shape_cast %mul3A_95 : vector<16xf32> to vector<16xf32>
        tpu.vector_store %arg18[%swap3A], %swap3A_98 {strides = array<i32>} : memref<10000xf32, #tpu.memory_space<vmem>>, vector<16xf32>,
      }
      %scan3A_83 = arith.constant 625 : i32
      %dma_wait3A_84 = tpu.memref_slice %arg10[%add3A_67] : memref<3200000xi32, #tpu.memory_space<hbm>> -> memref<10000xi32, #tpu.memory_space<hbm>>
      %dma_wait3A_85 = tpu.memref_slice %arg10[%add3A_67] : memref<3200000xi32, #tpu.memory_space<hbm>> -> memref<10000xi32, #tpu.memory_space<hbm>>
      tpu.wait_dma2 semaphore(%arg29 : memref<!tpu.dma_semaphore, #tpu.memory_space<semaphore_mem>>) src(%dma_wait3A_85 : memref<10000xi32, #tpu.memory_space<hbm>>) dst(%arg16 : memref<10000xi32, #tpu.memory_space<vmem>>)
      "tpu.region"() ({
        %run_scoped3A = tpu.sem_alloc : memref<!tpu.dma_semaphore, #tpu.memory_space<semaphore_mem>>
        %dma_start3A_86 = arith.constant 0 : i32
        %dma_start3A_87 = tpu.memref_slice %arg28[%dma_start3A_86] : memref<100352xf32, #tpu.memory_space<vmem_shared>> -> memref<100352xf32, #tpu.memory_space<vmem_shared>>
        tpu.enqueue_indirect_dma source(%arg18 : memref<10000xf32, #tpu.memory_space<vmem>>) target(%dma_start3A_87 : memref<100352xf32, #tpu.memory_space<vmem_shared>>) offsets(%arg16 : memref<10000xi32, #tpu.memory_space<vmem>>) semaphore(%run_scoped3A : memref<!tpu.dma_semaphore, #tpu.memory_space<semaphore_mem>>) {add = true}
        %dma_wait3A_88 = arith.constant 0 : i32
        %dma_wait3A_89 = tpu.memref_slice %arg28[%dma_wait3A_88] : memref<100352xf32, #tpu.memory_space<vmem_shared>> -> memref<100352xf32, #tpu.memory_space<vmem_shared>>
        tpu.wait_indirect_dma semaphore(%run_scoped3A : memref<!tpu.dma_semaphore, #tpu.memory_space<semaphore_mem>>) src(%arg18 : memref<10000xf32, #tpu.memory_space<vmem>>) dst(%dma_wait3A_89 : memref<100352xf32, #tpu.memory_space<vmem_shared>>)
        tpu.yield
      }) : () -> ()
    }
    %scan3A_50 = arith.constant 10 : i32
    %barrier3A_51 = arith.constant 0 : index
    tpu.barrier barrier_id(%barrier3A_51)
    %mul3A_52 = arith.constant 6272 : i32
    %mul3A_53 = arith.muli %arg1, %mul3A_52 : i32
    %eq3A_54 = arith.constant 0 : i32
    %eq3A_55 = arith.cmpi eq, %arg0, %eq3A_54 : i32
    %convert_element_type3A_56 = arith.extui %eq3A_55 : i1 to i32
    %cond3A_57 = arith.constant 0 : i32
    %cond3A_58 = arith.cmpi ne, %convert_element_type3A_56, %cond3A_57 : i32
    scf.if %cond3A_58 {
      "tpu.region"() ({
        %run_scoped3A = tpu.sem_alloc : memref<!tpu.dma_semaphore, #tpu.memory_space<semaphore_mem>>
        %dma_start3A_64 = tpu.memref_slice %arg12[%mul3A_53] : memref<100352xf32, #tpu.memory_space<hbm>> -> memref<6272xf32, #tpu.memory_space<hbm>>
        %dma_start3A_65 = tpu.memref_slice %arg28[%mul3A_53] : memref<100352xf32, #tpu.memory_space<vmem_shared>> -> memref<6272xf32, #tpu.memory_space<vmem_shared>>
        tpu.enqueue_dma source(%dma_start3A_65 : memref<6272xf32, #tpu.memory_space<vmem_shared>>) target(%dma_start3A_64 : memref<6272xf32, #tpu.memory_space<hbm>>) target_semaphore(%run_scoped3A : memref<!tpu.dma_semaphore, #tpu.memory_space<semaphore_mem>>)
        %dma_wait3A_66 = tpu.memref_slice %arg12[%mul3A_53] : memref<100352xf32, #tpu.memory_space<hbm>> -> memref<6272xf32, #tpu.memory_space<hbm>>
        %dma_wait3A_67 = tpu.memref_slice %arg28[%mul3A_53] : memref<100352xf32, #tpu.memory_space<vmem_shared>> -> memref<6272xf32, #tpu.memory_space<vmem_shared>>
        tpu.wait_dma2 semaphore(%run_scoped3A : memref<!tpu.dma_semaphore, #tpu.memory_space<semaphore_mem>>) src(%dma_wait3A_67 : memref<6272xf32, #tpu.memory_space<vmem_shared>>) dst(%dma_wait3A_66 : memref<6272xf32, #tpu.memory_space<hbm>>)
        tpu.yield
      }) : () -> ()
    } else {
    }
    %eq3A_59 = arith.constant 1 : i32
    %eq3A_60 = arith.cmpi eq, %arg0, %eq3A_59 : i32
    %convert_element_type3A_61 = arith.extui %eq3A_60 : i1 to i32
    %cond3A_62 = arith.constant 0 : i32
    %cond3A_63 = arith.cmpi ne, %convert_element_type3A_61, %cond3A_62 : i32
    scf.if %cond3A_63 {
      "tpu.region"() ({
        %run_scoped3A = tpu.sem_alloc : memref<!tpu.dma_semaphore, #tpu.memory_space<semaphore_mem>>
        %dma_start3A_64 = tpu.memref_slice %arg13[%mul3A_53] : memref<100352xf32, #tpu.memory_space<hbm>> -> memref<6272xf32, #tpu.memory_space<hbm>>
        %dma_start3A_65 = tpu.memref_slice %arg28[%mul3A_53] : memref<100352xf32, #tpu.memory_space<vmem_shared>> -> memref<6272xf32, #tpu.memory_space<vmem_shared>>
        tpu.enqueue_dma source(%dma_start3A_65 : memref<6272xf32, #tpu.memory_space<vmem_shared>>) target(%dma_start3A_64 : memref<6272xf32, #tpu.memory_space<hbm>>) target_semaphore(%run_scoped3A : memref<!tpu.dma_semaphore, #tpu.memory_space<semaphore_mem>>)
        %dma_wait3A_66 = tpu.memref_slice %arg13[%mul3A_53] : memref<100352xf32, #tpu.memory_space<hbm>> -> memref<6272xf32, #tpu.memory_space<hbm>>
        %dma_wait3A_67 = tpu.memref_slice %arg28[%mul3A_53] : memref<100352xf32, #tpu.memory_space<vmem_shared>> -> memref<6272xf32, #tpu.memory_space<vmem_shared>>
        tpu.wait_dma2 semaphore(%run_scoped3A : memref<!tpu.dma_semaphore, #tpu.memory_space<semaphore_mem>>) src(%dma_wait3A_67 : memref<6272xf32, #tpu.memory_space<vmem_shared>>) dst(%dma_wait3A_66 : memref<6272xf32, #tpu.memory_space<hbm>>)
        tpu.yield
      }) : () -> ()
    } else {
    }
    return
  }
}

#map = affine_map<(d0, d1) -> (0)>
module attributes {stable_mosaic.version = 14 : i64} {
  func.func @body(%arg0: i32, %arg1: i32, %arg2: memref<16xf32, #tpu.memory_space<hbm>>, %arg3: memref<100352xf32, #tpu.memory_space<hbm>>, %arg4: memref<100352xf32, #tpu.memory_space<hbm>>, %arg5: memref<100352xf32, #tpu.memory_space<hbm>>, %arg6: memref<100352xf32, #tpu.memory_space<hbm>>, %arg7: memref<100352xf32, #tpu.memory_space<hbm>>, %arg8: memref<100352xf32, #tpu.memory_space<hbm>>, %arg9: memref<3200000xi32, #tpu.memory_space<hbm>>, %arg10: memref<3200000xi32, #tpu.memory_space<hbm>>, %arg11: memref<3200000xf32, #tpu.memory_space<hbm>>, %arg12: memref<100352xf32, #tpu.memory_space<hbm>>, %arg13: memref<100352xf32, #tpu.memory_space<hbm>>, %arg14: memref<100352xf32, #tpu.memory_space<hbm>>, %arg15: memref<10000xi32, #tpu.memory_space<vmem>>, %arg16: memref<10000xi32, #tpu.memory_space<vmem>>, %arg17: memref<10000xf32, #tpu.memory_space<vmem>>, %arg18: memref<10000xf32, #tpu.memory_space<vmem>>, %arg19: memref<6272xf32, #tpu.memory_space<vmem>>, %arg20: memref<6272xf32, #tpu.memory_space<vmem>>, %arg21: memref<6272xf32, #tpu.memory_space<vmem>>, %arg22: memref<6272xf32, #tpu.memory_space<vmem>>, %arg23: memref<6272xf32, #tpu.memory_space<vmem>>, %arg24: memref<6272xf32, #tpu.memory_space<vmem>>, %arg25: memref<6272xf32, #tpu.memory_space<vmem>>, %arg26: memref<16xf32, #tpu.memory_space<vmem>>, %arg27: memref<100352xf32, #tpu.memory_space<vmem_shared>>, %arg28: memref<100352xf32, #tpu.memory_space<vmem_shared>>, %arg29: memref<!tpu.dma_semaphore, #tpu.memory_space<semaphore_mem>>) attributes {dimension_semantics = [#tpu.dimension_semantics<core_parallel>, #tpu.dimension_semantics<subcore_parallel>], iteration_bounds = array<i64: 2, 16>, scalar_prefetch = 0 : i64, scratch_operands = 15 : i64, tpu.core_type = #tpu.core_type<sc_vector_subcore>, window_params = [{transform_indices = #map}, {transform_indices = #map}, {transform_indices = #map}, {transform_indices = #map}, {transform_indices = #map}, {transform_indices = #map}, {transform_indices = #map}, {transform_indices = #map}, {transform_indices = #map}, {transform_indices = #map}, {transform_indices = #map}, {transform_indices = #map}, {transform_indices = #map}]} {
    %mul3A = arith.constant 16 : i32
    %mul3A_0 = arith.muli %arg0, %mul3A : i32
    %add3A = arith.addi %mul3A_0, %arg1 : i32
    %mul3A_1 = arith.constant 6272 : i32
    %mul3A_2 = arith.muli %arg1, %mul3A_1 : i32
    "tpu.region"() ({
      %run_scoped3A = tpu.sem_alloc : memref<!tpu.dma_semaphore, #tpu.memory_space<semaphore_mem>>
      tpu.enqueue_dma source(%arg2 : memref<16xf32, #tpu.memory_space<hbm>>) target(%arg26 : memref<16xf32, #tpu.memory_space<vmem>>) target_semaphore(%run_scoped3A : memref<!tpu.dma_semaphore, #tpu.memory_space<semaphore_mem>>)
      tpu.wait_dma2 semaphore(%run_scoped3A : memref<!tpu.dma_semaphore, #tpu.memory_space<semaphore_mem>>) src(%arg2 : memref<16xf32, #tpu.memory_space<hbm>>) dst(%arg26 : memref<16xf32, #tpu.memory_space<vmem>>)
      tpu.yield
    }) : () -> ()
    %dma_start3A = tpu.memref_slice %arg3[%mul3A_2] : memref<100352xf32, #tpu.memory_space<hbm>> -> memref<6272xf32, #tpu.memory_space<hbm>>
    %dma_start3A_3 = tpu.memref_slice %arg3[%mul3A_2] : memref<100352xf32, #tpu.memory_space<hbm>> -> memref<6272xf32, #tpu.memory_space<hbm>>
    tpu.enqueue_dma source(%dma_start3A_3 : memref<6272xf32, #tpu.memory_space<hbm>>) target(%arg20 : memref<6272xf32, #tpu.memory_space<vmem>>) target_semaphore(%arg29 : memref<!tpu.dma_semaphore, #tpu.memory_space<semaphore_mem>>)
    %dma_start3A_4 = tpu.memref_slice %arg4[%mul3A_2] : memref<100352xf32, #tpu.memory_space<hbm>> -> memref<6272xf32, #tpu.memory_space<hbm>>
    %dma_start3A_5 = tpu.memref_slice %arg4[%mul3A_2] : memref<100352xf32, #tpu.memory_space<hbm>> -> memref<6272xf32, #tpu.memory_space<hbm>>
    tpu.enqueue_dma source(%dma_start3A_5 : memref<6272xf32, #tpu.memory_space<hbm>>) target(%arg21 : memref<6272xf32, #tpu.memory_space<vmem>>) target_semaphore(%arg29 : memref<!tpu.dma_semaphore, #tpu.memory_space<semaphore_mem>>)
    %dma_start3A_6 = tpu.memref_slice %arg5[%mul3A_2] : memref<100352xf32, #tpu.memory_space<hbm>> -> memref<6272xf32, #tpu.memory_space<hbm>>
    %dma_start3A_7 = tpu.memref_slice %arg5[%mul3A_2] : memref<100352xf32, #tpu.memory_space<hbm>> -> memref<6272xf32, #tpu.memory_space<hbm>>
    tpu.enqueue_dma source(%dma_start3A_7 : memref<6272xf32, #tpu.memory_space<hbm>>) target(%arg22 : memref<6272xf32, #tpu.memory_space<vmem>>) target_semaphore(%arg29 : memref<!tpu.dma_semaphore, #tpu.memory_space<semaphore_mem>>)
    %dma_start3A_8 = tpu.memref_slice %arg6[%mul3A_2] : memref<100352xf32, #tpu.memory_space<hbm>> -> memref<6272xf32, #tpu.memory_space<hbm>>
    %dma_start3A_9 = tpu.memref_slice %arg6[%mul3A_2] : memref<100352xf32, #tpu.memory_space<hbm>> -> memref<6272xf32, #tpu.memory_space<hbm>>
    tpu.enqueue_dma source(%dma_start3A_9 : memref<6272xf32, #tpu.memory_space<hbm>>) target(%arg23 : memref<6272xf32, #tpu.memory_space<vmem>>) target_semaphore(%arg29 : memref<!tpu.dma_semaphore, #tpu.memory_space<semaphore_mem>>)
    %dma_start3A_10 = tpu.memref_slice %arg7[%mul3A_2] : memref<100352xf32, #tpu.memory_space<hbm>> -> memref<6272xf32, #tpu.memory_space<hbm>>
    %dma_start3A_11 = tpu.memref_slice %arg7[%mul3A_2] : memref<100352xf32, #tpu.memory_space<hbm>> -> memref<6272xf32, #tpu.memory_space<hbm>>
    tpu.enqueue_dma source(%dma_start3A_11 : memref<6272xf32, #tpu.memory_space<hbm>>) target(%arg24 : memref<6272xf32, #tpu.memory_space<vmem>>) target_semaphore(%arg29 : memref<!tpu.dma_semaphore, #tpu.memory_space<semaphore_mem>>)
    %dma_start3A_12 = tpu.memref_slice %arg8[%mul3A_2] : memref<100352xf32, #tpu.memory_space<hbm>> -> memref<6272xf32, #tpu.memory_space<hbm>>
    %dma_start3A_13 = tpu.memref_slice %arg8[%mul3A_2] : memref<100352xf32, #tpu.memory_space<hbm>> -> memref<6272xf32, #tpu.memory_space<hbm>>
    tpu.enqueue_dma source(%dma_start3A_13 : memref<6272xf32, #tpu.memory_space<hbm>>) target(%arg25 : memref<6272xf32, #tpu.memory_space<vmem>>) target_semaphore(%arg29 : memref<!tpu.dma_semaphore, #tpu.memory_space<semaphore_mem>>)
    %get3A = arith.constant 0 : index
    %get3A_14 = tpu.vector_load %arg26[%get3A] {strides = array<i32>} : memref<16xf32, #tpu.memory_space<vmem>>, vector<16xf32>,
    %get3A_15 = vector.shape_cast %get3A_14 : vector<16xf32> to vector<16xf32>
    %sub3A = arith.constant 1.000000e+00 : f32
    %sub3A_16 = vector.broadcast %sub3A : f32 to vector<16xf32>
    %sub3A_17 = arith.subf %sub3A_16, %get3A_15 : vector<16xf32>
    %dma_wait3A = tpu.memref_slice %arg3[%mul3A_2] : memref<100352xf32, #tpu.memory_space<hbm>> -> memref<6272xf32, #tpu.memory_space<hbm>>
    %dma_wait3A_18 = tpu.memref_slice %arg3[%mul3A_2] : memref<100352xf32, #tpu.memory_space<hbm>> -> memref<6272xf32, #tpu.memory_space<hbm>>
    tpu.wait_dma2 semaphore(%arg29 : memref<!tpu.dma_semaphore, #tpu.memory_space<semaphore_mem>>) src(%dma_wait3A_18 : memref<6272xf32, #tpu.memory_space<hbm>>) dst(%arg20 : memref<6272xf32, #tpu.memory_space<vmem>>)
    %dma_wait3A_19 = tpu.memref_slice %arg4[%mul3A_2] : memref<100352xf32, #tpu.memory_space<hbm>> -> memref<6272xf32, #tpu.memory_space<hbm>>
    %dma_wait3A_20 = tpu.memref_slice %arg4[%mul3A_2] : memref<100352xf32, #tpu.memory_space<hbm>> -> memref<6272xf32, #tpu.memory_space<hbm>>
    tpu.wait_dma2 semaphore(%arg29 : memref<!tpu.dma_semaphore, #tpu.memory_space<semaphore_mem>>) src(%dma_wait3A_20 : memref<6272xf32, #tpu.memory_space<hbm>>) dst(%arg21 : memref<6272xf32, #tpu.memory_space<vmem>>)
    %dma_wait3A_21 = tpu.memref_slice %arg5[%mul3A_2] : memref<100352xf32, #tpu.memory_space<hbm>> -> memref<6272xf32, #tpu.memory_space<hbm>>
    %dma_wait3A_22 = tpu.memref_slice %arg5[%mul3A_2] : memref<100352xf32, #tpu.memory_space<hbm>> -> memref<6272xf32, #tpu.memory_space<hbm>>
    tpu.wait_dma2 semaphore(%arg29 : memref<!tpu.dma_semaphore, #tpu.memory_space<semaphore_mem>>) src(%dma_wait3A_22 : memref<6272xf32, #tpu.memory_space<hbm>>) dst(%arg22 : memref<6272xf32, #tpu.memory_space<vmem>>)
    %dma_wait3A_23 = tpu.memref_slice %arg6[%mul3A_2] : memref<100352xf32, #tpu.memory_space<hbm>> -> memref<6272xf32, #tpu.memory_space<hbm>>
    %dma_wait3A_24 = tpu.memref_slice %arg6[%mul3A_2] : memref<100352xf32, #tpu.memory_space<hbm>> -> memref<6272xf32, #tpu.memory_space<hbm>>
    tpu.wait_dma2 semaphore(%arg29 : memref<!tpu.dma_semaphore, #tpu.memory_space<semaphore_mem>>) src(%dma_wait3A_24 : memref<6272xf32, #tpu.memory_space<hbm>>) dst(%arg23 : memref<6272xf32, #tpu.memory_space<vmem>>)
    %dma_wait3A_25 = tpu.memref_slice %arg7[%mul3A_2] : memref<100352xf32, #tpu.memory_space<hbm>> -> memref<6272xf32, #tpu.memory_space<hbm>>
    %dma_wait3A_26 = tpu.memref_slice %arg7[%mul3A_2] : memref<100352xf32, #tpu.memory_space<hbm>> -> memref<6272xf32, #tpu.memory_space<hbm>>
    tpu.wait_dma2 semaphore(%arg29 : memref<!tpu.dma_semaphore, #tpu.memory_space<semaphore_mem>>) src(%dma_wait3A_26 : memref<6272xf32, #tpu.memory_space<hbm>>) dst(%arg24 : memref<6272xf32, #tpu.memory_space<vmem>>)
    %dma_wait3A_27 = tpu.memref_slice %arg8[%mul3A_2] : memref<100352xf32, #tpu.memory_space<hbm>> -> memref<6272xf32, #tpu.memory_space<hbm>>
    %dma_wait3A_28 = tpu.memref_slice %arg8[%mul3A_2] : memref<100352xf32, #tpu.memory_space<hbm>> -> memref<6272xf32, #tpu.memory_space<hbm>>
    tpu.wait_dma2 semaphore(%arg29 : memref<!tpu.dma_semaphore, #tpu.memory_space<semaphore_mem>>) src(%dma_wait3A_28 : memref<6272xf32, #tpu.memory_space<hbm>>) dst(%arg25 : memref<6272xf32, #tpu.memory_space<vmem>>)
    %scan3A = arith.constant 0 : i32
    %scan3A_29 = arith.constant 0 : i32
    %scan3A_30 = arith.constant 392 : i32
    %scan3A_31 = arith.addi %scan3A_29, %scan3A_30 : i32
    %scan3A_32 = arith.constant 1 : i32
    scf.for %scan3A_64 = %scan3A_29 to %scan3A_31 step %scan3A_32  : i32 {
      %mul3A_65 = arith.constant 16 : i32
      %mul3A_66 = arith.muli %scan3A_64, %mul3A_65 : i32
      %get3A_67 = arith.index_cast %mul3A_66 : i32 to index
      %get3A_68 = tpu.vector_load %arg23[%get3A_67] {strides = array<i32>} : memref<6272xf32, #tpu.memory_space<vmem>>, vector<16xf32>,
      %get3A_69 = vector.shape_cast %get3A_68 : vector<16xf32> to vector<16xf32>
      %get3A_70 = arith.index_cast %mul3A_66 : i32 to index
      %get3A_71 = tpu.vector_load %arg20[%get3A_70] {strides = array<i32>} : memref<6272xf32, #tpu.memory_space<vmem>>, vector<16xf32>,
      %get3A_72 = vector.shape_cast %get3A_71 : vector<16xf32> to vector<16xf32>
      %get3A_73 = arith.index_cast %mul3A_66 : i32 to index
      %get3A_74 = tpu.vector_load %arg21[%get3A_73] {strides = array<i32>} : memref<6272xf32, #tpu.memory_space<vmem>>, vector<16xf32>,
      %get3A_75 = vector.shape_cast %get3A_74 : vector<16xf32> to vector<16xf32>
      %add3A_76 = arith.addf %get3A_72, %get3A_75 : vector<16xf32>
      %mul3A_77 = arith.mulf %get3A_69, %add3A_76 : vector<16xf32>
      %get3A_78 = arith.index_cast %mul3A_66 : i32 to index
      %get3A_79 = tpu.vector_load %arg22[%get3A_78] {strides = array<i32>} : memref<6272xf32, #tpu.memory_space<vmem>>, vector<16xf32>,
      %get3A_80 = vector.shape_cast %get3A_79 : vector<16xf32> to vector<16xf32>
      %get3A_81 = arith.index_cast %mul3A_66 : i32 to index
      %get3A_82 = tpu.vector_load %arg24[%get3A_81] {strides = array<i32>} : memref<6272xf32, #tpu.memory_space<vmem>>, vector<16xf32>,
      %get3A_83 = vector.shape_cast %get3A_82 : vector<16xf32> to vector<16xf32>
      %mul3A_84 = arith.mulf %get3A_80, %get3A_83 : vector<16xf32>
      %add3A_85 = arith.addf %mul3A_77, %mul3A_84 : vector<16xf32>
      %mul3A_86 = arith.mulf %add3A_85, %sub3A_17 : vector<16xf32>
      %get3A_87 = arith.index_cast %mul3A_66 : i32 to index
      %get3A_88 = tpu.vector_load %arg25[%get3A_87] {strides = array<i32>} : memref<6272xf32, #tpu.memory_space<vmem>>, vector<16xf32>,
      %get3A_89 = vector.shape_cast %get3A_88 : vector<16xf32> to vector<16xf32>
      %mul3A_90 = arith.mulf %get3A_15, %get3A_89 : vector<16xf32>
      %add3A_91 = arith.addf %mul3A_86, %mul3A_90 : vector<16xf32>
      %swap3A = arith.index_cast %mul3A_66 : i32 to index
      %swap3A_92 = tpu.vector_load %arg22[%swap3A] {strides = array<i32>} : memref<6272xf32, #tpu.memory_space<vmem>>, vector<16xf32>,
      %swap3A_93 = vector.shape_cast %swap3A_92 : vector<16xf32> to vector<16xf32>
      %swap3A_94 = vector.shape_cast %add3A_91 : vector<16xf32> to vector<16xf32>
      tpu.vector_store %arg22[%swap3A], %swap3A_94 {strides = array<i32>} : memref<6272xf32, #tpu.memory_space<vmem>>, vector<16xf32>,
      %get3A_95 = arith.index_cast %mul3A_66 : i32 to index
      %get3A_96 = tpu.vector_load %arg23[%get3A_95] {strides = array<i32>} : memref<6272xf32, #tpu.memory_space<vmem>>, vector<16xf32>,
      %get3A_97 = vector.shape_cast %get3A_96 : vector<16xf32> to vector<16xf32>
      %mul3A_98 = arith.mulf %get3A_97, %add3A_91 : vector<16xf32>
      %swap3A_99 = arith.index_cast %mul3A_66 : i32 to index
      %swap3A_100 = tpu.vector_load %arg20[%swap3A_99] {strides = array<i32>} : memref<6272xf32, #tpu.memory_space<vmem>>, vector<16xf32>,
      %swap3A_101 = vector.shape_cast %swap3A_100 : vector<16xf32> to vector<16xf32>
      %swap3A_102 = vector.shape_cast %mul3A_98 : vector<16xf32> to vector<16xf32>
      tpu.vector_store %arg20[%swap3A_99], %swap3A_102 {strides = array<i32>} : memref<6272xf32, #tpu.memory_space<vmem>>, vector<16xf32>,
    }
    %scan3A_33 = arith.constant 392 : i32
    "tpu.region"() ({
      %run_scoped3A = tpu.sem_alloc : memref<!tpu.dma_semaphore, #tpu.memory_space<semaphore_mem>>
      %dma_start3A_64 = tpu.memref_slice %arg27[%mul3A_2] : memref<100352xf32, #tpu.memory_space<vmem_shared>> -> memref<6272xf32, #tpu.memory_space<vmem_shared>>
      %dma_start3A_65 = tpu.memref_slice %arg27[%mul3A_2] : memref<100352xf32, #tpu.memory_space<vmem_shared>> -> memref<6272xf32, #tpu.memory_space<vmem_shared>>
      tpu.enqueue_dma source(%arg20 : memref<6272xf32, #tpu.memory_space<vmem>>) target(%dma_start3A_65 : memref<6272xf32, #tpu.memory_space<vmem_shared>>) target_semaphore(%run_scoped3A : memref<!tpu.dma_semaphore, #tpu.memory_space<semaphore_mem>>)
      %dma_wait3A_66 = tpu.memref_slice %arg27[%mul3A_2] : memref<100352xf32, #tpu.memory_space<vmem_shared>> -> memref<6272xf32, #tpu.memory_space<vmem_shared>>
      %dma_wait3A_67 = tpu.memref_slice %arg27[%mul3A_2] : memref<100352xf32, #tpu.memory_space<vmem_shared>> -> memref<6272xf32, #tpu.memory_space<vmem_shared>>
      tpu.wait_dma2 semaphore(%run_scoped3A : memref<!tpu.dma_semaphore, #tpu.memory_space<semaphore_mem>>) src(%arg20 : memref<6272xf32, #tpu.memory_space<vmem>>) dst(%dma_wait3A_67 : memref<6272xf32, #tpu.memory_space<vmem_shared>>)
      tpu.yield
    }) : () -> ()
    %eq3A = arith.constant 0 : i32
    %eq3A_34 = arith.cmpi eq, %arg0, %eq3A : i32
    %convert_element_type3A = arith.extui %eq3A_34 : i1 to i32
    %cond3A = arith.constant 0 : i32
    %cond3A_35 = arith.cmpi ne, %convert_element_type3A, %cond3A : i32
    scf.if %cond3A_35 {
      "tpu.region"() ({
        %run_scoped3A = tpu.sem_alloc : memref<!tpu.dma_semaphore, #tpu.memory_space<semaphore_mem>>
        %dma_start3A_64 = tpu.memref_slice %arg14[%mul3A_2] : memref<100352xf32, #tpu.memory_space<hbm>> -> memref<6272xf32, #tpu.memory_space<hbm>>
        %dma_start3A_65 = tpu.memref_slice %arg14[%mul3A_2] : memref<100352xf32, #tpu.memory_space<hbm>> -> memref<6272xf32, #tpu.memory_space<hbm>>
        tpu.enqueue_dma source(%arg22 : memref<6272xf32, #tpu.memory_space<vmem>>) target(%dma_start3A_65 : memref<6272xf32, #tpu.memory_space<hbm>>) target_semaphore(%run_scoped3A : memref<!tpu.dma_semaphore, #tpu.memory_space<semaphore_mem>>)
        %dma_wait3A_66 = tpu.memref_slice %arg14[%mul3A_2] : memref<100352xf32, #tpu.memory_space<hbm>> -> memref<6272xf32, #tpu.memory_space<hbm>>
        %dma_wait3A_67 = tpu.memref_slice %arg14[%mul3A_2] : memref<100352xf32, #tpu.memory_space<hbm>> -> memref<6272xf32, #tpu.memory_space<hbm>>
        tpu.wait_dma2 semaphore(%run_scoped3A : memref<!tpu.dma_semaphore, #tpu.memory_space<semaphore_mem>>) src(%arg22 : memref<6272xf32, #tpu.memory_space<vmem>>) dst(%dma_wait3A_67 : memref<6272xf32, #tpu.memory_space<hbm>>)
        tpu.yield
      }) : () -> ()
    } else {
    }
    %broadcast_in_dim3A = arith.constant 0.000000e+00 : f32
    %broadcast_in_dim3A_36 = vector.broadcast %broadcast_in_dim3A : f32 to vector<16xf32>
    %scan3A_37 = arith.constant 0 : i32
    %scan3A_38 = arith.constant 0 : i32
    %scan3A_39 = arith.constant 392 : i32
    %scan3A_40 = arith.addi %scan3A_38, %scan3A_39 : i32
    %scan3A_41 = arith.constant 1 : i32
    scf.for %scan3A_64 = %scan3A_38 to %scan3A_40 step %scan3A_41  : i32 {
      %mul3A_65 = arith.constant 16 : i32
      %mul3A_66 = arith.muli %scan3A_64, %mul3A_65 : i32
      %swap3A = arith.index_cast %mul3A_66 : i32 to index
      %swap3A_67 = tpu.vector_load %arg19[%swap3A] {strides = array<i32>} : memref<6272xf32, #tpu.memory_space<vmem>>, vector<16xf32>,
      %swap3A_68 = vector.shape_cast %swap3A_67 : vector<16xf32> to vector<16xf32>
      %swap3A_69 = vector.shape_cast %broadcast_in_dim3A_36 : vector<16xf32> to vector<16xf32>
      tpu.vector_store %arg19[%swap3A], %swap3A_69 {strides = array<i32>} : memref<6272xf32, #tpu.memory_space<vmem>>, vector<16xf32>,
    }
    %scan3A_42 = arith.constant 392 : i32
    "tpu.region"() ({
      %run_scoped3A = tpu.sem_alloc : memref<!tpu.dma_semaphore, #tpu.memory_space<semaphore_mem>>
      %dma_start3A_64 = tpu.memref_slice %arg28[%mul3A_2] : memref<100352xf32, #tpu.memory_space<vmem_shared>> -> memref<6272xf32, #tpu.memory_space<vmem_shared>>
      %dma_start3A_65 = tpu.memref_slice %arg28[%mul3A_2] : memref<100352xf32, #tpu.memory_space<vmem_shared>> -> memref<6272xf32, #tpu.memory_space<vmem_shared>>
      tpu.enqueue_dma source(%arg19 : memref<6272xf32, #tpu.memory_space<vmem>>) target(%dma_start3A_65 : memref<6272xf32, #tpu.memory_space<vmem_shared>>) target_semaphore(%run_scoped3A : memref<!tpu.dma_semaphore, #tpu.memory_space<semaphore_mem>>)
      %dma_wait3A_66 = tpu.memref_slice %arg28[%mul3A_2] : memref<100352xf32, #tpu.memory_space<vmem_shared>> -> memref<6272xf32, #tpu.memory_space<vmem_shared>>
      %dma_wait3A_67 = tpu.memref_slice %arg28[%mul3A_2] : memref<100352xf32, #tpu.memory_space<vmem_shared>> -> memref<6272xf32, #tpu.memory_space<vmem_shared>>
      tpu.wait_dma2 semaphore(%run_scoped3A : memref<!tpu.dma_semaphore, #tpu.memory_space<semaphore_mem>>) src(%arg19 : memref<6272xf32, #tpu.memory_space<vmem>>) dst(%dma_wait3A_67 : memref<6272xf32, #tpu.memory_space<vmem_shared>>)
      tpu.yield
    }) : () -> ()
    %barrier3A = arith.constant 0 : index
    tpu.barrier barrier_id(%barrier3A)
    %mul3A_43 = arith.constant 100000 : i32
    %mul3A_44 = arith.muli %add3A, %mul3A_43 : i32
    %scan3A_45 = arith.constant 0 : i32
    %scan3A_46 = arith.constant 0 : i32
    %scan3A_47 = arith.constant 10 : i32
    %scan3A_48 = arith.addi %scan3A_46, %scan3A_47 : i32
    %scan3A_49 = arith.constant 1 : i32
    scf.for %scan3A_64 = %scan3A_46 to %scan3A_48 step %scan3A_49  : i32 {
      %mul3A_65 = arith.constant 10000 : i32
      %mul3A_66 = arith.muli %scan3A_64, %mul3A_65 : i32
      %add3A_67 = arith.addi %mul3A_44, %mul3A_66 : i32
      %dma_start3A_68 = tpu.memref_slice %arg9[%add3A_67] : memref<3200000xi32, #tpu.memory_space<hbm>> -> memref<10000xi32, #tpu.memory_space<hbm>>
      %dma_start3A_69 = tpu.memref_slice %arg9[%add3A_67] : memref<3200000xi32, #tpu.memory_space<hbm>> -> memref<10000xi32, #tpu.memory_space<hbm>>
      tpu.enqueue_dma source(%dma_start3A_69 : memref<10000xi32, #tpu.memory_space<hbm>>) target(%arg15 : memref<10000xi32, #tpu.memory_space<vmem>>) target_semaphore(%arg29 : memref<!tpu.dma_semaphore, #tpu.memory_space<semaphore_mem>>)
      %dma_start3A_70 = tpu.memref_slice %arg11[%add3A_67] : memref<3200000xf32, #tpu.memory_space<hbm>> -> memref<10000xf32, #tpu.memory_space<hbm>>
      %dma_start3A_71 = tpu.memref_slice %arg11[%add3A_67] : memref<3200000xf32, #tpu.memory_space<hbm>> -> memref<10000xf32, #tpu.memory_space<hbm>>
      tpu.enqueue_dma source(%dma_start3A_71 : memref<10000xf32, #tpu.memory_space<hbm>>) target(%arg17 : memref<10000xf32, #tpu.memory_space<vmem>>) target_semaphore(%arg29 : memref<!tpu.dma_semaphore, #tpu.memory_space<semaphore_mem>>)
      %dma_start3A_72 = tpu.memref_slice %arg10[%add3A_67] : memref<3200000xi32, #tpu.memory_space<hbm>> -> memref<10000xi32, #tpu.memory_space<hbm>>
      %dma_start3A_73 = tpu.memref_slice %arg10[%add3A_67] : memref<3200000xi32, #tpu.memory_space<hbm>> -> memref<10000xi32, #tpu.memory_space<hbm>>
      tpu.enqueue_dma source(%dma_start3A_73 : memref<10000xi32, #tpu.memory_space<hbm>>) target(%arg16 : memref<10000xi32, #tpu.memory_space<vmem>>) target_semaphore(%arg29 : memref<!tpu.dma_semaphore, #tpu.memory_space<semaphore_mem>>)
      %dma_wait3A_74 = tpu.memref_slice %arg9[%add3A_67] : memref<3200000xi32, #tpu.memory_space<hbm>> -> memref<10000xi32, #tpu.memory_space<hbm>>
      %dma_wait3A_75 = tpu.memref_slice %arg9[%add3A_67] : memref<3200000xi32, #tpu.memory_space<hbm>> -> memref<10000xi32, #tpu.memory_space<hbm>>
      tpu.wait_dma2 semaphore(%arg29 : memref<!tpu.dma_semaphore, #tpu.memory_space<semaphore_mem>>) src(%dma_wait3A_75 : memref<10000xi32, #tpu.memory_space<hbm>>) dst(%arg15 : memref<10000xi32, #tpu.memory_space<vmem>>)
      "tpu.region"() ({
        %run_scoped3A = tpu.sem_alloc : memref<!tpu.dma_semaphore, #tpu.memory_space<semaphore_mem>>
        %dma_start3A_86 = arith.constant 0 : i32
        %dma_start3A_87 = tpu.memref_slice %arg27[%dma_start3A_86] : memref<100352xf32, #tpu.memory_space<vmem_shared>> -> memref<100352xf32, #tpu.memory_space<vmem_shared>>
        tpu.enqueue_indirect_dma source(%dma_start3A_87 : memref<100352xf32, #tpu.memory_space<vmem_shared>>) target(%arg18 : memref<10000xf32, #tpu.memory_space<vmem>>) offsets(%arg15 : memref<10000xi32, #tpu.memory_space<vmem>>) semaphore(%run_scoped3A : memref<!tpu.dma_semaphore, #tpu.memory_space<semaphore_mem>>)
        %dma_wait3A_88 = arith.constant 0 : i32
        %dma_wait3A_89 = tpu.memref_slice %arg27[%dma_wait3A_88] : memref<100352xf32, #tpu.memory_space<vmem_shared>> -> memref<100352xf32, #tpu.memory_space<vmem_shared>>
        tpu.wait_indirect_dma semaphore(%run_scoped3A : memref<!tpu.dma_semaphore, #tpu.memory_space<semaphore_mem>>) src(%dma_wait3A_89 : memref<100352xf32, #tpu.memory_space<vmem_shared>>) dst(%arg18 : memref<10000xf32, #tpu.memory_space<vmem>>)
        tpu.yield
      }) : () -> ()
      %dma_wait3A_76 = tpu.memref_slice %arg11[%add3A_67] : memref<3200000xf32, #tpu.memory_space<hbm>> -> memref<10000xf32, #tpu.memory_space<hbm>>
      %dma_wait3A_77 = tpu.memref_slice %arg11[%add3A_67] : memref<3200000xf32, #tpu.memory_space<hbm>> -> memref<10000xf32, #tpu.memory_space<hbm>>
      tpu.wait_dma2 semaphore(%arg29 : memref<!tpu.dma_semaphore, #tpu.memory_space<semaphore_mem>>) src(%dma_wait3A_77 : memref<10000xf32, #tpu.memory_space<hbm>>) dst(%arg17 : memref<10000xf32, #tpu.memory_space<vmem>>)
      %scan3A_78 = arith.constant 0 : i32
      %scan3A_79 = arith.constant 0 : i32
      %scan3A_80 = arith.constant 625 : i32
      %scan3A_81 = arith.addi %scan3A_79, %scan3A_80 : i32
      %scan3A_82 = arith.constant 1 : i32
      scf.for %scan3A_86 = %scan3A_79 to %scan3A_81 step %scan3A_82  : i32 {
        %mul3A_87 = arith.constant 16 : i32
        %mul3A_88 = arith.muli %scan3A_86, %mul3A_87 : i32
        %get3A_89 = arith.index_cast %mul3A_88 : i32 to index
        %get3A_90 = tpu.vector_load %arg18[%get3A_89] {strides = array<i32>} : memref<10000xf32, #tpu.memory_space<vmem>>, vector<16xf32>,
        %get3A_91 = vector.shape_cast %get3A_90 : vector<16xf32> to vector<16xf32>
        %get3A_92 = arith.index_cast %mul3A_88 : i32 to index
        %get3A_93 = tpu.vector_load %arg17[%get3A_92] {strides = array<i32>} : memref<10000xf32, #tpu.memory_space<vmem>>, vector<16xf32>,
        %get3A_94 = vector.shape_cast %get3A_93 : vector<16xf32> to vector<16xf32>
        %mul3A_95 = arith.mulf %get3A_91, %get3A_94 : vector<16xf32>
        %swap3A = arith.index_cast %mul3A_88 : i32 to index
        %swap3A_96 = tpu.vector_load %arg18[%swap3A] {strides = array<i32>} : memref<10000xf32, #tpu.memory_space<vmem>>, vector<16xf32>,
        %swap3A_97 = vector.shape_cast %swap3A_96 : vector<16xf32> to vector<16xf32>
        %swap3A_98 = vector.shape_cast %mul3A_95 : vector<16xf32> to vector<16xf32>
        tpu.vector_store %arg18[%swap3A], %swap3A_98 {strides = array<i32>} : memref<10000xf32, #tpu.memory_space<vmem>>, vector<16xf32>,
      }
      %scan3A_83 = arith.constant 625 : i32
      %dma_wait3A_84 = tpu.memref_slice %arg10[%add3A_67] : memref<3200000xi32, #tpu.memory_space<hbm>> -> memref<10000xi32, #tpu.memory_space<hbm>>
      %dma_wait3A_85 = tpu.memref_slice %arg10[%add3A_67] : memref<3200000xi32, #tpu.memory_space<hbm>> -> memref<10000xi32, #tpu.memory_space<hbm>>
      tpu.wait_dma2 semaphore(%arg29 : memref<!tpu.dma_semaphore, #tpu.memory_space<semaphore_mem>>) src(%dma_wait3A_85 : memref<10000xi32, #tpu.memory_space<hbm>>) dst(%arg16 : memref<10000xi32, #tpu.memory_space<vmem>>)
      "tpu.region"() ({
        %run_scoped3A = tpu.sem_alloc : memref<!tpu.dma_semaphore, #tpu.memory_space<semaphore_mem>>
        %dma_start3A_86 = arith.constant 0 : i32
        %dma_start3A_87 = tpu.memref_slice %arg28[%dma_start3A_86] : memref<100352xf32, #tpu.memory_space<vmem_shared>> -> memref<100352xf32, #tpu.memory_space<vmem_shared>>
        tpu.enqueue_indirect_dma source(%arg18 : memref<10000xf32, #tpu.memory_space<vmem>>) target(%dma_start3A_87 : memref<100352xf32, #tpu.memory_space<vmem_shared>>) offsets(%arg16 : memref<10000xi32, #tpu.memory_space<vmem>>) semaphore(%run_scoped3A : memref<!tpu.dma_semaphore, #tpu.memory_space<semaphore_mem>>) {add = true}
        %dma_wait3A_88 = arith.constant 0 : i32
        %dma_wait3A_89 = tpu.memref_slice %arg28[%dma_wait3A_88] : memref<100352xf32, #tpu.memory_space<vmem_shared>> -> memref<100352xf32, #tpu.memory_space<vmem_shared>>
        tpu.wait_indirect_dma semaphore(%run_scoped3A : memref<!tpu.dma_semaphore, #tpu.memory_space<semaphore_mem>>) src(%arg18 : memref<10000xf32, #tpu.memory_space<vmem>>) dst(%dma_wait3A_89 : memref<100352xf32, #tpu.memory_space<vmem_shared>>)
        tpu.yield
      }) : () -> ()
    }
    %scan3A_50 = arith.constant 10 : i32
    %barrier3A_51 = arith.constant 0 : index
    tpu.barrier barrier_id(%barrier3A_51)
    %mul3A_52 = arith.constant 6272 : i32
    %mul3A_53 = arith.muli %arg1, %mul3A_52 : i32
    %eq3A_54 = arith.constant 0 : i32
    %eq3A_55 = arith.cmpi eq, %arg0, %eq3A_54 : i32
    %convert_element_type3A_56 = arith.extui %eq3A_55 : i1 to i32
    %cond3A_57 = arith.constant 0 : i32
    %cond3A_58 = arith.cmpi ne, %convert_element_type3A_56, %cond3A_57 : i32
    scf.if %cond3A_58 {
      "tpu.region"() ({
        %run_scoped3A = tpu.sem_alloc : memref<!tpu.dma_semaphore, #tpu.memory_space<semaphore_mem>>
        %dma_start3A_64 = tpu.memref_slice %arg12[%mul3A_53] : memref<100352xf32, #tpu.memory_space<hbm>> -> memref<6272xf32, #tpu.memory_space<hbm>>
        %dma_start3A_65 = tpu.memref_slice %arg28[%mul3A_53] : memref<100352xf32, #tpu.memory_space<vmem_shared>> -> memref<6272xf32, #tpu.memory_space<vmem_shared>>
        tpu.enqueue_dma source(%dma_start3A_65 : memref<6272xf32, #tpu.memory_space<vmem_shared>>) target(%dma_start3A_64 : memref<6272xf32, #tpu.memory_space<hbm>>) target_semaphore(%run_scoped3A : memref<!tpu.dma_semaphore, #tpu.memory_space<semaphore_mem>>)
        %dma_wait3A_66 = tpu.memref_slice %arg12[%mul3A_53] : memref<100352xf32, #tpu.memory_space<hbm>> -> memref<6272xf32, #tpu.memory_space<hbm>>
        %dma_wait3A_67 = tpu.memref_slice %arg28[%mul3A_53] : memref<100352xf32, #tpu.memory_space<vmem_shared>> -> memref<6272xf32, #tpu.memory_space<vmem_shared>>
        tpu.wait_dma2 semaphore(%run_scoped3A : memref<!tpu.dma_semaphore, #tpu.memory_space<semaphore_mem>>) src(%dma_wait3A_67 : memref<6272xf32, #tpu.memory_space<vmem_shared>>) dst(%dma_wait3A_66 : memref<6272xf32, #tpu.memory_space<hbm>>)
        tpu.yield
      }) : () -> ()
    } else {
    }
    %eq3A_59 = arith.constant 1 : i32
    %eq3A_60 = arith.cmpi eq, %arg0, %eq3A_59 : i32
    %convert_element_type3A_61 = arith.extui %eq3A_60 : i1 to i32
    %cond3A_62 = arith.constant 0 : i32
    %cond3A_63 = arith.cmpi ne, %convert_element_type3A_61, %cond3A_62 : i32
    scf.if %cond3A_63 {
      "tpu.region"() ({
        %run_scoped3A = tpu.sem_alloc : memref<!tpu.dma_semaphore, #tpu.memory_space<semaphore_mem>>
        %dma_start3A_64 = tpu.memref_slice %arg13[%mul3A_53] : memref<100352xf32, #tpu.memory_space<hbm>> -> memref<6272xf32, #tpu.memory_space<hbm>>
        %dma_start3A_65 = tpu.memref_slice %arg28[%mul3A_53] : memref<100352xf32, #tpu.memory_space<vmem_shared>> -> memref<6272xf32, #tpu.memory_space<vmem_shared>>
        tpu.enqueue_dma source(%dma_start3A_65 : memref<6272xf32, #tpu.memory_space<vmem_shared>>) target(%dma_start3A_64 : memref<6272xf32, #tpu.memory_space<hbm>>) target_semaphore(%run_scoped3A : memref<!tpu.dma_semaphore, #tpu.memory_space<semaphore_mem>>)
        %dma_wait3A_66 = tpu.memref_slice %arg13[%mul3A_53] : memref<100352xf32, #tpu.memory_space<hbm>> -> memref<6272xf32, #tpu.memory_space<hbm>>
        %dma_wait3A_67 = tpu.memref_slice %arg28[%mul3A_53] : memref<100352xf32, #tpu.memory_space<vmem_shared>> -> memref<6272xf32, #tpu.memory_space<vmem_shared>>
        tpu.wait_dma2 semaphore(%run_scoped3A : memref<!tpu.dma_semaphore, #tpu.memory_space<semaphore_mem>>) src(%dma_wait3A_67 : memref<6272xf32, #tpu.memory_space<vmem_shared>>) dst(%dma_wait3A_66 : memref<6272xf32, #tpu.memory_space<hbm>>)
        tpu.yield
      }) : () -> ()
    } else {
    }
    return
  }
}

#map = affine_map<(d0, d1) -> (0)>
module attributes {stable_mosaic.version = 14 : i64} {
  func.func @_deg_body(%arg0: i32, %arg1: i32, %arg2: memref<3200000xi32, #tpu.memory_space<hbm>>, %arg3: memref<3200000xf32, #tpu.memory_space<hbm>>, %arg4: memref<100352xf32, #tpu.memory_space<hbm>>, %arg5: memref<100352xf32, #tpu.memory_space<hbm>>, %arg6: memref<10000xi32, #tpu.memory_space<vmem>>, %arg7: memref<10000xf32, #tpu.memory_space<vmem>>, %arg8: memref<6272xf32, #tpu.memory_space<vmem>>, %arg9: memref<100352xf32, #tpu.memory_space<vmem_shared>>, %arg10: memref<!tpu.dma_semaphore, #tpu.memory_space<semaphore_mem>>) attributes {dimension_semantics = [#tpu.dimension_semantics<core_parallel>, #tpu.dimension_semantics<subcore_parallel>], iteration_bounds = array<i64: 2, 16>, scalar_prefetch = 0 : i64, scratch_operands = 5 : i64, tpu.core_type = #tpu.core_type<sc_vector_subcore>, window_params = [{transform_indices = #map}, {transform_indices = #map}, {transform_indices = #map}, {transform_indices = #map}]} {
    %mul3A = arith.constant 16 : i32
    %mul3A_0 = arith.muli %arg0, %mul3A : i32
    %add3A = arith.addi %mul3A_0, %arg1 : i32
    %broadcast_in_dim3A = arith.constant 0.000000e+00 : f32
    %broadcast_in_dim3A_1 = vector.broadcast %broadcast_in_dim3A : f32 to vector<16xf32>
    %scan3A = arith.constant 0 : i32
    %scan3A_2 = arith.constant 0 : i32
    %scan3A_3 = arith.constant 392 : i32
    %scan3A_4 = arith.addi %scan3A_2, %scan3A_3 : i32
    %scan3A_5 = arith.constant 1 : i32
    scf.for %scan3A_27 = %scan3A_2 to %scan3A_4 step %scan3A_5  : i32 {
      %mul3A_28 = arith.constant 16 : i32
      %mul3A_29 = arith.muli %scan3A_27, %mul3A_28 : i32
      %swap3A = arith.index_cast %mul3A_29 : i32 to index
      %swap3A_30 = tpu.vector_load %arg8[%swap3A] {strides = array<i32>} : memref<6272xf32, #tpu.memory_space<vmem>>, vector<16xf32>,
      %swap3A_31 = vector.shape_cast %swap3A_30 : vector<16xf32> to vector<16xf32>
      %swap3A_32 = vector.shape_cast %broadcast_in_dim3A_1 : vector<16xf32> to vector<16xf32>
      tpu.vector_store %arg8[%swap3A], %swap3A_32 {strides = array<i32>} : memref<6272xf32, #tpu.memory_space<vmem>>, vector<16xf32>,
    }
    %scan3A_6 = arith.constant 392 : i32
    %mul3A_7 = arith.constant 6272 : i32
    %mul3A_8 = arith.muli %arg1, %mul3A_7 : i32
    "tpu.region"() ({
      %run_scoped3A = tpu.sem_alloc : memref<!tpu.dma_semaphore, #tpu.memory_space<semaphore_mem>>
      %dma_start3A = tpu.memref_slice %arg9[%mul3A_8] : memref<100352xf32, #tpu.memory_space<vmem_shared>> -> memref<6272xf32, #tpu.memory_space<vmem_shared>>
      %dma_start3A_27 = tpu.memref_slice %arg9[%mul3A_8] : memref<100352xf32, #tpu.memory_space<vmem_shared>> -> memref<6272xf32, #tpu.memory_space<vmem_shared>>
      tpu.enqueue_dma source(%arg8 : memref<6272xf32, #tpu.memory_space<vmem>>) target(%dma_start3A_27 : memref<6272xf32, #tpu.memory_space<vmem_shared>>) target_semaphore(%run_scoped3A : memref<!tpu.dma_semaphore, #tpu.memory_space<semaphore_mem>>)
      %dma_wait3A = tpu.memref_slice %arg9[%mul3A_8] : memref<100352xf32, #tpu.memory_space<vmem_shared>> -> memref<6272xf32, #tpu.memory_space<vmem_shared>>
      %dma_wait3A_28 = tpu.memref_slice %arg9[%mul3A_8] : memref<100352xf32, #tpu.memory_space<vmem_shared>> -> memref<6272xf32, #tpu.memory_space<vmem_shared>>
      tpu.wait_dma2 semaphore(%run_scoped3A : memref<!tpu.dma_semaphore, #tpu.memory_space<semaphore_mem>>) src(%arg8 : memref<6272xf32, #tpu.memory_space<vmem>>) dst(%dma_wait3A_28 : memref<6272xf32, #tpu.memory_space<vmem_shared>>)
      tpu.yield
    }) : () -> ()
    %barrier3A = arith.constant 0 : index
    tpu.barrier barrier_id(%barrier3A)
    %mul3A_9 = arith.constant 100000 : i32
    %mul3A_10 = arith.muli %add3A, %mul3A_9 : i32
    %scan3A_11 = arith.constant 0 : i32
    %scan3A_12 = arith.constant 0 : i32
    %scan3A_13 = arith.constant 10 : i32
    %scan3A_14 = arith.addi %scan3A_12, %scan3A_13 : i32
    %scan3A_15 = arith.constant 1 : i32
    scf.for %scan3A_27 = %scan3A_12 to %scan3A_14 step %scan3A_15  : i32 {
      %mul3A_28 = arith.constant 10000 : i32
      %mul3A_29 = arith.muli %scan3A_27, %mul3A_28 : i32
      %add3A_30 = arith.addi %mul3A_10, %mul3A_29 : i32
      %dma_start3A = tpu.memref_slice %arg3[%add3A_30] : memref<3200000xf32, #tpu.memory_space<hbm>> -> memref<10000xf32, #tpu.memory_space<hbm>>
      %dma_start3A_31 = tpu.memref_slice %arg3[%add3A_30] : memref<3200000xf32, #tpu.memory_space<hbm>> -> memref<10000xf32, #tpu.memory_space<hbm>>
      tpu.enqueue_dma source(%dma_start3A_31 : memref<10000xf32, #tpu.memory_space<hbm>>) target(%arg7 : memref<10000xf32, #tpu.memory_space<vmem>>) target_semaphore(%arg10 : memref<!tpu.dma_semaphore, #tpu.memory_space<semaphore_mem>>)
      %dma_start3A_32 = tpu.memref_slice %arg2[%add3A_30] : memref<3200000xi32, #tpu.memory_space<hbm>> -> memref<10000xi32, #tpu.memory_space<hbm>>
      %dma_start3A_33 = tpu.memref_slice %arg2[%add3A_30] : memref<3200000xi32, #tpu.memory_space<hbm>> -> memref<10000xi32, #tpu.memory_space<hbm>>
      tpu.enqueue_dma source(%dma_start3A_33 : memref<10000xi32, #tpu.memory_space<hbm>>) target(%arg6 : memref<10000xi32, #tpu.memory_space<vmem>>) target_semaphore(%arg10 : memref<!tpu.dma_semaphore, #tpu.memory_space<semaphore_mem>>)
      %dma_wait3A = tpu.memref_slice %arg3[%add3A_30] : memref<3200000xf32, #tpu.memory_space<hbm>> -> memref<10000xf32, #tpu.memory_space<hbm>>
      %dma_wait3A_34 = tpu.memref_slice %arg3[%add3A_30] : memref<3200000xf32, #tpu.memory_space<hbm>> -> memref<10000xf32, #tpu.memory_space<hbm>>
      tpu.wait_dma2 semaphore(%arg10 : memref<!tpu.dma_semaphore, #tpu.memory_space<semaphore_mem>>) src(%dma_wait3A_34 : memref<10000xf32, #tpu.memory_space<hbm>>) dst(%arg7 : memref<10000xf32, #tpu.memory_space<vmem>>)
      %dma_wait3A_35 = tpu.memref_slice %arg2[%add3A_30] : memref<3200000xi32, #tpu.memory_space<hbm>> -> memref<10000xi32, #tpu.memory_space<hbm>>
      %dma_wait3A_36 = tpu.memref_slice %arg2[%add3A_30] : memref<3200000xi32, #tpu.memory_space<hbm>> -> memref<10000xi32, #tpu.memory_space<hbm>>
      tpu.wait_dma2 semaphore(%arg10 : memref<!tpu.dma_semaphore, #tpu.memory_space<semaphore_mem>>) src(%dma_wait3A_36 : memref<10000xi32, #tpu.memory_space<hbm>>) dst(%arg6 : memref<10000xi32, #tpu.memory_space<vmem>>)
      "tpu.region"() ({
        %run_scoped3A = tpu.sem_alloc : memref<!tpu.dma_semaphore, #tpu.memory_space<semaphore_mem>>
        %dma_start3A_37 = arith.constant 0 : i32
        %dma_start3A_38 = tpu.memref_slice %arg9[%dma_start3A_37] : memref<100352xf32, #tpu.memory_space<vmem_shared>> -> memref<100352xf32, #tpu.memory_space<vmem_shared>>
        tpu.enqueue_indirect_dma source(%arg7 : memref<10000xf32, #tpu.memory_space<vmem>>) target(%dma_start3A_38 : memref<100352xf32, #tpu.memory_space<vmem_shared>>) offsets(%arg6 : memref<10000xi32, #tpu.memory_space<vmem>>) semaphore(%run_scoped3A : memref<!tpu.dma_semaphore, #tpu.memory_space<semaphore_mem>>) {add = true}
        %dma_wait3A_39 = arith.constant 0 : i32
        %dma_wait3A_40 = tpu.memref_slice %arg9[%dma_wait3A_39] : memref<100352xf32, #tpu.memory_space<vmem_shared>> -> memref<100352xf32, #tpu.memory_space<vmem_shared>>
        tpu.wait_indirect_dma semaphore(%run_scoped3A : memref<!tpu.dma_semaphore, #tpu.memory_space<semaphore_mem>>) src(%arg7 : memref<10000xf32, #tpu.memory_space<vmem>>) dst(%dma_wait3A_40 : memref<100352xf32, #tpu.memory_space<vmem_shared>>)
        tpu.yield
      }) : () -> ()
    }
    %scan3A_16 = arith.constant 10 : i32
    %barrier3A_17 = arith.constant 0 : index
    tpu.barrier barrier_id(%barrier3A_17)
    %mul3A_18 = arith.constant 6272 : i32
    %mul3A_19 = arith.muli %arg1, %mul3A_18 : i32
    %eq3A = arith.constant 0 : i32
    %eq3A_20 = arith.cmpi eq, %arg0, %eq3A : i32
    %convert_element_type3A = arith.extui %eq3A_20 : i1 to i32
    %cond3A = arith.constant 0 : i32
    %cond3A_21 = arith.cmpi ne, %convert_element_type3A, %cond3A : i32
    scf.if %cond3A_21 {
      "tpu.region"() ({
        %run_scoped3A = tpu.sem_alloc : memref<!tpu.dma_semaphore, #tpu.memory_space<semaphore_mem>>
        %dma_start3A = tpu.memref_slice %arg4[%mul3A_19] : memref<100352xf32, #tpu.memory_space<hbm>> -> memref<6272xf32, #tpu.memory_space<hbm>>
        %dma_start3A_27 = tpu.memref_slice %arg9[%mul3A_19] : memref<100352xf32, #tpu.memory_space<vmem_shared>> -> memref<6272xf32, #tpu.memory_space<vmem_shared>>
        tpu.enqueue_dma source(%dma_start3A_27 : memref<6272xf32, #tpu.memory_space<vmem_shared>>) target(%dma_start3A : memref<6272xf32, #tpu.memory_space<hbm>>) target_semaphore(%run_scoped3A : memref<!tpu.dma_semaphore, #tpu.memory_space<semaphore_mem>>)
        %dma_wait3A = tpu.memref_slice %arg4[%mul3A_19] : memref<100352xf32, #tpu.memory_space<hbm>> -> memref<6272xf32, #tpu.memory_space<hbm>>
        %dma_wait3A_28 = tpu.memref_slice %arg9[%mul3A_19] : memref<100352xf32, #tpu.memory_space<vmem_shared>> -> memref<6272xf32, #tpu.memory_space<vmem_shared>>
        tpu.wait_dma2 semaphore(%run_scoped3A : memref<!tpu.dma_semaphore, #tpu.memory_space<semaphore_mem>>) src(%dma_wait3A_28 : memref<6272xf32, #tpu.memory_space<vmem_shared>>) dst(%dma_wait3A : memref<6272xf32, #tpu.memory_space<hbm>>)
        tpu.yield
      }) : () -> ()
    } else {
    }
    %eq3A_22 = arith.constant 1 : i32
    %eq3A_23 = arith.cmpi eq, %arg0, %eq3A_22 : i32
    %convert_element_type3A_24 = arith.extui %eq3A_23 : i1 to i32
    %cond3A_25 = arith.constant 0 : i32
    %cond3A_26 = arith.cmpi ne, %convert_element_type3A_24, %cond3A_25 : i32
    scf.if %cond3A_26 {
      "tpu.region"() ({
        %run_scoped3A = tpu.sem_alloc : memref<!tpu.dma_semaphore, #tpu.memory_space<semaphore_mem>>
        %dma_start3A = tpu.memref_slice %arg5[%mul3A_19] : memref<100352xf32, #tpu.memory_space<hbm>> -> memref<6272xf32, #tpu.memory_space<hbm>>
        %dma_start3A_27 = tpu.memref_slice %arg9[%mul3A_19] : memref<100352xf32, #tpu.memory_space<vmem_shared>> -> memref<6272xf32, #tpu.memory_space<vmem_shared>>
        tpu.enqueue_dma source(%dma_start3A_27 : memref<6272xf32, #tpu.memory_space<vmem_shared>>) target(%dma_start3A : memref<6272xf32, #tpu.memory_space<hbm>>) target_semaphore(%run_scoped3A : memref<!tpu.dma_semaphore, #tpu.memory_space<semaphore_mem>>)
        %dma_wait3A = tpu.memref_slice %arg5[%mul3A_19] : memref<100352xf32, #tpu.memory_space<hbm>> -> memref<6272xf32, #tpu.memory_space<hbm>>
        %dma_wait3A_28 = tpu.memref_slice %arg9[%mul3A_19] : memref<100352xf32, #tpu.memory_space<vmem_shared>> -> memref<6272xf32, #tpu.memory_space<vmem_shared>>
        tpu.wait_dma2 semaphore(%run_scoped3A : memref<!tpu.dma_semaphore, #tpu.memory_space<semaphore_mem>>) src(%dma_wait3A_28 : memref<6272xf32, #tpu.memory_space<vmem_shared>>) dst(%dma_wait3A : memref<6272xf32, #tpu.memory_space<hbm>>)
        tpu.yield
      }) : () -> ()
    } else {
    }
    return
  }
}

#map = affine_map<(d0, d1) -> (0)>
module attributes {stable_mosaic.version = 14 : i64} {
  func.func @body(%arg0: i32, %arg1: i32, %arg2: memref<100352xf32, #tpu.memory_space<hbm>>, %arg3: memref<3200000xi32, #tpu.memory_space<hbm>>, %arg4: memref<3200000xi32, #tpu.memory_space<hbm>>, %arg5: memref<3200000xf32, #tpu.memory_space<hbm>>, %arg6: memref<100352xf32, #tpu.memory_space<hbm>>, %arg7: memref<100352xf32, #tpu.memory_space<hbm>>, %arg8: memref<10000xi32, #tpu.memory_space<vmem>>, %arg9: memref<10000xi32, #tpu.memory_space<vmem>>, %arg10: memref<10000xf32, #tpu.memory_space<vmem>>, %arg11: memref<10000xf32, #tpu.memory_space<vmem>>, %arg12: memref<6272xf32, #tpu.memory_space<vmem>>, %arg13: memref<100352xf32, #tpu.memory_space<vmem_shared>>, %arg14: memref<100352xf32, #tpu.memory_space<vmem_shared>>, %arg15: memref<!tpu.dma_semaphore, #tpu.memory_space<semaphore_mem>>) attributes {dimension_semantics = [#tpu.dimension_semantics<core_parallel>, #tpu.dimension_semantics<subcore_parallel>], iteration_bounds = array<i64: 2, 16>, scalar_prefetch = 0 : i64, scratch_operands = 8 : i64, tpu.core_type = #tpu.core_type<sc_vector_subcore>, window_params = [{transform_indices = #map}, {transform_indices = #map}, {transform_indices = #map}, {transform_indices = #map}, {transform_indices = #map}, {transform_indices = #map}]} {
    %mul3A = arith.constant 16 : i32
    %mul3A_0 = arith.muli %arg0, %mul3A : i32
    %add3A = arith.addi %mul3A_0, %arg1 : i32
    %mul3A_1 = arith.constant 6272 : i32
    %mul3A_2 = arith.muli %arg1, %mul3A_1 : i32
    "tpu.region"() ({
      %run_scoped3A = tpu.sem_alloc : memref<!tpu.dma_semaphore, #tpu.memory_space<semaphore_mem>>
      %dma_start3A = tpu.memref_slice %arg2[%mul3A_2] : memref<100352xf32, #tpu.memory_space<hbm>> -> memref<6272xf32, #tpu.memory_space<hbm>>
      %dma_start3A_27 = tpu.memref_slice %arg2[%mul3A_2] : memref<100352xf32, #tpu.memory_space<hbm>> -> memref<6272xf32, #tpu.memory_space<hbm>>
      tpu.enqueue_dma source(%dma_start3A_27 : memref<6272xf32, #tpu.memory_space<hbm>>) target(%arg12 : memref<6272xf32, #tpu.memory_space<vmem>>) target_semaphore(%run_scoped3A : memref<!tpu.dma_semaphore, #tpu.memory_space<semaphore_mem>>)
      %dma_wait3A = tpu.memref_slice %arg2[%mul3A_2] : memref<100352xf32, #tpu.memory_space<hbm>> -> memref<6272xf32, #tpu.memory_space<hbm>>
      %dma_wait3A_28 = tpu.memref_slice %arg2[%mul3A_2] : memref<100352xf32, #tpu.memory_space<hbm>> -> memref<6272xf32, #tpu.memory_space<hbm>>
      tpu.wait_dma2 semaphore(%run_scoped3A : memref<!tpu.dma_semaphore, #tpu.memory_space<semaphore_mem>>) src(%dma_wait3A_28 : memref<6272xf32, #tpu.memory_space<hbm>>) dst(%arg12 : memref<6272xf32, #tpu.memory_space<vmem>>)
      tpu.yield
    }) : () -> ()
    "tpu.region"() ({
      %run_scoped3A = tpu.sem_alloc : memref<!tpu.dma_semaphore, #tpu.memory_space<semaphore_mem>>
      %dma_start3A = tpu.memref_slice %arg13[%mul3A_2] : memref<100352xf32, #tpu.memory_space<vmem_shared>> -> memref<6272xf32, #tpu.memory_space<vmem_shared>>
      %dma_start3A_27 = tpu.memref_slice %arg13[%mul3A_2] : memref<100352xf32, #tpu.memory_space<vmem_shared>> -> memref<6272xf32, #tpu.memory_space<vmem_shared>>
      tpu.enqueue_dma source(%arg12 : memref<6272xf32, #tpu.memory_space<vmem>>) target(%dma_start3A_27 : memref<6272xf32, #tpu.memory_space<vmem_shared>>) target_semaphore(%run_scoped3A : memref<!tpu.dma_semaphore, #tpu.memory_space<semaphore_mem>>)
      %dma_wait3A = tpu.memref_slice %arg13[%mul3A_2] : memref<100352xf32, #tpu.memory_space<vmem_shared>> -> memref<6272xf32, #tpu.memory_space<vmem_shared>>
      %dma_wait3A_28 = tpu.memref_slice %arg13[%mul3A_2] : memref<100352xf32, #tpu.memory_space<vmem_shared>> -> memref<6272xf32, #tpu.memory_space<vmem_shared>>
      tpu.wait_dma2 semaphore(%run_scoped3A : memref<!tpu.dma_semaphore, #tpu.memory_space<semaphore_mem>>) src(%arg12 : memref<6272xf32, #tpu.memory_space<vmem>>) dst(%dma_wait3A_28 : memref<6272xf32, #tpu.memory_space<vmem_shared>>)
      tpu.yield
    }) : () -> ()
    %broadcast_in_dim3A = arith.constant 0.000000e+00 : f32
    %broadcast_in_dim3A_3 = vector.broadcast %broadcast_in_dim3A : f32 to vector<16xf32>
    %scan3A = arith.constant 0 : i32
    %scan3A_4 = arith.constant 0 : i32
    %scan3A_5 = arith.constant 392 : i32
    %scan3A_6 = arith.addi %scan3A_4, %scan3A_5 : i32
    %scan3A_7 = arith.constant 1 : i32
    scf.for %scan3A_27 = %scan3A_4 to %scan3A_6 step %scan3A_7  : i32 {
      %mul3A_28 = arith.constant 16 : i32
      %mul3A_29 = arith.muli %scan3A_27, %mul3A_28 : i32
      %swap3A = arith.index_cast %mul3A_29 : i32 to index
      %swap3A_30 = tpu.vector_load %arg12[%swap3A] {strides = array<i32>} : memref<6272xf32, #tpu.memory_space<vmem>>, vector<16xf32>,
      %swap3A_31 = vector.shape_cast %swap3A_30 : vector<16xf32> to vector<16xf32>
      %swap3A_32 = vector.shape_cast %broadcast_in_dim3A_3 : vector<16xf32> to vector<16xf32>
      tpu.vector_store %arg12[%swap3A], %swap3A_32 {strides = array<i32>} : memref<6272xf32, #tpu.memory_space<vmem>>, vector<16xf32>,
    }
    %scan3A_8 = arith.constant 392 : i32
    "tpu.region"() ({
      %run_scoped3A = tpu.sem_alloc : memref<!tpu.dma_semaphore, #tpu.memory_space<semaphore_mem>>
      %dma_start3A = tpu.memref_slice %arg14[%mul3A_2] : memref<100352xf32, #tpu.memory_space<vmem_shared>> -> memref<6272xf32, #tpu.memory_space<vmem_shared>>
      %dma_start3A_27 = tpu.memref_slice %arg14[%mul3A_2] : memref<100352xf32, #tpu.memory_space<vmem_shared>> -> memref<6272xf32, #tpu.memory_space<vmem_shared>>
      tpu.enqueue_dma source(%arg12 : memref<6272xf32, #tpu.memory_space<vmem>>) target(%dma_start3A_27 : memref<6272xf32, #tpu.memory_space<vmem_shared>>) target_semaphore(%run_scoped3A : memref<!tpu.dma_semaphore, #tpu.memory_space<semaphore_mem>>)
      %dma_wait3A = tpu.memref_slice %arg14[%mul3A_2] : memref<100352xf32, #tpu.memory_space<vmem_shared>> -> memref<6272xf32, #tpu.memory_space<vmem_shared>>
      %dma_wait3A_28 = tpu.memref_slice %arg14[%mul3A_2] : memref<100352xf32, #tpu.memory_space<vmem_shared>> -> memref<6272xf32, #tpu.memory_space<vmem_shared>>
      tpu.wait_dma2 semaphore(%run_scoped3A : memref<!tpu.dma_semaphore, #tpu.memory_space<semaphore_mem>>) src(%arg12 : memref<6272xf32, #tpu.memory_space<vmem>>) dst(%dma_wait3A_28 : memref<6272xf32, #tpu.memory_space<vmem_shared>>)
      tpu.yield
    }) : () -> ()
    %barrier3A = arith.constant 0 : index
    tpu.barrier barrier_id(%barrier3A)
    %mul3A_9 = arith.constant 100000 : i32
    %mul3A_10 = arith.muli %add3A, %mul3A_9 : i32
    %scan3A_11 = arith.constant 0 : i32
    %scan3A_12 = arith.constant 0 : i32
    %scan3A_13 = arith.constant 10 : i32
    %scan3A_14 = arith.addi %scan3A_12, %scan3A_13 : i32
    %scan3A_15 = arith.constant 1 : i32
    scf.for %scan3A_27 = %scan3A_12 to %scan3A_14 step %scan3A_15  : i32 {
      %mul3A_28 = arith.constant 10000 : i32
      %mul3A_29 = arith.muli %scan3A_27, %mul3A_28 : i32
      %add3A_30 = arith.addi %mul3A_10, %mul3A_29 : i32
      %dma_start3A = tpu.memref_slice %arg3[%add3A_30] : memref<3200000xi32, #tpu.memory_space<hbm>> -> memref<10000xi32, #tpu.memory_space<hbm>>
      %dma_start3A_31 = tpu.memref_slice %arg3[%add3A_30] : memref<3200000xi32, #tpu.memory_space<hbm>> -> memref<10000xi32, #tpu.memory_space<hbm>>
      tpu.enqueue_dma source(%dma_start3A_31 : memref<10000xi32, #tpu.memory_space<hbm>>) target(%arg8 : memref<10000xi32, #tpu.memory_space<vmem>>) target_semaphore(%arg15 : memref<!tpu.dma_semaphore, #tpu.memory_space<semaphore_mem>>)
      %dma_start3A_32 = tpu.memref_slice %arg5[%add3A_30] : memref<3200000xf32, #tpu.memory_space<hbm>> -> memref<10000xf32, #tpu.memory_space<hbm>>
      %dma_start3A_33 = tpu.memref_slice %arg5[%add3A_30] : memref<3200000xf32, #tpu.memory_space<hbm>> -> memref<10000xf32, #tpu.memory_space<hbm>>
      tpu.enqueue_dma source(%dma_start3A_33 : memref<10000xf32, #tpu.memory_space<hbm>>) target(%arg10 : memref<10000xf32, #tpu.memory_space<vmem>>) target_semaphore(%arg15 : memref<!tpu.dma_semaphore, #tpu.memory_space<semaphore_mem>>)
      %dma_start3A_34 = tpu.memref_slice %arg4[%add3A_30] : memref<3200000xi32, #tpu.memory_space<hbm>> -> memref<10000xi32, #tpu.memory_space<hbm>>
      %dma_start3A_35 = tpu.memref_slice %arg4[%add3A_30] : memref<3200000xi32, #tpu.memory_space<hbm>> -> memref<10000xi32, #tpu.memory_space<hbm>>
      tpu.enqueue_dma source(%dma_start3A_35 : memref<10000xi32, #tpu.memory_space<hbm>>) target(%arg9 : memref<10000xi32, #tpu.memory_space<vmem>>) target_semaphore(%arg15 : memref<!tpu.dma_semaphore, #tpu.memory_space<semaphore_mem>>)
      %dma_wait3A = tpu.memref_slice %arg3[%add3A_30] : memref<3200000xi32, #tpu.memory_space<hbm>> -> memref<10000xi32, #tpu.memory_space<hbm>>
      %dma_wait3A_36 = tpu.memref_slice %arg3[%add3A_30] : memref<3200000xi32, #tpu.memory_space<hbm>> -> memref<10000xi32, #tpu.memory_space<hbm>>
      tpu.wait_dma2 semaphore(%arg15 : memref<!tpu.dma_semaphore, #tpu.memory_space<semaphore_mem>>) src(%dma_wait3A_36 : memref<10000xi32, #tpu.memory_space<hbm>>) dst(%arg8 : memref<10000xi32, #tpu.memory_space<vmem>>)
      "tpu.region"() ({
        %run_scoped3A = tpu.sem_alloc : memref<!tpu.dma_semaphore, #tpu.memory_space<semaphore_mem>>
        %dma_start3A_47 = arith.constant 0 : i32
        %dma_start3A_48 = tpu.memref_slice %arg13[%dma_start3A_47] : memref<100352xf32, #tpu.memory_space<vmem_shared>> -> memref<100352xf32, #tpu.memory_space<vmem_shared>>
        tpu.enqueue_indirect_dma source(%dma_start3A_48 : memref<100352xf32, #tpu.memory_space<vmem_shared>>) target(%arg11 : memref<10000xf32, #tpu.memory_space<vmem>>) offsets(%arg8 : memref<10000xi32, #tpu.memory_space<vmem>>) semaphore(%run_scoped3A : memref<!tpu.dma_semaphore, #tpu.memory_space<semaphore_mem>>)
        %dma_wait3A_49 = arith.constant 0 : i32
        %dma_wait3A_50 = tpu.memref_slice %arg13[%dma_wait3A_49] : memref<100352xf32, #tpu.memory_space<vmem_shared>> -> memref<100352xf32, #tpu.memory_space<vmem_shared>>
        tpu.wait_indirect_dma semaphore(%run_scoped3A : memref<!tpu.dma_semaphore, #tpu.memory_space<semaphore_mem>>) src(%dma_wait3A_50 : memref<100352xf32, #tpu.memory_space<vmem_shared>>) dst(%arg11 : memref<10000xf32, #tpu.memory_space<vmem>>)
        tpu.yield
      }) : () -> ()
      %dma_wait3A_37 = tpu.memref_slice %arg5[%add3A_30] : memref<3200000xf32, #tpu.memory_space<hbm>> -> memref<10000xf32, #tpu.memory_space<hbm>>
      %dma_wait3A_38 = tpu.memref_slice %arg5[%add3A_30] : memref<3200000xf32, #tpu.memory_space<hbm>> -> memref<10000xf32, #tpu.memory_space<hbm>>
      tpu.wait_dma2 semaphore(%arg15 : memref<!tpu.dma_semaphore, #tpu.memory_space<semaphore_mem>>) src(%dma_wait3A_38 : memref<10000xf32, #tpu.memory_space<hbm>>) dst(%arg10 : memref<10000xf32, #tpu.memory_space<vmem>>)
      %scan3A_39 = arith.constant 0 : i32
      %scan3A_40 = arith.constant 0 : i32
      %scan3A_41 = arith.constant 625 : i32
      %scan3A_42 = arith.addi %scan3A_40, %scan3A_41 : i32
      %scan3A_43 = arith.constant 1 : i32
      scf.for %scan3A_47 = %scan3A_40 to %scan3A_42 step %scan3A_43  : i32 {
        %mul3A_48 = arith.constant 16 : i32
        %mul3A_49 = arith.muli %scan3A_47, %mul3A_48 : i32
        %get3A = arith.index_cast %mul3A_49 : i32 to index
        %get3A_50 = tpu.vector_load %arg11[%get3A] {strides = array<i32>} : memref<10000xf32, #tpu.memory_space<vmem>>, vector<16xf32>,
        %get3A_51 = vector.shape_cast %get3A_50 : vector<16xf32> to vector<16xf32>
        %get3A_52 = arith.index_cast %mul3A_49 : i32 to index
        %get3A_53 = tpu.vector_load %arg10[%get3A_52] {strides = array<i32>} : memref<10000xf32, #tpu.memory_space<vmem>>, vector<16xf32>,
        %get3A_54 = vector.shape_cast %get3A_53 : vector<16xf32> to vector<16xf32>
        %mul3A_55 = arith.mulf %get3A_51, %get3A_54 : vector<16xf32>
        %swap3A = arith.index_cast %mul3A_49 : i32 to index
        %swap3A_56 = tpu.vector_load %arg11[%swap3A] {strides = array<i32>} : memref<10000xf32, #tpu.memory_space<vmem>>, vector<16xf32>,
        %swap3A_57 = vector.shape_cast %swap3A_56 : vector<16xf32> to vector<16xf32>
        %swap3A_58 = vector.shape_cast %mul3A_55 : vector<16xf32> to vector<16xf32>
        tpu.vector_store %arg11[%swap3A], %swap3A_58 {strides = array<i32>} : memref<10000xf32, #tpu.memory_space<vmem>>, vector<16xf32>,
      }
      %scan3A_44 = arith.constant 625 : i32
      %dma_wait3A_45 = tpu.memref_slice %arg4[%add3A_30] : memref<3200000xi32, #tpu.memory_space<hbm>> -> memref<10000xi32, #tpu.memory_space<hbm>>
      %dma_wait3A_46 = tpu.memref_slice %arg4[%add3A_30] : memref<3200000xi32, #tpu.memory_space<hbm>> -> memref<10000xi32, #tpu.memory_space<hbm>>
      tpu.wait_dma2 semaphore(%arg15 : memref<!tpu.dma_semaphore, #tpu.memory_space<semaphore_mem>>) src(%dma_wait3A_46 : memref<10000xi32, #tpu.memory_space<hbm>>) dst(%arg9 : memref<10000xi32, #tpu.memory_space<vmem>>)
      "tpu.region"() ({
        %run_scoped3A = tpu.sem_alloc : memref<!tpu.dma_semaphore, #tpu.memory_space<semaphore_mem>>
        %dma_start3A_47 = arith.constant 0 : i32
        %dma_start3A_48 = tpu.memref_slice %arg14[%dma_start3A_47] : memref<100352xf32, #tpu.memory_space<vmem_shared>> -> memref<100352xf32, #tpu.memory_space<vmem_shared>>
        tpu.enqueue_indirect_dma source(%arg11 : memref<10000xf32, #tpu.memory_space<vmem>>) target(%dma_start3A_48 : memref<100352xf32, #tpu.memory_space<vmem_shared>>) offsets(%arg9 : memref<10000xi32, #tpu.memory_space<vmem>>) semaphore(%run_scoped3A : memref<!tpu.dma_semaphore, #tpu.memory_space<semaphore_mem>>) {add = true}
        %dma_wait3A_49 = arith.constant 0 : i32
        %dma_wait3A_50 = tpu.memref_slice %arg14[%dma_wait3A_49] : memref<100352xf32, #tpu.memory_space<vmem_shared>> -> memref<100352xf32, #tpu.memory_space<vmem_shared>>
        tpu.wait_indirect_dma semaphore(%run_scoped3A : memref<!tpu.dma_semaphore, #tpu.memory_space<semaphore_mem>>) src(%arg11 : memref<10000xf32, #tpu.memory_space<vmem>>) dst(%dma_wait3A_50 : memref<100352xf32, #tpu.memory_space<vmem_shared>>)
        tpu.yield
      }) : () -> ()
    }
    %scan3A_16 = arith.constant 10 : i32
    %barrier3A_17 = arith.constant 0 : index
    tpu.barrier barrier_id(%barrier3A_17)
    %mul3A_18 = arith.constant 6272 : i32
    %mul3A_19 = arith.muli %arg1, %mul3A_18 : i32
    %eq3A = arith.constant 0 : i32
    %eq3A_20 = arith.cmpi eq, %arg0, %eq3A : i32
    %convert_element_type3A = arith.extui %eq3A_20 : i1 to i32
    %cond3A = arith.constant 0 : i32
    %cond3A_21 = arith.cmpi ne, %convert_element_type3A, %cond3A : i32
    scf.if %cond3A_21 {
      "tpu.region"() ({
        %run_scoped3A = tpu.sem_alloc : memref<!tpu.dma_semaphore, #tpu.memory_space<semaphore_mem>>
        %dma_start3A = tpu.memref_slice %arg6[%mul3A_19] : memref<100352xf32, #tpu.memory_space<hbm>> -> memref<6272xf32, #tpu.memory_space<hbm>>
        %dma_start3A_27 = tpu.memref_slice %arg14[%mul3A_19] : memref<100352xf32, #tpu.memory_space<vmem_shared>> -> memref<6272xf32, #tpu.memory_space<vmem_shared>>
        tpu.enqueue_dma source(%dma_start3A_27 : memref<6272xf32, #tpu.memory_space<vmem_shared>>) target(%dma_start3A : memref<6272xf32, #tpu.memory_space<hbm>>) target_semaphore(%run_scoped3A : memref<!tpu.dma_semaphore, #tpu.memory_space<semaphore_mem>>)
        %dma_wait3A = tpu.memref_slice %arg6[%mul3A_19] : memref<100352xf32, #tpu.memory_space<hbm>> -> memref<6272xf32, #tpu.memory_space<hbm>>
        %dma_wait3A_28 = tpu.memref_slice %arg14[%mul3A_19] : memref<100352xf32, #tpu.memory_space<vmem_shared>> -> memref<6272xf32, #tpu.memory_space<vmem_shared>>
        tpu.wait_dma2 semaphore(%run_scoped3A : memref<!tpu.dma_semaphore, #tpu.memory_space<semaphore_mem>>) src(%dma_wait3A_28 : memref<6272xf32, #tpu.memory_space<vmem_shared>>) dst(%dma_wait3A : memref<6272xf32, #tpu.memory_space<hbm>>)
        tpu.yield
      }) : () -> ()
    } else {
    }
    %eq3A_22 = arith.constant 1 : i32
    %eq3A_23 = arith.cmpi eq, %arg0, %eq3A_22 : i32
    %convert_element_type3A_24 = arith.extui %eq3A_23 : i1 to i32
    %cond3A_25 = arith.constant 0 : i32
    %cond3A_26 = arith.cmpi ne, %convert_element_type3A_24, %cond3A_25 : i32
    scf.if %cond3A_26 {
      "tpu.region"() ({
        %run_scoped3A = tpu.sem_alloc : memref<!tpu.dma_semaphore, #tpu.memory_space<semaphore_mem>>
        %dma_start3A = tpu.memref_slice %arg7[%mul3A_19] : memref<100352xf32, #tpu.memory_space<hbm>> -> memref<6272xf32, #tpu.memory_space<hbm>>
        %dma_start3A_27 = tpu.memref_slice %arg14[%mul3A_19] : memref<100352xf32, #tpu.memory_space<vmem_shared>> -> memref<6272xf32, #tpu.memory_space<vmem_shared>>
        tpu.enqueue_dma source(%dma_start3A_27 : memref<6272xf32, #tpu.memory_space<vmem_shared>>) target(%dma_start3A : memref<6272xf32, #tpu.memory_space<hbm>>) target_semaphore(%run_scoped3A : memref<!tpu.dma_semaphore, #tpu.memory_space<semaphore_mem>>)
        %dma_wait3A = tpu.memref_slice %arg7[%mul3A_19] : memref<100352xf32, #tpu.memory_space<hbm>> -> memref<6272xf32, #tpu.memory_space<hbm>>
        %dma_wait3A_28 = tpu.memref_slice %arg14[%mul3A_19] : memref<100352xf32, #tpu.memory_space<vmem_shared>> -> memref<6272xf32, #tpu.memory_space<vmem_shared>>
        tpu.wait_dma2 semaphore(%run_scoped3A : memref<!tpu.dma_semaphore, #tpu.memory_space<semaphore_mem>>) src(%dma_wait3A_28 : memref<6272xf32, #tpu.memory_space<vmem_shared>>) dst(%dma_wait3A : memref<6272xf32, #tpu.memory_space<hbm>>)
        tpu.yield
      }) : () -> ()
    } else {
    }
    return
  }
}

#map = affine_map<(d0, d1) -> (0)>
module attributes {stable_mosaic.version = 14 : i64} {
  func.func @body(%arg0: i32, %arg1: i32, %arg2: memref<16xf32, #tpu.memory_space<hbm>>, %arg3: memref<100352xf32, #tpu.memory_space<hbm>>, %arg4: memref<100352xf32, #tpu.memory_space<hbm>>, %arg5: memref<100352xf32, #tpu.memory_space<hbm>>, %arg6: memref<100352xf32, #tpu.memory_space<hbm>>, %arg7: memref<100352xf32, #tpu.memory_space<hbm>>, %arg8: memref<100352xf32, #tpu.memory_space<hbm>>, %arg9: memref<3200000xi32, #tpu.memory_space<hbm>>, %arg10: memref<3200000xi32, #tpu.memory_space<hbm>>, %arg11: memref<3200000xf32, #tpu.memory_space<hbm>>, %arg12: memref<100352xf32, #tpu.memory_space<hbm>>, %arg13: memref<100352xf32, #tpu.memory_space<hbm>>, %arg14: memref<100352xf32, #tpu.memory_space<hbm>>, %arg15: memref<10000xi32, #tpu.memory_space<vmem>>, %arg16: memref<10000xi32, #tpu.memory_space<vmem>>, %arg17: memref<10000xf32, #tpu.memory_space<vmem>>, %arg18: memref<10000xf32, #tpu.memory_space<vmem>>, %arg19: memref<6272xf32, #tpu.memory_space<vmem>>, %arg20: memref<6272xf32, #tpu.memory_space<vmem>>, %arg21: memref<6272xf32, #tpu.memory_space<vmem>>, %arg22: memref<6272xf32, #tpu.memory_space<vmem>>, %arg23: memref<6272xf32, #tpu.memory_space<vmem>>, %arg24: memref<6272xf32, #tpu.memory_space<vmem>>, %arg25: memref<6272xf32, #tpu.memory_space<vmem>>, %arg26: memref<16xf32, #tpu.memory_space<vmem>>, %arg27: memref<100352xf32, #tpu.memory_space<vmem_shared>>, %arg28: memref<100352xf32, #tpu.memory_space<vmem_shared>>, %arg29: memref<!tpu.dma_semaphore, #tpu.memory_space<semaphore_mem>>) attributes {dimension_semantics = [#tpu.dimension_semantics<core_parallel>, #tpu.dimension_semantics<subcore_parallel>], iteration_bounds = array<i64: 2, 16>, scalar_prefetch = 0 : i64, scratch_operands = 15 : i64, tpu.core_type = #tpu.core_type<sc_vector_subcore>, window_params = [{transform_indices = #map}, {transform_indices = #map}, {transform_indices = #map}, {transform_indices = #map}, {transform_indices = #map}, {transform_indices = #map}, {transform_indices = #map}, {transform_indices = #map}, {transform_indices = #map}, {transform_indices = #map}, {transform_indices = #map}, {transform_indices = #map}, {transform_indices = #map}]} {
    %mul3A = arith.constant 16 : i32
    %mul3A_0 = arith.muli %arg0, %mul3A : i32
    %add3A = arith.addi %mul3A_0, %arg1 : i32
    %mul3A_1 = arith.constant 6272 : i32
    %mul3A_2 = arith.muli %arg1, %mul3A_1 : i32
    "tpu.region"() ({
      %run_scoped3A = tpu.sem_alloc : memref<!tpu.dma_semaphore, #tpu.memory_space<semaphore_mem>>
      tpu.enqueue_dma source(%arg2 : memref<16xf32, #tpu.memory_space<hbm>>) target(%arg26 : memref<16xf32, #tpu.memory_space<vmem>>) target_semaphore(%run_scoped3A : memref<!tpu.dma_semaphore, #tpu.memory_space<semaphore_mem>>)
      tpu.wait_dma2 semaphore(%run_scoped3A : memref<!tpu.dma_semaphore, #tpu.memory_space<semaphore_mem>>) src(%arg2 : memref<16xf32, #tpu.memory_space<hbm>>) dst(%arg26 : memref<16xf32, #tpu.memory_space<vmem>>)
      tpu.yield
    }) : () -> ()
    %dma_start3A = tpu.memref_slice %arg3[%mul3A_2] : memref<100352xf32, #tpu.memory_space<hbm>> -> memref<6272xf32, #tpu.memory_space<hbm>>
    %dma_start3A_3 = tpu.memref_slice %arg3[%mul3A_2] : memref<100352xf32, #tpu.memory_space<hbm>> -> memref<6272xf32, #tpu.memory_space<hbm>>
    tpu.enqueue_dma source(%dma_start3A_3 : memref<6272xf32, #tpu.memory_space<hbm>>) target(%arg20 : memref<6272xf32, #tpu.memory_space<vmem>>) target_semaphore(%arg29 : memref<!tpu.dma_semaphore, #tpu.memory_space<semaphore_mem>>)
    %dma_start3A_4 = tpu.memref_slice %arg4[%mul3A_2] : memref<100352xf32, #tpu.memory_space<hbm>> -> memref<6272xf32, #tpu.memory_space<hbm>>
    %dma_start3A_5 = tpu.memref_slice %arg4[%mul3A_2] : memref<100352xf32, #tpu.memory_space<hbm>> -> memref<6272xf32, #tpu.memory_space<hbm>>
    tpu.enqueue_dma source(%dma_start3A_5 : memref<6272xf32, #tpu.memory_space<hbm>>) target(%arg21 : memref<6272xf32, #tpu.memory_space<vmem>>) target_semaphore(%arg29 : memref<!tpu.dma_semaphore, #tpu.memory_space<semaphore_mem>>)
    %dma_start3A_6 = tpu.memref_slice %arg5[%mul3A_2] : memref<100352xf32, #tpu.memory_space<hbm>> -> memref<6272xf32, #tpu.memory_space<hbm>>
    %dma_start3A_7 = tpu.memref_slice %arg5[%mul3A_2] : memref<100352xf32, #tpu.memory_space<hbm>> -> memref<6272xf32, #tpu.memory_space<hbm>>
    tpu.enqueue_dma source(%dma_start3A_7 : memref<6272xf32, #tpu.memory_space<hbm>>) target(%arg22 : memref<6272xf32, #tpu.memory_space<vmem>>) target_semaphore(%arg29 : memref<!tpu.dma_semaphore, #tpu.memory_space<semaphore_mem>>)
    %dma_start3A_8 = tpu.memref_slice %arg6[%mul3A_2] : memref<100352xf32, #tpu.memory_space<hbm>> -> memref<6272xf32, #tpu.memory_space<hbm>>
    %dma_start3A_9 = tpu.memref_slice %arg6[%mul3A_2] : memref<100352xf32, #tpu.memory_space<hbm>> -> memref<6272xf32, #tpu.memory_space<hbm>>
    tpu.enqueue_dma source(%dma_start3A_9 : memref<6272xf32, #tpu.memory_space<hbm>>) target(%arg23 : memref<6272xf32, #tpu.memory_space<vmem>>) target_semaphore(%arg29 : memref<!tpu.dma_semaphore, #tpu.memory_space<semaphore_mem>>)
    %dma_start3A_10 = tpu.memref_slice %arg7[%mul3A_2] : memref<100352xf32, #tpu.memory_space<hbm>> -> memref<6272xf32, #tpu.memory_space<hbm>>
    %dma_start3A_11 = tpu.memref_slice %arg7[%mul3A_2] : memref<100352xf32, #tpu.memory_space<hbm>> -> memref<6272xf32, #tpu.memory_space<hbm>>
    tpu.enqueue_dma source(%dma_start3A_11 : memref<6272xf32, #tpu.memory_space<hbm>>) target(%arg24 : memref<6272xf32, #tpu.memory_space<vmem>>) target_semaphore(%arg29 : memref<!tpu.dma_semaphore, #tpu.memory_space<semaphore_mem>>)
    %dma_start3A_12 = tpu.memref_slice %arg8[%mul3A_2] : memref<100352xf32, #tpu.memory_space<hbm>> -> memref<6272xf32, #tpu.memory_space<hbm>>
    %dma_start3A_13 = tpu.memref_slice %arg8[%mul3A_2] : memref<100352xf32, #tpu.memory_space<hbm>> -> memref<6272xf32, #tpu.memory_space<hbm>>
    tpu.enqueue_dma source(%dma_start3A_13 : memref<6272xf32, #tpu.memory_space<hbm>>) target(%arg25 : memref<6272xf32, #tpu.memory_space<vmem>>) target_semaphore(%arg29 : memref<!tpu.dma_semaphore, #tpu.memory_space<semaphore_mem>>)
    %get3A = arith.constant 0 : index
    %get3A_14 = tpu.vector_load %arg26[%get3A] {strides = array<i32>} : memref<16xf32, #tpu.memory_space<vmem>>, vector<16xf32>,
    %get3A_15 = vector.shape_cast %get3A_14 : vector<16xf32> to vector<16xf32>
    %sub3A = arith.constant 1.000000e+00 : f32
    %sub3A_16 = vector.broadcast %sub3A : f32 to vector<16xf32>
    %sub3A_17 = arith.subf %sub3A_16, %get3A_15 : vector<16xf32>
    %dma_wait3A = tpu.memref_slice %arg3[%mul3A_2] : memref<100352xf32, #tpu.memory_space<hbm>> -> memref<6272xf32, #tpu.memory_space<hbm>>
    %dma_wait3A_18 = tpu.memref_slice %arg3[%mul3A_2] : memref<100352xf32, #tpu.memory_space<hbm>> -> memref<6272xf32, #tpu.memory_space<hbm>>
    tpu.wait_dma2 semaphore(%arg29 : memref<!tpu.dma_semaphore, #tpu.memory_space<semaphore_mem>>) src(%dma_wait3A_18 : memref<6272xf32, #tpu.memory_space<hbm>>) dst(%arg20 : memref<6272xf32, #tpu.memory_space<vmem>>)
    %dma_wait3A_19 = tpu.memref_slice %arg4[%mul3A_2] : memref<100352xf32, #tpu.memory_space<hbm>> -> memref<6272xf32, #tpu.memory_space<hbm>>
    %dma_wait3A_20 = tpu.memref_slice %arg4[%mul3A_2] : memref<100352xf32, #tpu.memory_space<hbm>> -> memref<6272xf32, #tpu.memory_space<hbm>>
    tpu.wait_dma2 semaphore(%arg29 : memref<!tpu.dma_semaphore, #tpu.memory_space<semaphore_mem>>) src(%dma_wait3A_20 : memref<6272xf32, #tpu.memory_space<hbm>>) dst(%arg21 : memref<6272xf32, #tpu.memory_space<vmem>>)
    %dma_wait3A_21 = tpu.memref_slice %arg5[%mul3A_2] : memref<100352xf32, #tpu.memory_space<hbm>> -> memref<6272xf32, #tpu.memory_space<hbm>>
    %dma_wait3A_22 = tpu.memref_slice %arg5[%mul3A_2] : memref<100352xf32, #tpu.memory_space<hbm>> -> memref<6272xf32, #tpu.memory_space<hbm>>
    tpu.wait_dma2 semaphore(%arg29 : memref<!tpu.dma_semaphore, #tpu.memory_space<semaphore_mem>>) src(%dma_wait3A_22 : memref<6272xf32, #tpu.memory_space<hbm>>) dst(%arg22 : memref<6272xf32, #tpu.memory_space<vmem>>)
    %dma_wait3A_23 = tpu.memref_slice %arg6[%mul3A_2] : memref<100352xf32, #tpu.memory_space<hbm>> -> memref<6272xf32, #tpu.memory_space<hbm>>
    %dma_wait3A_24 = tpu.memref_slice %arg6[%mul3A_2] : memref<100352xf32, #tpu.memory_space<hbm>> -> memref<6272xf32, #tpu.memory_space<hbm>>
    tpu.wait_dma2 semaphore(%arg29 : memref<!tpu.dma_semaphore, #tpu.memory_space<semaphore_mem>>) src(%dma_wait3A_24 : memref<6272xf32, #tpu.memory_space<hbm>>) dst(%arg23 : memref<6272xf32, #tpu.memory_space<vmem>>)
    %dma_wait3A_25 = tpu.memref_slice %arg7[%mul3A_2] : memref<100352xf32, #tpu.memory_space<hbm>> -> memref<6272xf32, #tpu.memory_space<hbm>>
    %dma_wait3A_26 = tpu.memref_slice %arg7[%mul3A_2] : memref<100352xf32, #tpu.memory_space<hbm>> -> memref<6272xf32, #tpu.memory_space<hbm>>
    tpu.wait_dma2 semaphore(%arg29 : memref<!tpu.dma_semaphore, #tpu.memory_space<semaphore_mem>>) src(%dma_wait3A_26 : memref<6272xf32, #tpu.memory_space<hbm>>) dst(%arg24 : memref<6272xf32, #tpu.memory_space<vmem>>)
    %dma_wait3A_27 = tpu.memref_slice %arg8[%mul3A_2] : memref<100352xf32, #tpu.memory_space<hbm>> -> memref<6272xf32, #tpu.memory_space<hbm>>
    %dma_wait3A_28 = tpu.memref_slice %arg8[%mul3A_2] : memref<100352xf32, #tpu.memory_space<hbm>> -> memref<6272xf32, #tpu.memory_space<hbm>>
    tpu.wait_dma2 semaphore(%arg29 : memref<!tpu.dma_semaphore, #tpu.memory_space<semaphore_mem>>) src(%dma_wait3A_28 : memref<6272xf32, #tpu.memory_space<hbm>>) dst(%arg25 : memref<6272xf32, #tpu.memory_space<vmem>>)
    %scan3A = arith.constant 0 : i32
    %scan3A_29 = arith.constant 0 : i32
    %scan3A_30 = arith.constant 392 : i32
    %scan3A_31 = arith.addi %scan3A_29, %scan3A_30 : i32
    %scan3A_32 = arith.constant 1 : i32
    scf.for %scan3A_64 = %scan3A_29 to %scan3A_31 step %scan3A_32  : i32 {
      %mul3A_65 = arith.constant 16 : i32
      %mul3A_66 = arith.muli %scan3A_64, %mul3A_65 : i32
      %get3A_67 = arith.index_cast %mul3A_66 : i32 to index
      %get3A_68 = tpu.vector_load %arg23[%get3A_67] {strides = array<i32>} : memref<6272xf32, #tpu.memory_space<vmem>>, vector<16xf32>,
      %get3A_69 = vector.shape_cast %get3A_68 : vector<16xf32> to vector<16xf32>
      %get3A_70 = arith.index_cast %mul3A_66 : i32 to index
      %get3A_71 = tpu.vector_load %arg20[%get3A_70] {strides = array<i32>} : memref<6272xf32, #tpu.memory_space<vmem>>, vector<16xf32>,
      %get3A_72 = vector.shape_cast %get3A_71 : vector<16xf32> to vector<16xf32>
      %get3A_73 = arith.index_cast %mul3A_66 : i32 to index
      %get3A_74 = tpu.vector_load %arg21[%get3A_73] {strides = array<i32>} : memref<6272xf32, #tpu.memory_space<vmem>>, vector<16xf32>,
      %get3A_75 = vector.shape_cast %get3A_74 : vector<16xf32> to vector<16xf32>
      %add3A_76 = arith.addf %get3A_72, %get3A_75 : vector<16xf32>
      %mul3A_77 = arith.mulf %get3A_69, %add3A_76 : vector<16xf32>
      %get3A_78 = arith.index_cast %mul3A_66 : i32 to index
      %get3A_79 = tpu.vector_load %arg22[%get3A_78] {strides = array<i32>} : memref<6272xf32, #tpu.memory_space<vmem>>, vector<16xf32>,
      %get3A_80 = vector.shape_cast %get3A_79 : vector<16xf32> to vector<16xf32>
      %get3A_81 = arith.index_cast %mul3A_66 : i32 to index
      %get3A_82 = tpu.vector_load %arg24[%get3A_81] {strides = array<i32>} : memref<6272xf32, #tpu.memory_space<vmem>>, vector<16xf32>,
      %get3A_83 = vector.shape_cast %get3A_82 : vector<16xf32> to vector<16xf32>
      %mul3A_84 = arith.mulf %get3A_80, %get3A_83 : vector<16xf32>
      %add3A_85 = arith.addf %mul3A_77, %mul3A_84 : vector<16xf32>
      %mul3A_86 = arith.mulf %add3A_85, %sub3A_17 : vector<16xf32>
      %get3A_87 = arith.index_cast %mul3A_66 : i32 to index
      %get3A_88 = tpu.vector_load %arg25[%get3A_87] {strides = array<i32>} : memref<6272xf32, #tpu.memory_space<vmem>>, vector<16xf32>,
      %get3A_89 = vector.shape_cast %get3A_88 : vector<16xf32> to vector<16xf32>
      %mul3A_90 = arith.mulf %get3A_15, %get3A_89 : vector<16xf32>
      %add3A_91 = arith.addf %mul3A_86, %mul3A_90 : vector<16xf32>
      %swap3A = arith.index_cast %mul3A_66 : i32 to index
      %swap3A_92 = tpu.vector_load %arg22[%swap3A] {strides = array<i32>} : memref<6272xf32, #tpu.memory_space<vmem>>, vector<16xf32>,
      %swap3A_93 = vector.shape_cast %swap3A_92 : vector<16xf32> to vector<16xf32>
      %swap3A_94 = vector.shape_cast %add3A_91 : vector<16xf32> to vector<16xf32>
      tpu.vector_store %arg22[%swap3A], %swap3A_94 {strides = array<i32>} : memref<6272xf32, #tpu.memory_space<vmem>>, vector<16xf32>,
      %get3A_95 = arith.index_cast %mul3A_66 : i32 to index
      %get3A_96 = tpu.vector_load %arg23[%get3A_95] {strides = array<i32>} : memref<6272xf32, #tpu.memory_space<vmem>>, vector<16xf32>,
      %get3A_97 = vector.shape_cast %get3A_96 : vector<16xf32> to vector<16xf32>
      %mul3A_98 = arith.mulf %get3A_97, %add3A_91 : vector<16xf32>
      %swap3A_99 = arith.index_cast %mul3A_66 : i32 to index
      %swap3A_100 = tpu.vector_load %arg20[%swap3A_99] {strides = array<i32>} : memref<6272xf32, #tpu.memory_space<vmem>>, vector<16xf32>,
      %swap3A_101 = vector.shape_cast %swap3A_100 : vector<16xf32> to vector<16xf32>
      %swap3A_102 = vector.shape_cast %mul3A_98 : vector<16xf32> to vector<16xf32>
      tpu.vector_store %arg20[%swap3A_99], %swap3A_102 {strides = array<i32>} : memref<6272xf32, #tpu.memory_space<vmem>>, vector<16xf32>,
    }
    %scan3A_33 = arith.constant 392 : i32
    "tpu.region"() ({
      %run_scoped3A = tpu.sem_alloc : memref<!tpu.dma_semaphore, #tpu.memory_space<semaphore_mem>>
      %dma_start3A_64 = tpu.memref_slice %arg27[%mul3A_2] : memref<100352xf32, #tpu.memory_space<vmem_shared>> -> memref<6272xf32, #tpu.memory_space<vmem_shared>>
      %dma_start3A_65 = tpu.memref_slice %arg27[%mul3A_2] : memref<100352xf32, #tpu.memory_space<vmem_shared>> -> memref<6272xf32, #tpu.memory_space<vmem_shared>>
      tpu.enqueue_dma source(%arg20 : memref<6272xf32, #tpu.memory_space<vmem>>) target(%dma_start3A_65 : memref<6272xf32, #tpu.memory_space<vmem_shared>>) target_semaphore(%run_scoped3A : memref<!tpu.dma_semaphore, #tpu.memory_space<semaphore_mem>>)
      %dma_wait3A_66 = tpu.memref_slice %arg27[%mul3A_2] : memref<100352xf32, #tpu.memory_space<vmem_shared>> -> memref<6272xf32, #tpu.memory_space<vmem_shared>>
      %dma_wait3A_67 = tpu.memref_slice %arg27[%mul3A_2] : memref<100352xf32, #tpu.memory_space<vmem_shared>> -> memref<6272xf32, #tpu.memory_space<vmem_shared>>
      tpu.wait_dma2 semaphore(%run_scoped3A : memref<!tpu.dma_semaphore, #tpu.memory_space<semaphore_mem>>) src(%arg20 : memref<6272xf32, #tpu.memory_space<vmem>>) dst(%dma_wait3A_67 : memref<6272xf32, #tpu.memory_space<vmem_shared>>)
      tpu.yield
    }) : () -> ()
    %eq3A = arith.constant 0 : i32
    %eq3A_34 = arith.cmpi eq, %arg0, %eq3A : i32
    %convert_element_type3A = arith.extui %eq3A_34 : i1 to i32
    %cond3A = arith.constant 0 : i32
    %cond3A_35 = arith.cmpi ne, %convert_element_type3A, %cond3A : i32
    scf.if %cond3A_35 {
      "tpu.region"() ({
        %run_scoped3A = tpu.sem_alloc : memref<!tpu.dma_semaphore, #tpu.memory_space<semaphore_mem>>
        %dma_start3A_64 = tpu.memref_slice %arg14[%mul3A_2] : memref<100352xf32, #tpu.memory_space<hbm>> -> memref<6272xf32, #tpu.memory_space<hbm>>
        %dma_start3A_65 = tpu.memref_slice %arg14[%mul3A_2] : memref<100352xf32, #tpu.memory_space<hbm>> -> memref<6272xf32, #tpu.memory_space<hbm>>
        tpu.enqueue_dma source(%arg22 : memref<6272xf32, #tpu.memory_space<vmem>>) target(%dma_start3A_65 : memref<6272xf32, #tpu.memory_space<hbm>>) target_semaphore(%run_scoped3A : memref<!tpu.dma_semaphore, #tpu.memory_space<semaphore_mem>>)
        %dma_wait3A_66 = tpu.memref_slice %arg14[%mul3A_2] : memref<100352xf32, #tpu.memory_space<hbm>> -> memref<6272xf32, #tpu.memory_space<hbm>>
        %dma_wait3A_67 = tpu.memref_slice %arg14[%mul3A_2] : memref<100352xf32, #tpu.memory_space<hbm>> -> memref<6272xf32, #tpu.memory_space<hbm>>
        tpu.wait_dma2 semaphore(%run_scoped3A : memref<!tpu.dma_semaphore, #tpu.memory_space<semaphore_mem>>) src(%arg22 : memref<6272xf32, #tpu.memory_space<vmem>>) dst(%dma_wait3A_67 : memref<6272xf32, #tpu.memory_space<hbm>>)
        tpu.yield
      }) : () -> ()
    } else {
    }
    %broadcast_in_dim3A = arith.constant 0.000000e+00 : f32
    %broadcast_in_dim3A_36 = vector.broadcast %broadcast_in_dim3A : f32 to vector<16xf32>
    %scan3A_37 = arith.constant 0 : i32
    %scan3A_38 = arith.constant 0 : i32
    %scan3A_39 = arith.constant 392 : i32
    %scan3A_40 = arith.addi %scan3A_38, %scan3A_39 : i32
    %scan3A_41 = arith.constant 1 : i32
    scf.for %scan3A_64 = %scan3A_38 to %scan3A_40 step %scan3A_41  : i32 {
      %mul3A_65 = arith.constant 16 : i32
      %mul3A_66 = arith.muli %scan3A_64, %mul3A_65 : i32
      %swap3A = arith.index_cast %mul3A_66 : i32 to index
      %swap3A_67 = tpu.vector_load %arg19[%swap3A] {strides = array<i32>} : memref<6272xf32, #tpu.memory_space<vmem>>, vector<16xf32>,
      %swap3A_68 = vector.shape_cast %swap3A_67 : vector<16xf32> to vector<16xf32>
      %swap3A_69 = vector.shape_cast %broadcast_in_dim3A_36 : vector<16xf32> to vector<16xf32>
      tpu.vector_store %arg19[%swap3A], %swap3A_69 {strides = array<i32>} : memref<6272xf32, #tpu.memory_space<vmem>>, vector<16xf32>,
    }
    %scan3A_42 = arith.constant 392 : i32
    "tpu.region"() ({
      %run_scoped3A = tpu.sem_alloc : memref<!tpu.dma_semaphore, #tpu.memory_space<semaphore_mem>>
      %dma_start3A_64 = tpu.memref_slice %arg28[%mul3A_2] : memref<100352xf32, #tpu.memory_space<vmem_shared>> -> memref<6272xf32, #tpu.memory_space<vmem_shared>>
      %dma_start3A_65 = tpu.memref_slice %arg28[%mul3A_2] : memref<100352xf32, #tpu.memory_space<vmem_shared>> -> memref<6272xf32, #tpu.memory_space<vmem_shared>>
      tpu.enqueue_dma source(%arg19 : memref<6272xf32, #tpu.memory_space<vmem>>) target(%dma_start3A_65 : memref<6272xf32, #tpu.memory_space<vmem_shared>>) target_semaphore(%run_scoped3A : memref<!tpu.dma_semaphore, #tpu.memory_space<semaphore_mem>>)
      %dma_wait3A_66 = tpu.memref_slice %arg28[%mul3A_2] : memref<100352xf32, #tpu.memory_space<vmem_shared>> -> memref<6272xf32, #tpu.memory_space<vmem_shared>>
      %dma_wait3A_67 = tpu.memref_slice %arg28[%mul3A_2] : memref<100352xf32, #tpu.memory_space<vmem_shared>> -> memref<6272xf32, #tpu.memory_space<vmem_shared>>
      tpu.wait_dma2 semaphore(%run_scoped3A : memref<!tpu.dma_semaphore, #tpu.memory_space<semaphore_mem>>) src(%arg19 : memref<6272xf32, #tpu.memory_space<vmem>>) dst(%dma_wait3A_67 : memref<6272xf32, #tpu.memory_space<vmem_shared>>)
      tpu.yield
    }) : () -> ()
    %barrier3A = arith.constant 0 : index
    tpu.barrier barrier_id(%barrier3A)
    %mul3A_43 = arith.constant 100000 : i32
    %mul3A_44 = arith.muli %add3A, %mul3A_43 : i32
    %scan3A_45 = arith.constant 0 : i32
    %scan3A_46 = arith.constant 0 : i32
    %scan3A_47 = arith.constant 10 : i32
    %scan3A_48 = arith.addi %scan3A_46, %scan3A_47 : i32
    %scan3A_49 = arith.constant 1 : i32
    scf.for %scan3A_64 = %scan3A_46 to %scan3A_48 step %scan3A_49  : i32 {
      %mul3A_65 = arith.constant 10000 : i32
      %mul3A_66 = arith.muli %scan3A_64, %mul3A_65 : i32
      %add3A_67 = arith.addi %mul3A_44, %mul3A_66 : i32
      %dma_start3A_68 = tpu.memref_slice %arg9[%add3A_67] : memref<3200000xi32, #tpu.memory_space<hbm>> -> memref<10000xi32, #tpu.memory_space<hbm>>
      %dma_start3A_69 = tpu.memref_slice %arg9[%add3A_67] : memref<3200000xi32, #tpu.memory_space<hbm>> -> memref<10000xi32, #tpu.memory_space<hbm>>
      tpu.enqueue_dma source(%dma_start3A_69 : memref<10000xi32, #tpu.memory_space<hbm>>) target(%arg15 : memref<10000xi32, #tpu.memory_space<vmem>>) target_semaphore(%arg29 : memref<!tpu.dma_semaphore, #tpu.memory_space<semaphore_mem>>)
      %dma_start3A_70 = tpu.memref_slice %arg11[%add3A_67] : memref<3200000xf32, #tpu.memory_space<hbm>> -> memref<10000xf32, #tpu.memory_space<hbm>>
      %dma_start3A_71 = tpu.memref_slice %arg11[%add3A_67] : memref<3200000xf32, #tpu.memory_space<hbm>> -> memref<10000xf32, #tpu.memory_space<hbm>>
      tpu.enqueue_dma source(%dma_start3A_71 : memref<10000xf32, #tpu.memory_space<hbm>>) target(%arg17 : memref<10000xf32, #tpu.memory_space<vmem>>) target_semaphore(%arg29 : memref<!tpu.dma_semaphore, #tpu.memory_space<semaphore_mem>>)
      %dma_start3A_72 = tpu.memref_slice %arg10[%add3A_67] : memref<3200000xi32, #tpu.memory_space<hbm>> -> memref<10000xi32, #tpu.memory_space<hbm>>
      %dma_start3A_73 = tpu.memref_slice %arg10[%add3A_67] : memref<3200000xi32, #tpu.memory_space<hbm>> -> memref<10000xi32, #tpu.memory_space<hbm>>
      tpu.enqueue_dma source(%dma_start3A_73 : memref<10000xi32, #tpu.memory_space<hbm>>) target(%arg16 : memref<10000xi32, #tpu.memory_space<vmem>>) target_semaphore(%arg29 : memref<!tpu.dma_semaphore, #tpu.memory_space<semaphore_mem>>)
      %dma_wait3A_74 = tpu.memref_slice %arg9[%add3A_67] : memref<3200000xi32, #tpu.memory_space<hbm>> -> memref<10000xi32, #tpu.memory_space<hbm>>
      %dma_wait3A_75 = tpu.memref_slice %arg9[%add3A_67] : memref<3200000xi32, #tpu.memory_space<hbm>> -> memref<10000xi32, #tpu.memory_space<hbm>>
      tpu.wait_dma2 semaphore(%arg29 : memref<!tpu.dma_semaphore, #tpu.memory_space<semaphore_mem>>) src(%dma_wait3A_75 : memref<10000xi32, #tpu.memory_space<hbm>>) dst(%arg15 : memref<10000xi32, #tpu.memory_space<vmem>>)
      "tpu.region"() ({
        %run_scoped3A = tpu.sem_alloc : memref<!tpu.dma_semaphore, #tpu.memory_space<semaphore_mem>>
        %dma_start3A_86 = arith.constant 0 : i32
        %dma_start3A_87 = tpu.memref_slice %arg27[%dma_start3A_86] : memref<100352xf32, #tpu.memory_space<vmem_shared>> -> memref<100352xf32, #tpu.memory_space<vmem_shared>>
        tpu.enqueue_indirect_dma source(%dma_start3A_87 : memref<100352xf32, #tpu.memory_space<vmem_shared>>) target(%arg18 : memref<10000xf32, #tpu.memory_space<vmem>>) offsets(%arg15 : memref<10000xi32, #tpu.memory_space<vmem>>) semaphore(%run_scoped3A : memref<!tpu.dma_semaphore, #tpu.memory_space<semaphore_mem>>)
        %dma_wait3A_88 = arith.constant 0 : i32
        %dma_wait3A_89 = tpu.memref_slice %arg27[%dma_wait3A_88] : memref<100352xf32, #tpu.memory_space<vmem_shared>> -> memref<100352xf32, #tpu.memory_space<vmem_shared>>
        tpu.wait_indirect_dma semaphore(%run_scoped3A : memref<!tpu.dma_semaphore, #tpu.memory_space<semaphore_mem>>) src(%dma_wait3A_89 : memref<100352xf32, #tpu.memory_space<vmem_shared>>) dst(%arg18 : memref<10000xf32, #tpu.memory_space<vmem>>)
        tpu.yield
      }) : () -> ()
      %dma_wait3A_76 = tpu.memref_slice %arg11[%add3A_67] : memref<3200000xf32, #tpu.memory_space<hbm>> -> memref<10000xf32, #tpu.memory_space<hbm>>
      %dma_wait3A_77 = tpu.memref_slice %arg11[%add3A_67] : memref<3200000xf32, #tpu.memory_space<hbm>> -> memref<10000xf32, #tpu.memory_space<hbm>>
      tpu.wait_dma2 semaphore(%arg29 : memref<!tpu.dma_semaphore, #tpu.memory_space<semaphore_mem>>) src(%dma_wait3A_77 : memref<10000xf32, #tpu.memory_space<hbm>>) dst(%arg17 : memref<10000xf32, #tpu.memory_space<vmem>>)
      %scan3A_78 = arith.constant 0 : i32
      %scan3A_79 = arith.constant 0 : i32
      %scan3A_80 = arith.constant 625 : i32
      %scan3A_81 = arith.addi %scan3A_79, %scan3A_80 : i32
      %scan3A_82 = arith.constant 1 : i32
      scf.for %scan3A_86 = %scan3A_79 to %scan3A_81 step %scan3A_82  : i32 {
        %mul3A_87 = arith.constant 16 : i32
        %mul3A_88 = arith.muli %scan3A_86, %mul3A_87 : i32
        %get3A_89 = arith.index_cast %mul3A_88 : i32 to index
        %get3A_90 = tpu.vector_load %arg18[%get3A_89] {strides = array<i32>} : memref<10000xf32, #tpu.memory_space<vmem>>, vector<16xf32>,
        %get3A_91 = vector.shape_cast %get3A_90 : vector<16xf32> to vector<16xf32>
        %get3A_92 = arith.index_cast %mul3A_88 : i32 to index
        %get3A_93 = tpu.vector_load %arg17[%get3A_92] {strides = array<i32>} : memref<10000xf32, #tpu.memory_space<vmem>>, vector<16xf32>,
        %get3A_94 = vector.shape_cast %get3A_93 : vector<16xf32> to vector<16xf32>
        %mul3A_95 = arith.mulf %get3A_91, %get3A_94 : vector<16xf32>
        %swap3A = arith.index_cast %mul3A_88 : i32 to index
        %swap3A_96 = tpu.vector_load %arg18[%swap3A] {strides = array<i32>} : memref<10000xf32, #tpu.memory_space<vmem>>, vector<16xf32>,
        %swap3A_97 = vector.shape_cast %swap3A_96 : vector<16xf32> to vector<16xf32>
        %swap3A_98 = vector.shape_cast %mul3A_95 : vector<16xf32> to vector<16xf32>
        tpu.vector_store %arg18[%swap3A], %swap3A_98 {strides = array<i32>} : memref<10000xf32, #tpu.memory_space<vmem>>, vector<16xf32>,
      }
      %scan3A_83 = arith.constant 625 : i32
      %dma_wait3A_84 = tpu.memref_slice %arg10[%add3A_67] : memref<3200000xi32, #tpu.memory_space<hbm>> -> memref<10000xi32, #tpu.memory_space<hbm>>
      %dma_wait3A_85 = tpu.memref_slice %arg10[%add3A_67] : memref<3200000xi32, #tpu.memory_space<hbm>> -> memref<10000xi32, #tpu.memory_space<hbm>>
      tpu.wait_dma2 semaphore(%arg29 : memref<!tpu.dma_semaphore, #tpu.memory_space<semaphore_mem>>) src(%dma_wait3A_85 : memref<10000xi32, #tpu.memory_space<hbm>>) dst(%arg16 : memref<10000xi32, #tpu.memory_space<vmem>>)
      "tpu.region"() ({
        %run_scoped3A = tpu.sem_alloc : memref<!tpu.dma_semaphore, #tpu.memory_space<semaphore_mem>>
        %dma_start3A_86 = arith.constant 0 : i32
        %dma_start3A_87 = tpu.memref_slice %arg28[%dma_start3A_86] : memref<100352xf32, #tpu.memory_space<vmem_shared>> -> memref<100352xf32, #tpu.memory_space<vmem_shared>>
        tpu.enqueue_indirect_dma source(%arg18 : memref<10000xf32, #tpu.memory_space<vmem>>) target(%dma_start3A_87 : memref<100352xf32, #tpu.memory_space<vmem_shared>>) offsets(%arg16 : memref<10000xi32, #tpu.memory_space<vmem>>) semaphore(%run_scoped3A : memref<!tpu.dma_semaphore, #tpu.memory_space<semaphore_mem>>) {add = true}
        %dma_wait3A_88 = arith.constant 0 : i32
        %dma_wait3A_89 = tpu.memref_slice %arg28[%dma_wait3A_88] : memref<100352xf32, #tpu.memory_space<vmem_shared>> -> memref<100352xf32, #tpu.memory_space<vmem_shared>>
        tpu.wait_indirect_dma semaphore(%run_scoped3A : memref<!tpu.dma_semaphore, #tpu.memory_space<semaphore_mem>>) src(%arg18 : memref<10000xf32, #tpu.memory_space<vmem>>) dst(%dma_wait3A_89 : memref<100352xf32, #tpu.memory_space<vmem_shared>>)
        tpu.yield
      }) : () -> ()
    }
    %scan3A_50 = arith.constant 10 : i32
    %barrier3A_51 = arith.constant 0 : index
    tpu.barrier barrier_id(%barrier3A_51)
    %mul3A_52 = arith.constant 6272 : i32
    %mul3A_53 = arith.muli %arg1, %mul3A_52 : i32
    %eq3A_54 = arith.constant 0 : i32
    %eq3A_55 = arith.cmpi eq, %arg0, %eq3A_54 : i32
    %convert_element_type3A_56 = arith.extui %eq3A_55 : i1 to i32
    %cond3A_57 = arith.constant 0 : i32
    %cond3A_58 = arith.cmpi ne, %convert_element_type3A_56, %cond3A_57 : i32
    scf.if %cond3A_58 {
      "tpu.region"() ({
        %run_scoped3A = tpu.sem_alloc : memref<!tpu.dma_semaphore, #tpu.memory_space<semaphore_mem>>
        %dma_start3A_64 = tpu.memref_slice %arg12[%mul3A_53] : memref<100352xf32, #tpu.memory_space<hbm>> -> memref<6272xf32, #tpu.memory_space<hbm>>
        %dma_start3A_65 = tpu.memref_slice %arg28[%mul3A_53] : memref<100352xf32, #tpu.memory_space<vmem_shared>> -> memref<6272xf32, #tpu.memory_space<vmem_shared>>
        tpu.enqueue_dma source(%dma_start3A_65 : memref<6272xf32, #tpu.memory_space<vmem_shared>>) target(%dma_start3A_64 : memref<6272xf32, #tpu.memory_space<hbm>>) target_semaphore(%run_scoped3A : memref<!tpu.dma_semaphore, #tpu.memory_space<semaphore_mem>>)
        %dma_wait3A_66 = tpu.memref_slice %arg12[%mul3A_53] : memref<100352xf32, #tpu.memory_space<hbm>> -> memref<6272xf32, #tpu.memory_space<hbm>>
        %dma_wait3A_67 = tpu.memref_slice %arg28[%mul3A_53] : memref<100352xf32, #tpu.memory_space<vmem_shared>> -> memref<6272xf32, #tpu.memory_space<vmem_shared>>
        tpu.wait_dma2 semaphore(%run_scoped3A : memref<!tpu.dma_semaphore, #tpu.memory_space<semaphore_mem>>) src(%dma_wait3A_67 : memref<6272xf32, #tpu.memory_space<vmem_shared>>) dst(%dma_wait3A_66 : memref<6272xf32, #tpu.memory_space<hbm>>)
        tpu.yield
      }) : () -> ()
    } else {
    }
    %eq3A_59 = arith.constant 1 : i32
    %eq3A_60 = arith.cmpi eq, %arg0, %eq3A_59 : i32
    %convert_element_type3A_61 = arith.extui %eq3A_60 : i1 to i32
    %cond3A_62 = arith.constant 0 : i32
    %cond3A_63 = arith.cmpi ne, %convert_element_type3A_61, %cond3A_62 : i32
    scf.if %cond3A_63 {
      "tpu.region"() ({
        %run_scoped3A = tpu.sem_alloc : memref<!tpu.dma_semaphore, #tpu.memory_space<semaphore_mem>>
        %dma_start3A_64 = tpu.memref_slice %arg13[%mul3A_53] : memref<100352xf32, #tpu.memory_space<hbm>> -> memref<6272xf32, #tpu.memory_space<hbm>>
        %dma_start3A_65 = tpu.memref_slice %arg28[%mul3A_53] : memref<100352xf32, #tpu.memory_space<vmem_shared>> -> memref<6272xf32, #tpu.memory_space<vmem_shared>>
        tpu.enqueue_dma source(%dma_start3A_65 : memref<6272xf32, #tpu.memory_space<vmem_shared>>) target(%dma_start3A_64 : memref<6272xf32, #tpu.memory_space<hbm>>) target_semaphore(%run_scoped3A : memref<!tpu.dma_semaphore, #tpu.memory_space<semaphore_mem>>)
        %dma_wait3A_66 = tpu.memref_slice %arg13[%mul3A_53] : memref<100352xf32, #tpu.memory_space<hbm>> -> memref<6272xf32, #tpu.memory_space<hbm>>
        %dma_wait3A_67 = tpu.memref_slice %arg28[%mul3A_53] : memref<100352xf32, #tpu.memory_space<vmem_shared>> -> memref<6272xf32, #tpu.memory_space<vmem_shared>>
        tpu.wait_dma2 semaphore(%run_scoped3A : memref<!tpu.dma_semaphore, #tpu.memory_space<semaphore_mem>>) src(%dma_wait3A_67 : memref<6272xf32, #tpu.memory_space<vmem_shared>>) dst(%dma_wait3A_66 : memref<6272xf32, #tpu.memory_space<hbm>>)
        tpu.yield
      }) : () -> ()
    } else {
    }
    return
  }
}

#map = affine_map<(d0, d1) -> (0)>
module attributes {stable_mosaic.version = 14 : i64} {
  func.func @body(%arg0: i32, %arg1: i32, %arg2: memref<16xf32, #tpu.memory_space<hbm>>, %arg3: memref<100352xf32, #tpu.memory_space<hbm>>, %arg4: memref<100352xf32, #tpu.memory_space<hbm>>, %arg5: memref<100352xf32, #tpu.memory_space<hbm>>, %arg6: memref<100352xf32, #tpu.memory_space<hbm>>, %arg7: memref<100352xf32, #tpu.memory_space<hbm>>, %arg8: memref<100352xf32, #tpu.memory_space<hbm>>, %arg9: memref<3200000xi32, #tpu.memory_space<hbm>>, %arg10: memref<3200000xi32, #tpu.memory_space<hbm>>, %arg11: memref<3200000xf32, #tpu.memory_space<hbm>>, %arg12: memref<100352xf32, #tpu.memory_space<hbm>>, %arg13: memref<100352xf32, #tpu.memory_space<hbm>>, %arg14: memref<100352xf32, #tpu.memory_space<hbm>>, %arg15: memref<10000xi32, #tpu.memory_space<vmem>>, %arg16: memref<10000xi32, #tpu.memory_space<vmem>>, %arg17: memref<10000xf32, #tpu.memory_space<vmem>>, %arg18: memref<10000xf32, #tpu.memory_space<vmem>>, %arg19: memref<6272xf32, #tpu.memory_space<vmem>>, %arg20: memref<6272xf32, #tpu.memory_space<vmem>>, %arg21: memref<6272xf32, #tpu.memory_space<vmem>>, %arg22: memref<6272xf32, #tpu.memory_space<vmem>>, %arg23: memref<6272xf32, #tpu.memory_space<vmem>>, %arg24: memref<6272xf32, #tpu.memory_space<vmem>>, %arg25: memref<6272xf32, #tpu.memory_space<vmem>>, %arg26: memref<16xf32, #tpu.memory_space<vmem>>, %arg27: memref<100352xf32, #tpu.memory_space<vmem_shared>>, %arg28: memref<100352xf32, #tpu.memory_space<vmem_shared>>, %arg29: memref<!tpu.dma_semaphore, #tpu.memory_space<semaphore_mem>>) attributes {dimension_semantics = [#tpu.dimension_semantics<core_parallel>, #tpu.dimension_semantics<subcore_parallel>], iteration_bounds = array<i64: 2, 16>, scalar_prefetch = 0 : i64, scratch_operands = 15 : i64, tpu.core_type = #tpu.core_type<sc_vector_subcore>, window_params = [{transform_indices = #map}, {transform_indices = #map}, {transform_indices = #map}, {transform_indices = #map}, {transform_indices = #map}, {transform_indices = #map}, {transform_indices = #map}, {transform_indices = #map}, {transform_indices = #map}, {transform_indices = #map}, {transform_indices = #map}, {transform_indices = #map}, {transform_indices = #map}]} {
    %mul3A = arith.constant 16 : i32
    %mul3A_0 = arith.muli %arg0, %mul3A : i32
    %add3A = arith.addi %mul3A_0, %arg1 : i32
    %mul3A_1 = arith.constant 6272 : i32
    %mul3A_2 = arith.muli %arg1, %mul3A_1 : i32
    "tpu.region"() ({
      %run_scoped3A = tpu.sem_alloc : memref<!tpu.dma_semaphore, #tpu.memory_space<semaphore_mem>>
      tpu.enqueue_dma source(%arg2 : memref<16xf32, #tpu.memory_space<hbm>>) target(%arg26 : memref<16xf32, #tpu.memory_space<vmem>>) target_semaphore(%run_scoped3A : memref<!tpu.dma_semaphore, #tpu.memory_space<semaphore_mem>>)
      tpu.wait_dma2 semaphore(%run_scoped3A : memref<!tpu.dma_semaphore, #tpu.memory_space<semaphore_mem>>) src(%arg2 : memref<16xf32, #tpu.memory_space<hbm>>) dst(%arg26 : memref<16xf32, #tpu.memory_space<vmem>>)
      tpu.yield
    }) : () -> ()
    %dma_start3A = tpu.memref_slice %arg3[%mul3A_2] : memref<100352xf32, #tpu.memory_space<hbm>> -> memref<6272xf32, #tpu.memory_space<hbm>>
    %dma_start3A_3 = tpu.memref_slice %arg3[%mul3A_2] : memref<100352xf32, #tpu.memory_space<hbm>> -> memref<6272xf32, #tpu.memory_space<hbm>>
    tpu.enqueue_dma source(%dma_start3A_3 : memref<6272xf32, #tpu.memory_space<hbm>>) target(%arg20 : memref<6272xf32, #tpu.memory_space<vmem>>) target_semaphore(%arg29 : memref<!tpu.dma_semaphore, #tpu.memory_space<semaphore_mem>>)
    %dma_start3A_4 = tpu.memref_slice %arg4[%mul3A_2] : memref<100352xf32, #tpu.memory_space<hbm>> -> memref<6272xf32, #tpu.memory_space<hbm>>
    %dma_start3A_5 = tpu.memref_slice %arg4[%mul3A_2] : memref<100352xf32, #tpu.memory_space<hbm>> -> memref<6272xf32, #tpu.memory_space<hbm>>
    tpu.enqueue_dma source(%dma_start3A_5 : memref<6272xf32, #tpu.memory_space<hbm>>) target(%arg21 : memref<6272xf32, #tpu.memory_space<vmem>>) target_semaphore(%arg29 : memref<!tpu.dma_semaphore, #tpu.memory_space<semaphore_mem>>)
    %dma_start3A_6 = tpu.memref_slice %arg5[%mul3A_2] : memref<100352xf32, #tpu.memory_space<hbm>> -> memref<6272xf32, #tpu.memory_space<hbm>>
    %dma_start3A_7 = tpu.memref_slice %arg5[%mul3A_2] : memref<100352xf32, #tpu.memory_space<hbm>> -> memref<6272xf32, #tpu.memory_space<hbm>>
    tpu.enqueue_dma source(%dma_start3A_7 : memref<6272xf32, #tpu.memory_space<hbm>>) target(%arg22 : memref<6272xf32, #tpu.memory_space<vmem>>) target_semaphore(%arg29 : memref<!tpu.dma_semaphore, #tpu.memory_space<semaphore_mem>>)
    %dma_start3A_8 = tpu.memref_slice %arg6[%mul3A_2] : memref<100352xf32, #tpu.memory_space<hbm>> -> memref<6272xf32, #tpu.memory_space<hbm>>
    %dma_start3A_9 = tpu.memref_slice %arg6[%mul3A_2] : memref<100352xf32, #tpu.memory_space<hbm>> -> memref<6272xf32, #tpu.memory_space<hbm>>
    tpu.enqueue_dma source(%dma_start3A_9 : memref<6272xf32, #tpu.memory_space<hbm>>) target(%arg23 : memref<6272xf32, #tpu.memory_space<vmem>>) target_semaphore(%arg29 : memref<!tpu.dma_semaphore, #tpu.memory_space<semaphore_mem>>)
    %dma_start3A_10 = tpu.memref_slice %arg7[%mul3A_2] : memref<100352xf32, #tpu.memory_space<hbm>> -> memref<6272xf32, #tpu.memory_space<hbm>>
    %dma_start3A_11 = tpu.memref_slice %arg7[%mul3A_2] : memref<100352xf32, #tpu.memory_space<hbm>> -> memref<6272xf32, #tpu.memory_space<hbm>>
    tpu.enqueue_dma source(%dma_start3A_11 : memref<6272xf32, #tpu.memory_space<hbm>>) target(%arg24 : memref<6272xf32, #tpu.memory_space<vmem>>) target_semaphore(%arg29 : memref<!tpu.dma_semaphore, #tpu.memory_space<semaphore_mem>>)
    %dma_start3A_12 = tpu.memref_slice %arg8[%mul3A_2] : memref<100352xf32, #tpu.memory_space<hbm>> -> memref<6272xf32, #tpu.memory_space<hbm>>
    %dma_start3A_13 = tpu.memref_slice %arg8[%mul3A_2] : memref<100352xf32, #tpu.memory_space<hbm>> -> memref<6272xf32, #tpu.memory_space<hbm>>
    tpu.enqueue_dma source(%dma_start3A_13 : memref<6272xf32, #tpu.memory_space<hbm>>) target(%arg25 : memref<6272xf32, #tpu.memory_space<vmem>>) target_semaphore(%arg29 : memref<!tpu.dma_semaphore, #tpu.memory_space<semaphore_mem>>)
    %get3A = arith.constant 0 : index
    %get3A_14 = tpu.vector_load %arg26[%get3A] {strides = array<i32>} : memref<16xf32, #tpu.memory_space<vmem>>, vector<16xf32>,
    %get3A_15 = vector.shape_cast %get3A_14 : vector<16xf32> to vector<16xf32>
    %sub3A = arith.constant 1.000000e+00 : f32
    %sub3A_16 = vector.broadcast %sub3A : f32 to vector<16xf32>
    %sub3A_17 = arith.subf %sub3A_16, %get3A_15 : vector<16xf32>
    %dma_wait3A = tpu.memref_slice %arg3[%mul3A_2] : memref<100352xf32, #tpu.memory_space<hbm>> -> memref<6272xf32, #tpu.memory_space<hbm>>
    %dma_wait3A_18 = tpu.memref_slice %arg3[%mul3A_2] : memref<100352xf32, #tpu.memory_space<hbm>> -> memref<6272xf32, #tpu.memory_space<hbm>>
    tpu.wait_dma2 semaphore(%arg29 : memref<!tpu.dma_semaphore, #tpu.memory_space<semaphore_mem>>) src(%dma_wait3A_18 : memref<6272xf32, #tpu.memory_space<hbm>>) dst(%arg20 : memref<6272xf32, #tpu.memory_space<vmem>>)
    %dma_wait3A_19 = tpu.memref_slice %arg4[%mul3A_2] : memref<100352xf32, #tpu.memory_space<hbm>> -> memref<6272xf32, #tpu.memory_space<hbm>>
    %dma_wait3A_20 = tpu.memref_slice %arg4[%mul3A_2] : memref<100352xf32, #tpu.memory_space<hbm>> -> memref<6272xf32, #tpu.memory_space<hbm>>
    tpu.wait_dma2 semaphore(%arg29 : memref<!tpu.dma_semaphore, #tpu.memory_space<semaphore_mem>>) src(%dma_wait3A_20 : memref<6272xf32, #tpu.memory_space<hbm>>) dst(%arg21 : memref<6272xf32, #tpu.memory_space<vmem>>)
    %dma_wait3A_21 = tpu.memref_slice %arg5[%mul3A_2] : memref<100352xf32, #tpu.memory_space<hbm>> -> memref<6272xf32, #tpu.memory_space<hbm>>
    %dma_wait3A_22 = tpu.memref_slice %arg5[%mul3A_2] : memref<100352xf32, #tpu.memory_space<hbm>> -> memref<6272xf32, #tpu.memory_space<hbm>>
    tpu.wait_dma2 semaphore(%arg29 : memref<!tpu.dma_semaphore, #tpu.memory_space<semaphore_mem>>) src(%dma_wait3A_22 : memref<6272xf32, #tpu.memory_space<hbm>>) dst(%arg22 : memref<6272xf32, #tpu.memory_space<vmem>>)
    %dma_wait3A_23 = tpu.memref_slice %arg6[%mul3A_2] : memref<100352xf32, #tpu.memory_space<hbm>> -> memref<6272xf32, #tpu.memory_space<hbm>>
    %dma_wait3A_24 = tpu.memref_slice %arg6[%mul3A_2] : memref<100352xf32, #tpu.memory_space<hbm>> -> memref<6272xf32, #tpu.memory_space<hbm>>
    tpu.wait_dma2 semaphore(%arg29 : memref<!tpu.dma_semaphore, #tpu.memory_space<semaphore_mem>>) src(%dma_wait3A_24 : memref<6272xf32, #tpu.memory_space<hbm>>) dst(%arg23 : memref<6272xf32, #tpu.memory_space<vmem>>)
    %dma_wait3A_25 = tpu.memref_slice %arg7[%mul3A_2] : memref<100352xf32, #tpu.memory_space<hbm>> -> memref<6272xf32, #tpu.memory_space<hbm>>
    %dma_wait3A_26 = tpu.memref_slice %arg7[%mul3A_2] : memref<100352xf32, #tpu.memory_space<hbm>> -> memref<6272xf32, #tpu.memory_space<hbm>>
    tpu.wait_dma2 semaphore(%arg29 : memref<!tpu.dma_semaphore, #tpu.memory_space<semaphore_mem>>) src(%dma_wait3A_26 : memref<6272xf32, #tpu.memory_space<hbm>>) dst(%arg24 : memref<6272xf32, #tpu.memory_space<vmem>>)
    %dma_wait3A_27 = tpu.memref_slice %arg8[%mul3A_2] : memref<100352xf32, #tpu.memory_space<hbm>> -> memref<6272xf32, #tpu.memory_space<hbm>>
    %dma_wait3A_28 = tpu.memref_slice %arg8[%mul3A_2] : memref<100352xf32, #tpu.memory_space<hbm>> -> memref<6272xf32, #tpu.memory_space<hbm>>
    tpu.wait_dma2 semaphore(%arg29 : memref<!tpu.dma_semaphore, #tpu.memory_space<semaphore_mem>>) src(%dma_wait3A_28 : memref<6272xf32, #tpu.memory_space<hbm>>) dst(%arg25 : memref<6272xf32, #tpu.memory_space<vmem>>)
    %scan3A = arith.constant 0 : i32
    %scan3A_29 = arith.constant 0 : i32
    %scan3A_30 = arith.constant 392 : i32
    %scan3A_31 = arith.addi %scan3A_29, %scan3A_30 : i32
    %scan3A_32 = arith.constant 1 : i32
    scf.for %scan3A_64 = %scan3A_29 to %scan3A_31 step %scan3A_32  : i32 {
      %mul3A_65 = arith.constant 16 : i32
      %mul3A_66 = arith.muli %scan3A_64, %mul3A_65 : i32
      %get3A_67 = arith.index_cast %mul3A_66 : i32 to index
      %get3A_68 = tpu.vector_load %arg23[%get3A_67] {strides = array<i32>} : memref<6272xf32, #tpu.memory_space<vmem>>, vector<16xf32>,
      %get3A_69 = vector.shape_cast %get3A_68 : vector<16xf32> to vector<16xf32>
      %get3A_70 = arith.index_cast %mul3A_66 : i32 to index
      %get3A_71 = tpu.vector_load %arg20[%get3A_70] {strides = array<i32>} : memref<6272xf32, #tpu.memory_space<vmem>>, vector<16xf32>,
      %get3A_72 = vector.shape_cast %get3A_71 : vector<16xf32> to vector<16xf32>
      %get3A_73 = arith.index_cast %mul3A_66 : i32 to index
      %get3A_74 = tpu.vector_load %arg21[%get3A_73] {strides = array<i32>} : memref<6272xf32, #tpu.memory_space<vmem>>, vector<16xf32>,
      %get3A_75 = vector.shape_cast %get3A_74 : vector<16xf32> to vector<16xf32>
      %add3A_76 = arith.addf %get3A_72, %get3A_75 : vector<16xf32>
      %mul3A_77 = arith.mulf %get3A_69, %add3A_76 : vector<16xf32>
      %get3A_78 = arith.index_cast %mul3A_66 : i32 to index
      %get3A_79 = tpu.vector_load %arg22[%get3A_78] {strides = array<i32>} : memref<6272xf32, #tpu.memory_space<vmem>>, vector<16xf32>,
      %get3A_80 = vector.shape_cast %get3A_79 : vector<16xf32> to vector<16xf32>
      %get3A_81 = arith.index_cast %mul3A_66 : i32 to index
      %get3A_82 = tpu.vector_load %arg24[%get3A_81] {strides = array<i32>} : memref<6272xf32, #tpu.memory_space<vmem>>, vector<16xf32>,
      %get3A_83 = vector.shape_cast %get3A_82 : vector<16xf32> to vector<16xf32>
      %mul3A_84 = arith.mulf %get3A_80, %get3A_83 : vector<16xf32>
      %add3A_85 = arith.addf %mul3A_77, %mul3A_84 : vector<16xf32>
      %mul3A_86 = arith.mulf %add3A_85, %sub3A_17 : vector<16xf32>
      %get3A_87 = arith.index_cast %mul3A_66 : i32 to index
      %get3A_88 = tpu.vector_load %arg25[%get3A_87] {strides = array<i32>} : memref<6272xf32, #tpu.memory_space<vmem>>, vector<16xf32>,
      %get3A_89 = vector.shape_cast %get3A_88 : vector<16xf32> to vector<16xf32>
      %mul3A_90 = arith.mulf %get3A_15, %get3A_89 : vector<16xf32>
      %add3A_91 = arith.addf %mul3A_86, %mul3A_90 : vector<16xf32>
      %swap3A = arith.index_cast %mul3A_66 : i32 to index
      %swap3A_92 = tpu.vector_load %arg22[%swap3A] {strides = array<i32>} : memref<6272xf32, #tpu.memory_space<vmem>>, vector<16xf32>,
      %swap3A_93 = vector.shape_cast %swap3A_92 : vector<16xf32> to vector<16xf32>
      %swap3A_94 = vector.shape_cast %add3A_91 : vector<16xf32> to vector<16xf32>
      tpu.vector_store %arg22[%swap3A], %swap3A_94 {strides = array<i32>} : memref<6272xf32, #tpu.memory_space<vmem>>, vector<16xf32>,
      %get3A_95 = arith.index_cast %mul3A_66 : i32 to index
      %get3A_96 = tpu.vector_load %arg23[%get3A_95] {strides = array<i32>} : memref<6272xf32, #tpu.memory_space<vmem>>, vector<16xf32>,
      %get3A_97 = vector.shape_cast %get3A_96 : vector<16xf32> to vector<16xf32>
      %mul3A_98 = arith.mulf %get3A_97, %add3A_91 : vector<16xf32>
      %swap3A_99 = arith.index_cast %mul3A_66 : i32 to index
      %swap3A_100 = tpu.vector_load %arg20[%swap3A_99] {strides = array<i32>} : memref<6272xf32, #tpu.memory_space<vmem>>, vector<16xf32>,
      %swap3A_101 = vector.shape_cast %swap3A_100 : vector<16xf32> to vector<16xf32>
      %swap3A_102 = vector.shape_cast %mul3A_98 : vector<16xf32> to vector<16xf32>
      tpu.vector_store %arg20[%swap3A_99], %swap3A_102 {strides = array<i32>} : memref<6272xf32, #tpu.memory_space<vmem>>, vector<16xf32>,
    }
    %scan3A_33 = arith.constant 392 : i32
    "tpu.region"() ({
      %run_scoped3A = tpu.sem_alloc : memref<!tpu.dma_semaphore, #tpu.memory_space<semaphore_mem>>
      %dma_start3A_64 = tpu.memref_slice %arg27[%mul3A_2] : memref<100352xf32, #tpu.memory_space<vmem_shared>> -> memref<6272xf32, #tpu.memory_space<vmem_shared>>
      %dma_start3A_65 = tpu.memref_slice %arg27[%mul3A_2] : memref<100352xf32, #tpu.memory_space<vmem_shared>> -> memref<6272xf32, #tpu.memory_space<vmem_shared>>
      tpu.enqueue_dma source(%arg20 : memref<6272xf32, #tpu.memory_space<vmem>>) target(%dma_start3A_65 : memref<6272xf32, #tpu.memory_space<vmem_shared>>) target_semaphore(%run_scoped3A : memref<!tpu.dma_semaphore, #tpu.memory_space<semaphore_mem>>)
      %dma_wait3A_66 = tpu.memref_slice %arg27[%mul3A_2] : memref<100352xf32, #tpu.memory_space<vmem_shared>> -> memref<6272xf32, #tpu.memory_space<vmem_shared>>
      %dma_wait3A_67 = tpu.memref_slice %arg27[%mul3A_2] : memref<100352xf32, #tpu.memory_space<vmem_shared>> -> memref<6272xf32, #tpu.memory_space<vmem_shared>>
      tpu.wait_dma2 semaphore(%run_scoped3A : memref<!tpu.dma_semaphore, #tpu.memory_space<semaphore_mem>>) src(%arg20 : memref<6272xf32, #tpu.memory_space<vmem>>) dst(%dma_wait3A_67 : memref<6272xf32, #tpu.memory_space<vmem_shared>>)
      tpu.yield
    }) : () -> ()
    %eq3A = arith.constant 0 : i32
    %eq3A_34 = arith.cmpi eq, %arg0, %eq3A : i32
    %convert_element_type3A = arith.extui %eq3A_34 : i1 to i32
    %cond3A = arith.constant 0 : i32
    %cond3A_35 = arith.cmpi ne, %convert_element_type3A, %cond3A : i32
    scf.if %cond3A_35 {
      "tpu.region"() ({
        %run_scoped3A = tpu.sem_alloc : memref<!tpu.dma_semaphore, #tpu.memory_space<semaphore_mem>>
        %dma_start3A_64 = tpu.memref_slice %arg14[%mul3A_2] : memref<100352xf32, #tpu.memory_space<hbm>> -> memref<6272xf32, #tpu.memory_space<hbm>>
        %dma_start3A_65 = tpu.memref_slice %arg14[%mul3A_2] : memref<100352xf32, #tpu.memory_space<hbm>> -> memref<6272xf32, #tpu.memory_space<hbm>>
        tpu.enqueue_dma source(%arg22 : memref<6272xf32, #tpu.memory_space<vmem>>) target(%dma_start3A_65 : memref<6272xf32, #tpu.memory_space<hbm>>) target_semaphore(%run_scoped3A : memref<!tpu.dma_semaphore, #tpu.memory_space<semaphore_mem>>)
        %dma_wait3A_66 = tpu.memref_slice %arg14[%mul3A_2] : memref<100352xf32, #tpu.memory_space<hbm>> -> memref<6272xf32, #tpu.memory_space<hbm>>
        %dma_wait3A_67 = tpu.memref_slice %arg14[%mul3A_2] : memref<100352xf32, #tpu.memory_space<hbm>> -> memref<6272xf32, #tpu.memory_space<hbm>>
        tpu.wait_dma2 semaphore(%run_scoped3A : memref<!tpu.dma_semaphore, #tpu.memory_space<semaphore_mem>>) src(%arg22 : memref<6272xf32, #tpu.memory_space<vmem>>) dst(%dma_wait3A_67 : memref<6272xf32, #tpu.memory_space<hbm>>)
        tpu.yield
      }) : () -> ()
    } else {
    }
    %broadcast_in_dim3A = arith.constant 0.000000e+00 : f32
    %broadcast_in_dim3A_36 = vector.broadcast %broadcast_in_dim3A : f32 to vector<16xf32>
    %scan3A_37 = arith.constant 0 : i32
    %scan3A_38 = arith.constant 0 : i32
    %scan3A_39 = arith.constant 392 : i32
    %scan3A_40 = arith.addi %scan3A_38, %scan3A_39 : i32
    %scan3A_41 = arith.constant 1 : i32
    scf.for %scan3A_64 = %scan3A_38 to %scan3A_40 step %scan3A_41  : i32 {
      %mul3A_65 = arith.constant 16 : i32
      %mul3A_66 = arith.muli %scan3A_64, %mul3A_65 : i32
      %swap3A = arith.index_cast %mul3A_66 : i32 to index
      %swap3A_67 = tpu.vector_load %arg19[%swap3A] {strides = array<i32>} : memref<6272xf32, #tpu.memory_space<vmem>>, vector<16xf32>,
      %swap3A_68 = vector.shape_cast %swap3A_67 : vector<16xf32> to vector<16xf32>
      %swap3A_69 = vector.shape_cast %broadcast_in_dim3A_36 : vector<16xf32> to vector<16xf32>
      tpu.vector_store %arg19[%swap3A], %swap3A_69 {strides = array<i32>} : memref<6272xf32, #tpu.memory_space<vmem>>, vector<16xf32>,
    }
    %scan3A_42 = arith.constant 392 : i32
    "tpu.region"() ({
      %run_scoped3A = tpu.sem_alloc : memref<!tpu.dma_semaphore, #tpu.memory_space<semaphore_mem>>
      %dma_start3A_64 = tpu.memref_slice %arg28[%mul3A_2] : memref<100352xf32, #tpu.memory_space<vmem_shared>> -> memref<6272xf32, #tpu.memory_space<vmem_shared>>
      %dma_start3A_65 = tpu.memref_slice %arg28[%mul3A_2] : memref<100352xf32, #tpu.memory_space<vmem_shared>> -> memref<6272xf32, #tpu.memory_space<vmem_shared>>
      tpu.enqueue_dma source(%arg19 : memref<6272xf32, #tpu.memory_space<vmem>>) target(%dma_start3A_65 : memref<6272xf32, #tpu.memory_space<vmem_shared>>) target_semaphore(%run_scoped3A : memref<!tpu.dma_semaphore, #tpu.memory_space<semaphore_mem>>)
      %dma_wait3A_66 = tpu.memref_slice %arg28[%mul3A_2] : memref<100352xf32, #tpu.memory_space<vmem_shared>> -> memref<6272xf32, #tpu.memory_space<vmem_shared>>
      %dma_wait3A_67 = tpu.memref_slice %arg28[%mul3A_2] : memref<100352xf32, #tpu.memory_space<vmem_shared>> -> memref<6272xf32, #tpu.memory_space<vmem_shared>>
      tpu.wait_dma2 semaphore(%run_scoped3A : memref<!tpu.dma_semaphore, #tpu.memory_space<semaphore_mem>>) src(%arg19 : memref<6272xf32, #tpu.memory_space<vmem>>) dst(%dma_wait3A_67 : memref<6272xf32, #tpu.memory_space<vmem_shared>>)
      tpu.yield
    }) : () -> ()
    %barrier3A = arith.constant 0 : index
    tpu.barrier barrier_id(%barrier3A)
    %mul3A_43 = arith.constant 100000 : i32
    %mul3A_44 = arith.muli %add3A, %mul3A_43 : i32
    %scan3A_45 = arith.constant 0 : i32
    %scan3A_46 = arith.constant 0 : i32
    %scan3A_47 = arith.constant 10 : i32
    %scan3A_48 = arith.addi %scan3A_46, %scan3A_47 : i32
    %scan3A_49 = arith.constant 1 : i32
    scf.for %scan3A_64 = %scan3A_46 to %scan3A_48 step %scan3A_49  : i32 {
      %mul3A_65 = arith.constant 10000 : i32
      %mul3A_66 = arith.muli %scan3A_64, %mul3A_65 : i32
      %add3A_67 = arith.addi %mul3A_44, %mul3A_66 : i32
      %dma_start3A_68 = tpu.memref_slice %arg9[%add3A_67] : memref<3200000xi32, #tpu.memory_space<hbm>> -> memref<10000xi32, #tpu.memory_space<hbm>>
      %dma_start3A_69 = tpu.memref_slice %arg9[%add3A_67] : memref<3200000xi32, #tpu.memory_space<hbm>> -> memref<10000xi32, #tpu.memory_space<hbm>>
      tpu.enqueue_dma source(%dma_start3A_69 : memref<10000xi32, #tpu.memory_space<hbm>>) target(%arg15 : memref<10000xi32, #tpu.memory_space<vmem>>) target_semaphore(%arg29 : memref<!tpu.dma_semaphore, #tpu.memory_space<semaphore_mem>>)
      %dma_start3A_70 = tpu.memref_slice %arg11[%add3A_67] : memref<3200000xf32, #tpu.memory_space<hbm>> -> memref<10000xf32, #tpu.memory_space<hbm>>
      %dma_start3A_71 = tpu.memref_slice %arg11[%add3A_67] : memref<3200000xf32, #tpu.memory_space<hbm>> -> memref<10000xf32, #tpu.memory_space<hbm>>
      tpu.enqueue_dma source(%dma_start3A_71 : memref<10000xf32, #tpu.memory_space<hbm>>) target(%arg17 : memref<10000xf32, #tpu.memory_space<vmem>>) target_semaphore(%arg29 : memref<!tpu.dma_semaphore, #tpu.memory_space<semaphore_mem>>)
      %dma_start3A_72 = tpu.memref_slice %arg10[%add3A_67] : memref<3200000xi32, #tpu.memory_space<hbm>> -> memref<10000xi32, #tpu.memory_space<hbm>>
      %dma_start3A_73 = tpu.memref_slice %arg10[%add3A_67] : memref<3200000xi32, #tpu.memory_space<hbm>> -> memref<10000xi32, #tpu.memory_space<hbm>>
      tpu.enqueue_dma source(%dma_start3A_73 : memref<10000xi32, #tpu.memory_space<hbm>>) target(%arg16 : memref<10000xi32, #tpu.memory_space<vmem>>) target_semaphore(%arg29 : memref<!tpu.dma_semaphore, #tpu.memory_space<semaphore_mem>>)
      %dma_wait3A_74 = tpu.memref_slice %arg9[%add3A_67] : memref<3200000xi32, #tpu.memory_space<hbm>> -> memref<10000xi32, #tpu.memory_space<hbm>>
      %dma_wait3A_75 = tpu.memref_slice %arg9[%add3A_67] : memref<3200000xi32, #tpu.memory_space<hbm>> -> memref<10000xi32, #tpu.memory_space<hbm>>
      tpu.wait_dma2 semaphore(%arg29 : memref<!tpu.dma_semaphore, #tpu.memory_space<semaphore_mem>>) src(%dma_wait3A_75 : memref<10000xi32, #tpu.memory_space<hbm>>) dst(%arg15 : memref<10000xi32, #tpu.memory_space<vmem>>)
      "tpu.region"() ({
        %run_scoped3A = tpu.sem_alloc : memref<!tpu.dma_semaphore, #tpu.memory_space<semaphore_mem>>
        %dma_start3A_86 = arith.constant 0 : i32
        %dma_start3A_87 = tpu.memref_slice %arg27[%dma_start3A_86] : memref<100352xf32, #tpu.memory_space<vmem_shared>> -> memref<100352xf32, #tpu.memory_space<vmem_shared>>
        tpu.enqueue_indirect_dma source(%dma_start3A_87 : memref<100352xf32, #tpu.memory_space<vmem_shared>>) target(%arg18 : memref<10000xf32, #tpu.memory_space<vmem>>) offsets(%arg15 : memref<10000xi32, #tpu.memory_space<vmem>>) semaphore(%run_scoped3A : memref<!tpu.dma_semaphore, #tpu.memory_space<semaphore_mem>>)
        %dma_wait3A_88 = arith.constant 0 : i32
        %dma_wait3A_89 = tpu.memref_slice %arg27[%dma_wait3A_88] : memref<100352xf32, #tpu.memory_space<vmem_shared>> -> memref<100352xf32, #tpu.memory_space<vmem_shared>>
        tpu.wait_indirect_dma semaphore(%run_scoped3A : memref<!tpu.dma_semaphore, #tpu.memory_space<semaphore_mem>>) src(%dma_wait3A_89 : memref<100352xf32, #tpu.memory_space<vmem_shared>>) dst(%arg18 : memref<10000xf32, #tpu.memory_space<vmem>>)
        tpu.yield
      }) : () -> ()
      %dma_wait3A_76 = tpu.memref_slice %arg11[%add3A_67] : memref<3200000xf32, #tpu.memory_space<hbm>> -> memref<10000xf32, #tpu.memory_space<hbm>>
      %dma_wait3A_77 = tpu.memref_slice %arg11[%add3A_67] : memref<3200000xf32, #tpu.memory_space<hbm>> -> memref<10000xf32, #tpu.memory_space<hbm>>
      tpu.wait_dma2 semaphore(%arg29 : memref<!tpu.dma_semaphore, #tpu.memory_space<semaphore_mem>>) src(%dma_wait3A_77 : memref<10000xf32, #tpu.memory_space<hbm>>) dst(%arg17 : memref<10000xf32, #tpu.memory_space<vmem>>)
      %scan3A_78 = arith.constant 0 : i32
      %scan3A_79 = arith.constant 0 : i32
      %scan3A_80 = arith.constant 625 : i32
      %scan3A_81 = arith.addi %scan3A_79, %scan3A_80 : i32
      %scan3A_82 = arith.constant 1 : i32
      scf.for %scan3A_86 = %scan3A_79 to %scan3A_81 step %scan3A_82  : i32 {
        %mul3A_87 = arith.constant 16 : i32
        %mul3A_88 = arith.muli %scan3A_86, %mul3A_87 : i32
        %get3A_89 = arith.index_cast %mul3A_88 : i32 to index
        %get3A_90 = tpu.vector_load %arg18[%get3A_89] {strides = array<i32>} : memref<10000xf32, #tpu.memory_space<vmem>>, vector<16xf32>,
        %get3A_91 = vector.shape_cast %get3A_90 : vector<16xf32> to vector<16xf32>
        %get3A_92 = arith.index_cast %mul3A_88 : i32 to index
        %get3A_93 = tpu.vector_load %arg17[%get3A_92] {strides = array<i32>} : memref<10000xf32, #tpu.memory_space<vmem>>, vector<16xf32>,
        %get3A_94 = vector.shape_cast %get3A_93 : vector<16xf32> to vector<16xf32>
        %mul3A_95 = arith.mulf %get3A_91, %get3A_94 : vector<16xf32>
        %swap3A = arith.index_cast %mul3A_88 : i32 to index
        %swap3A_96 = tpu.vector_load %arg18[%swap3A] {strides = array<i32>} : memref<10000xf32, #tpu.memory_space<vmem>>, vector<16xf32>,
        %swap3A_97 = vector.shape_cast %swap3A_96 : vector<16xf32> to vector<16xf32>
        %swap3A_98 = vector.shape_cast %mul3A_95 : vector<16xf32> to vector<16xf32>
        tpu.vector_store %arg18[%swap3A], %swap3A_98 {strides = array<i32>} : memref<10000xf32, #tpu.memory_space<vmem>>, vector<16xf32>,
      }
      %scan3A_83 = arith.constant 625 : i32
      %dma_wait3A_84 = tpu.memref_slice %arg10[%add3A_67] : memref<3200000xi32, #tpu.memory_space<hbm>> -> memref<10000xi32, #tpu.memory_space<hbm>>
      %dma_wait3A_85 = tpu.memref_slice %arg10[%add3A_67] : memref<3200000xi32, #tpu.memory_space<hbm>> -> memref<10000xi32, #tpu.memory_space<hbm>>
      tpu.wait_dma2 semaphore(%arg29 : memref<!tpu.dma_semaphore, #tpu.memory_space<semaphore_mem>>) src(%dma_wait3A_85 : memref<10000xi32, #tpu.memory_space<hbm>>) dst(%arg16 : memref<10000xi32, #tpu.memory_space<vmem>>)
      "tpu.region"() ({
        %run_scoped3A = tpu.sem_alloc : memref<!tpu.dma_semaphore, #tpu.memory_space<semaphore_mem>>
        %dma_start3A_86 = arith.constant 0 : i32
        %dma_start3A_87 = tpu.memref_slice %arg28[%dma_start3A_86] : memref<100352xf32, #tpu.memory_space<vmem_shared>> -> memref<100352xf32, #tpu.memory_space<vmem_shared>>
        tpu.enqueue_indirect_dma source(%arg18 : memref<10000xf32, #tpu.memory_space<vmem>>) target(%dma_start3A_87 : memref<100352xf32, #tpu.memory_space<vmem_shared>>) offsets(%arg16 : memref<10000xi32, #tpu.memory_space<vmem>>) semaphore(%run_scoped3A : memref<!tpu.dma_semaphore, #tpu.memory_space<semaphore_mem>>) {add = true}
        %dma_wait3A_88 = arith.constant 0 : i32
        %dma_wait3A_89 = tpu.memref_slice %arg28[%dma_wait3A_88] : memref<100352xf32, #tpu.memory_space<vmem_shared>> -> memref<100352xf32, #tpu.memory_space<vmem_shared>>
        tpu.wait_indirect_dma semaphore(%run_scoped3A : memref<!tpu.dma_semaphore, #tpu.memory_space<semaphore_mem>>) src(%arg18 : memref<10000xf32, #tpu.memory_space<vmem>>) dst(%dma_wait3A_89 : memref<100352xf32, #tpu.memory_space<vmem_shared>>)
        tpu.yield
      }) : () -> ()
    }
    %scan3A_50 = arith.constant 10 : i32
    %barrier3A_51 = arith.constant 0 : index
    tpu.barrier barrier_id(%barrier3A_51)
    %mul3A_52 = arith.constant 6272 : i32
    %mul3A_53 = arith.muli %arg1, %mul3A_52 : i32
    %eq3A_54 = arith.constant 0 : i32
    %eq3A_55 = arith.cmpi eq, %arg0, %eq3A_54 : i32
    %convert_element_type3A_56 = arith.extui %eq3A_55 : i1 to i32
    %cond3A_57 = arith.constant 0 : i32
    %cond3A_58 = arith.cmpi ne, %convert_element_type3A_56, %cond3A_57 : i32
    scf.if %cond3A_58 {
      "tpu.region"() ({
        %run_scoped3A = tpu.sem_alloc : memref<!tpu.dma_semaphore, #tpu.memory_space<semaphore_mem>>
        %dma_start3A_64 = tpu.memref_slice %arg12[%mul3A_53] : memref<100352xf32, #tpu.memory_space<hbm>> -> memref<6272xf32, #tpu.memory_space<hbm>>
        %dma_start3A_65 = tpu.memref_slice %arg28[%mul3A_53] : memref<100352xf32, #tpu.memory_space<vmem_shared>> -> memref<6272xf32, #tpu.memory_space<vmem_shared>>
        tpu.enqueue_dma source(%dma_start3A_65 : memref<6272xf32, #tpu.memory_space<vmem_shared>>) target(%dma_start3A_64 : memref<6272xf32, #tpu.memory_space<hbm>>) target_semaphore(%run_scoped3A : memref<!tpu.dma_semaphore, #tpu.memory_space<semaphore_mem>>)
        %dma_wait3A_66 = tpu.memref_slice %arg12[%mul3A_53] : memref<100352xf32, #tpu.memory_space<hbm>> -> memref<6272xf32, #tpu.memory_space<hbm>>
        %dma_wait3A_67 = tpu.memref_slice %arg28[%mul3A_53] : memref<100352xf32, #tpu.memory_space<vmem_shared>> -> memref<6272xf32, #tpu.memory_space<vmem_shared>>
        tpu.wait_dma2 semaphore(%run_scoped3A : memref<!tpu.dma_semaphore, #tpu.memory_space<semaphore_mem>>) src(%dma_wait3A_67 : memref<6272xf32, #tpu.memory_space<vmem_shared>>) dst(%dma_wait3A_66 : memref<6272xf32, #tpu.memory_space<hbm>>)
        tpu.yield
      }) : () -> ()
    } else {
    }
    %eq3A_59 = arith.constant 1 : i32
    %eq3A_60 = arith.cmpi eq, %arg0, %eq3A_59 : i32
    %convert_element_type3A_61 = arith.extui %eq3A_60 : i1 to i32
    %cond3A_62 = arith.constant 0 : i32
    %cond3A_63 = arith.cmpi ne, %convert_element_type3A_61, %cond3A_62 : i32
    scf.if %cond3A_63 {
      "tpu.region"() ({
        %run_scoped3A = tpu.sem_alloc : memref<!tpu.dma_semaphore, #tpu.memory_space<semaphore_mem>>
        %dma_start3A_64 = tpu.memref_slice %arg13[%mul3A_53] : memref<100352xf32, #tpu.memory_space<hbm>> -> memref<6272xf32, #tpu.memory_space<hbm>>
        %dma_start3A_65 = tpu.memref_slice %arg28[%mul3A_53] : memref<100352xf32, #tpu.memory_space<vmem_shared>> -> memref<6272xf32, #tpu.memory_space<vmem_shared>>
        tpu.enqueue_dma source(%dma_start3A_65 : memref<6272xf32, #tpu.memory_space<vmem_shared>>) target(%dma_start3A_64 : memref<6272xf32, #tpu.memory_space<hbm>>) target_semaphore(%run_scoped3A : memref<!tpu.dma_semaphore, #tpu.memory_space<semaphore_mem>>)
        %dma_wait3A_66 = tpu.memref_slice %arg13[%mul3A_53] : memref<100352xf32, #tpu.memory_space<hbm>> -> memref<6272xf32, #tpu.memory_space<hbm>>
        %dma_wait3A_67 = tpu.memref_slice %arg28[%mul3A_53] : memref<100352xf32, #tpu.memory_space<vmem_shared>> -> memref<6272xf32, #tpu.memory_space<vmem_shared>>
        tpu.wait_dma2 semaphore(%run_scoped3A : memref<!tpu.dma_semaphore, #tpu.memory_space<semaphore_mem>>) src(%dma_wait3A_67 : memref<6272xf32, #tpu.memory_space<vmem_shared>>) dst(%dma_wait3A_66 : memref<6272xf32, #tpu.memory_space<hbm>>)
        tpu.yield
      }) : () -> ()
    } else {
    }
    return
  }
}

module attributes {stable_mosaic.version = 14 : i64} {
  func.func @_ew_body(%arg0: i32, %arg1: memref<16x25600xf32, #tpu.memory_space<vmem>>, %arg2: memref<16x1xf32, #tpu.memory_space<vmem>>, %arg3: memref<1xf32, #tpu.memory_space<smem>>, %arg4: memref<25600xf32, #tpu.memory_space<vmem>>) attributes {dimension_semantics = [#tpu.dimension_semantics<parallel>], iteration_bounds = array<i64: 125>, scalar_prefetch = 0 : i64, scratch_operands = 0 : i64, tpu.core_type = #tpu.core_type<tc>, window_params = [{transform_indices = @transform_0, window_bounds = array<i64: 16, 25600>}, {pipeline_mode = #tpu.pipeline_mode<synchronous>, transform_indices = @transform_1, window_bounds = array<i64: 16, 1>}, {transform_indices = @transform_2, window_bounds = array<i64: 1>}, {transform_indices = @transform_3, window_bounds = array<i64: 25600>}]} {
    %get3A = arith.constant 0 : index
    %get3A_0 = arith.constant 0 : index
    %get3A_1 = vector.load %arg1[%get3A, %get3A_0] : memref<16x25600xf32, #tpu.memory_space<vmem>>, vector<16x25600xf32>
    %get3A_2 = arith.constant 0 : index
    %get3A_3 = arith.constant 0 : index
    %get3A_4 = vector.load %arg2[%get3A_2, %get3A_3] : memref<16x1xf32, #tpu.memory_space<vmem>>, vector<16x1xf32>
    %mul3A = vector.broadcast %get3A_4 : vector<16x1xf32> to vector<16x25600xf32>
    %mul3A_5 = arith.mulf %get3A_1, %mul3A : vector<16x25600xf32>
    %reduce_sum3A = arith.constant dense<0.000000e+00> : vector<25600xf32>
    %reduce_sum3A_6 = vector.multi_reduction <add>, %mul3A_5, %reduce_sum3A [0] : vector<16x25600xf32> to vector<25600xf32>
    %get3A_7 = arith.constant 0 : index
    %get3A_8 = memref.load %arg3[%get3A_7] : memref<1xf32, #tpu.memory_space<smem>>
    %add3A = vector.broadcast %get3A_8 : f32 to vector<25600xf32>
    %add3A_9 = arith.addf %reduce_sum3A_6, %add3A : vector<25600xf32>
    %mul3A_10 = arith.constant 5.000000e-01 : f32
    %mul3A_11 = vector.broadcast %mul3A_10 : f32 to vector<25600xf32>
    %mul3A_12 = arith.mulf %mul3A_11, %add3A_9 : vector<25600xf32>
    %tanh3A = math.tanh %mul3A_12 : vector<25600xf32>
    %mul3A_13 = arith.constant 5.000000e-01 : f32
    %mul3A_14 = vector.broadcast %mul3A_13 : f32 to vector<25600xf32>
    %mul3A_15 = arith.mulf %mul3A_14, %tanh3A : vector<25600xf32>
    %add3A_16 = arith.constant 5.000000e-01 : f32
    %add3A_17 = vector.broadcast %add3A_16 : f32 to vector<25600xf32>
    %add3A_18 = arith.addf %mul3A_15, %add3A_17 : vector<25600xf32>
    %swap3A = arith.constant 0 : index
    %swap3A_19 = vector.load %arg4[%swap3A] : memref<25600xf32, #tpu.memory_space<vmem>>, vector<25600xf32>
    tpu.vector_store %arg4[%swap3A], %add3A_18 {strides = array<i32>} : memref<25600xf32, #tpu.memory_space<vmem>>, vector<25600xf32>,
    return
  }
  func.func @transform_0(%arg0: i32) -> (i32, i32) {
    %c0_i32 = arith.constant 0 : i32
    %c0_i32_0 = arith.constant 0 : i32
    return %c0_i32, %arg0 : i32, i32
  }
  func.func @transform_1(%arg0: i32) -> (i32, i32) {
    %c0_i32 = arith.constant 0 : i32
    %c0_i32_0 = arith.constant 0 : i32
    %c0_i32_1 = arith.constant 0 : i32
    return %c0_i32, %c0_i32_0 : i32, i32
  }
  func.func @transform_2(%arg0: i32) -> i32 {
    %c0_i32 = arith.constant 0 : i32
    %c0_i32_0 = arith.constant 0 : i32
    return %c0_i32 : i32
  }
  func.func @transform_3(%arg0: i32) -> i32 {
    %c0_i32 = arith.constant 0 : i32
    return %arg0 : i32
  }
}

module attributes {stable_mosaic.version = 14 : i64} {
  func.func @_ix_body(%arg0: i32, %arg1: memref<2x25600xi32, #tpu.memory_space<vmem>>, %arg2: memref<25600xi32, #tpu.memory_space<vmem>>, %arg3: memref<25600xi32, #tpu.memory_space<vmem>>) attributes {dimension_semantics = [#tpu.dimension_semantics<parallel>], iteration_bounds = array<i64: 125>, scalar_prefetch = 0 : i64, scratch_operands = 0 : i64, tpu.core_type = #tpu.core_type<tc>, window_params = [{transform_indices = @transform_0, window_bounds = array<i64: 2, 25600>}, {transform_indices = @transform_1, window_bounds = array<i64: 25600>}, {transform_indices = @transform_2, window_bounds = array<i64: 25600>}]} {
    %get3A = arith.constant 0 : index
    %get3A_0 = arith.constant 0 : index
    %get3A_1 = vector.load %arg1[%get3A, %get3A_0] : memref<2x25600xi32, #tpu.memory_space<vmem>>, vector<1x25600xi32>
    %get3A_2 = vector.shape_cast %get3A_1 : vector<1x25600xi32> to vector<25600xi32>
    %swap3A = arith.constant 0 : index
    %swap3A_3 = vector.load %arg2[%swap3A] : memref<25600xi32, #tpu.memory_space<vmem>>, vector<25600xi32>
    tpu.vector_store %arg2[%swap3A], %get3A_2 {strides = array<i32>} : memref<25600xi32, #tpu.memory_space<vmem>>, vector<25600xi32>,
    %get3A_4 = arith.constant 1 : index
    %get3A_5 = arith.constant 0 : index
    %get3A_6 = vector.load %arg1[%get3A_4, %get3A_5] : memref<2x25600xi32, #tpu.memory_space<vmem>>, vector<1x25600xi32>
    %get3A_7 = vector.shape_cast %get3A_6 : vector<1x25600xi32> to vector<25600xi32>
    %swap3A_8 = arith.constant 0 : index
    %swap3A_9 = vector.load %arg3[%swap3A_8] : memref<25600xi32, #tpu.memory_space<vmem>>, vector<25600xi32>
    tpu.vector_store %arg3[%swap3A_8], %get3A_7 {strides = array<i32>} : memref<25600xi32, #tpu.memory_space<vmem>>, vector<25600xi32>,
    return
  }
  func.func @transform_0(%arg0: i32) -> (i32, i32) {
    %c0_i32 = arith.constant 0 : i32
    %c0_i32_0 = arith.constant 0 : i32
    return %c0_i32, %arg0 : i32, i32
  }
  func.func @transform_1(%arg0: i32) -> i32 {
    %c0_i32 = arith.constant 0 : i32
    return %arg0 : i32
  }
  func.func @transform_2(%arg0: i32) -> i32 {
    %c0_i32 = arith.constant 0 : i32
    return %arg0 : i32
  }
}

module attributes {stable_mosaic.version = 14 : i64} {
  func.func @_prep_body(%arg0: memref<784x128xf32, #tpu.memory_space<vmem>>, %arg1: memref<784x128xf32, #tpu.memory_space<vmem>>, %arg2: memref<784x128xf32, #tpu.memory_space<vmem>>, %arg3: memref<784x128xf32, #tpu.memory_space<vmem>>, %arg4: memref<784x128xf32, #tpu.memory_space<vmem>>, %arg5: memref<784x128xf32, #tpu.memory_space<vmem>>, %arg6: memref<784x128xf32, #tpu.memory_space<vmem>>) attributes {dimension_semantics = [], scalar_prefetch = 0 : i64, scratch_operands = 0 : i64, tpu.core_type = #tpu.core_type<tc>} {
    %get3A = arith.constant 0 : index
    %get3A_0 = arith.constant 0 : index
    %get3A_1 = vector.load %arg0[%get3A, %get3A_0] : memref<784x128xf32, #tpu.memory_space<vmem>>, vector<784x128xf32>
    %get3A_2 = arith.constant 0 : index
    %get3A_3 = arith.constant 0 : index
    %get3A_4 = vector.load %arg1[%get3A_2, %get3A_3] : memref<784x128xf32, #tpu.memory_space<vmem>>, vector<784x128xf32>
    %add3A = arith.addf %get3A_1, %get3A_4 : vector<784x128xf32>
    %add3A_5 = arith.constant 1.000000e+00 : f32
    %add3A_6 = vector.broadcast %add3A_5 : f32 to vector<784x128xf32>
    %add3A_7 = arith.addf %add3A, %add3A_6 : vector<784x128xf32>
    %div3A = arith.constant 1.000000e+00 : f32
    %div3A_8 = vector.broadcast %div3A : f32 to vector<784x128xf32>
    %div3A_9 = arith.divf %div3A_8, %add3A_7 : vector<784x128xf32>
    %rsqrt3A = math.rsqrt %add3A_7 : vector<784x128xf32>
    %get3A_10 = arith.constant 0 : index
    %get3A_11 = arith.constant 0 : index
    %get3A_12 = vector.load %arg2[%get3A_10, %get3A_11] : memref<784x128xf32, #tpu.memory_space<vmem>>, vector<784x128xf32>
    %max3A = arith.constant 0.000000e+00 : f32
    %max3A_13 = vector.broadcast %max3A : f32 to vector<784x128xf32>
    %max3A_14 = arith.maximumf %get3A_12, %max3A_13 : vector<784x128xf32>
    %swap3A = arith.constant 0 : index
    %swap3A_15 = arith.constant 0 : index
    %swap3A_16 = vector.load %arg3[%swap3A, %swap3A_15] : memref<784x128xf32, #tpu.memory_space<vmem>>, vector<784x128xf32>
    tpu.vector_store %arg3[%swap3A, %swap3A_15], %rsqrt3A {strides = array<i32>} : memref<784x128xf32, #tpu.memory_space<vmem>>, vector<784x128xf32>,
    %swap3A_17 = arith.constant 0 : index
    %swap3A_18 = arith.constant 0 : index
    %swap3A_19 = vector.load %arg4[%swap3A_17, %swap3A_18] : memref<784x128xf32, #tpu.memory_space<vmem>>, vector<784x128xf32>
    tpu.vector_store %arg4[%swap3A_17, %swap3A_18], %div3A_9 {strides = array<i32>} : memref<784x128xf32, #tpu.memory_space<vmem>>, vector<784x128xf32>,
    %swap3A_20 = arith.constant 0 : index
    %swap3A_21 = arith.constant 0 : index
    %swap3A_22 = vector.load %arg5[%swap3A_20, %swap3A_21] : memref<784x128xf32, #tpu.memory_space<vmem>>, vector<784x128xf32>
    tpu.vector_store %arg5[%swap3A_20, %swap3A_21], %max3A_14 {strides = array<i32>} : memref<784x128xf32, #tpu.memory_space<vmem>>, vector<784x128xf32>,
    %mul3A = arith.mulf %rsqrt3A, %max3A_14 : vector<784x128xf32>
    %swap3A_23 = arith.constant 0 : index
    %swap3A_24 = arith.constant 0 : index
    %swap3A_25 = vector.load %arg6[%swap3A_23, %swap3A_24] : memref<784x128xf32, #tpu.memory_space<vmem>>, vector<784x128xf32>
    tpu.vector_store %arg6[%swap3A_23, %swap3A_24], %mul3A {strides = array<i32>} : memref<784x128xf32, #tpu.memory_space<vmem>>, vector<784x128xf32>,
    return
  }
}

module attributes {stable_mosaic.version = 14 : i64} {
  func.func @_finish_body(%arg0: memref<1xf32, #tpu.memory_space<smem>>, %arg1: memref<1xf32, #tpu.memory_space<smem>>, %arg2: memref<784x128xf32, #tpu.memory_space<vmem>>, %arg3: memref<784x128xf32, #tpu.memory_space<vmem>>, %arg4: memref<784x128xf32, #tpu.memory_space<vmem>>, %arg5: memref<784x128xf32, #tpu.memory_space<vmem>>, %arg6: memref<784x128xf32, #tpu.memory_space<vmem>>, %arg7: memref<784x128xf32, #tpu.memory_space<vmem>>, %arg8: memref<784x128xf32, #tpu.memory_space<vmem>>) attributes {dimension_semantics = [], scalar_prefetch = 0 : i64, scratch_operands = 0 : i64, tpu.core_type = #tpu.core_type<tc>} {
    %get3A = arith.constant 0 : index
    %get3A_0 = memref.load %arg0[%get3A] : memref<1xf32, #tpu.memory_space<smem>>
    %get3A_1 = arith.constant 0 : index
    %get3A_2 = arith.constant 0 : index
    %get3A_3 = vector.load %arg5[%get3A_1, %get3A_2] : memref<784x128xf32, #tpu.memory_space<vmem>>, vector<784x128xf32>
    %get3A_4 = arith.constant 0 : index
    %get3A_5 = arith.constant 0 : index
    %get3A_6 = vector.load %arg2[%get3A_4, %get3A_5] : memref<784x128xf32, #tpu.memory_space<vmem>>, vector<784x128xf32>
    %get3A_7 = arith.constant 0 : index
    %get3A_8 = arith.constant 0 : index
    %get3A_9 = vector.load %arg3[%get3A_7, %get3A_8] : memref<784x128xf32, #tpu.memory_space<vmem>>, vector<784x128xf32>
    %add3A = arith.addf %get3A_6, %get3A_9 : vector<784x128xf32>
    %mul3A = arith.mulf %get3A_3, %add3A : vector<784x128xf32>
    %get3A_10 = arith.constant 0 : index
    %get3A_11 = arith.constant 0 : index
    %get3A_12 = vector.load %arg4[%get3A_10, %get3A_11] : memref<784x128xf32, #tpu.memory_space<vmem>>, vector<784x128xf32>
    %get3A_13 = arith.constant 0 : index
    %get3A_14 = arith.constant 0 : index
    %get3A_15 = vector.load %arg6[%get3A_13, %get3A_14] : memref<784x128xf32, #tpu.memory_space<vmem>>, vector<784x128xf32>
    %mul3A_16 = arith.mulf %get3A_12, %get3A_15 : vector<784x128xf32>
    %add3A_17 = arith.addf %mul3A, %mul3A_16 : vector<784x128xf32>
    %sub3A = arith.constant 1.000000e+00 : f32
    %sub3A_18 = arith.subf %sub3A, %get3A_0 : f32
    %mul3A_19 = vector.broadcast %sub3A_18 : f32 to vector<784x128xf32>
    %mul3A_20 = arith.mulf %add3A_17, %mul3A_19 : vector<784x128xf32>
    %get3A_21 = arith.constant 0 : index
    %get3A_22 = arith.constant 0 : index
    %get3A_23 = vector.load %arg7[%get3A_21, %get3A_22] : memref<784x128xf32, #tpu.memory_space<vmem>>, vector<784x128xf32>
    %mul3A_24 = vector.broadcast %get3A_0 : f32 to vector<784x128xf32>
    %mul3A_25 = arith.mulf %mul3A_24, %get3A_23 : vector<784x128xf32>
    %add3A_26 = arith.addf %mul3A_20, %mul3A_25 : vector<784x128xf32>
    %get3A_27 = arith.constant 0 : index
    %get3A_28 = memref.load %arg1[%get3A_27] : memref<1xf32, #tpu.memory_space<smem>>
    %custom_jvp_call3A = arith.constant 0.000000e+00 : f32
    %max3A = arith.maximumf %get3A_28, %custom_jvp_call3A : f32
    %sub3A_29 = arith.subf %get3A_28, %custom_jvp_call3A : f32
    %ne3A = arith.cmpf one, %sub3A_29, %sub3A_29 : f32
    %add3A_30 = arith.addf %get3A_28, %custom_jvp_call3A : f32
    %abs3A = math.absf %sub3A_29 : f32
    %neg3A = arith.constant 0.000000e+00 : f32
    %neg3A_31 = arith.subf %neg3A, %abs3A : f32
    %exp3A = math.exp %neg3A_31 : f32
    %log1p3A = math.log1p %exp3A : f32
    %add3A_32 = arith.addf %max3A, %log1p3A : f32
    %select_n3A = arith.select %ne3A, %add3A_30, %add3A_32 : f32
    %sub3A_33 = vector.broadcast %select_n3A : f32 to vector<784x128xf32>
    %sub3A_34 = arith.subf %add3A_26, %sub3A_33 : vector<784x128xf32>
    %tanh3A = math.tanh %sub3A_34 : vector<784x128xf32>
    %swap3A = arith.constant 0 : index
    %swap3A_35 = arith.constant 0 : index
    %swap3A_36 = vector.load %arg8[%swap3A, %swap3A_35] : memref<784x128xf32, #tpu.memory_space<vmem>>, vector<784x128xf32>
    tpu.vector_store %arg8[%swap3A, %swap3A_35], %tanh3A {strides = array<i32>} : memref<784x128xf32, #tpu.memory_space<vmem>>, vector<784x128xf32>,
    return
  }
}

</mosaic_0001>

<sc_bundles>
// kernel: kernel.12.cloned.1.call-start
scs
__scs_entry_jumppad:
0x0: {  	(pc) =	sbr.rel $0x88, $3  }
0x1: {  	(tag) =	ssettag $0x0;
	lr =	simm.s32 $0x1  }
0x2: {  	[smem:$0x3F9A] =	sst lr;
	_ =	strace $0xD0000000  }
0x3: {  	_ = 	snop  }
0x4: {  	_ = 	snop  }
0x5: {  	_ = 	snop  }
0x6: {  	_ = 	snop  }
0x7: {  	_ = 	snop  }
__scs_overlays_trampoline_lowered:
0x8: {  	[smem:$0x3FA9] =	sst s0  }
0x9: {  	[smem:$0x3FAA] =	sst s1  }
0xa: {  	[smem:$0x3FAB] =	sst s2  }
0xb: {  	[smem:$0x3FAC] =	sst s3  }
0xc: {  	[smem:$0x3FAD] =	sst s4  }
0xd: {  	[smem:$0x3FAE] =	sst s5  }
0xe: {  	[smem:$0x3FAF] =	sst s6  }
0xf: {  	[smem:$0x3FB0] =	sst s7  }
0x10: {  	[smem:$0x3FB1] =	sst s8  }
0x11: {  	[smem:$0x3FB2] =	sst s9;
	s0 =	simm.s32 @!p0 $0x0  }
0x12: {  	s1 =	sld [smem:$0x3F98];
	s0 =	simm.s32 @p0 $0x1  }
0x13: {  	[smem:$0x3FB3] =	sst s0;
	s0 =	simm.s32 @!p1 $0x0  }
0x14: {  	s2 =	sld [smem:$0x3F97];
	s0 =	simm.s32 @p1 $0x1  }
0x15: {  	[smem:$0x3FB4] =	sst s0;
	s0 =	simm.s32 @!p2 $0x0  }
0x16: {  	s3 =	sld [smem:$0x3FDB];
	s0 =	simm.s32 @p2 $0x1  }
0x17: {  	s4 =	simm.s32 $0x1BF5;
	[smem:$0x3FB6] =	sst s0  }
0x18: {  	s0 =	sld [smem:$0x3F99];
	_ =	swait.ge [sflag:s4], $0x0  }
0x19: {  	s7 =	sld [smem:$0x3F9A]  }
0x1a: {  	s8 =	sadd.s32 $0xFFFFE003, lr  }
0x1b: {  	s9 =	sadd.s32 $0xFFFFFEF7, lr;
	s5 =	simm.s32 $0xFFFFFFFF;
	p2 =	slt.u32 s8, $0xFFFFF086  }
0x1c: {  	p1 =	slt.u32 s9, $0xF7A;
	s5 =	simm.s32 @!p2 $0x0  }
0x1d: {  	s5 =	simm.s32 @p1 $0x1;
	p0 =	seq.s32 s7, s2  }
0x1e: {  	s7 =	smul.u32 @!p0 $0xF7A, s2;
	p2 =	seq.s32 @!p0 s5, $0x0  }
0x1f: {  	s9 =	smul.u32 $0xF7A, s1;
	s8 =	simm.s32 @!p0 $0x1BF5;
	p2 =	por !p2, p0  }
0x20: {  	[sflag:s8] =	ssyncset.s32 @!p0 $0xFFFFF086;
	s6 =	sadd.s32 @!p0 s3, s7;
	s7 =	simm.s32 @!p0 $0x108  }
0x21: {  	s3 =	sadd.s32 s3, s9;
	s6 =	sadd.s32 @!p0 $0x88, s6;
	s7 =	simm.s32 @p2 $0x1082  }
0x22: {  	[simem:s7], [sflag:s8] =	dma.local @!p0 [hbm:s6], $0xF7A  }
0x23: {  	s9 =	sor.u32 $0xD0000000, s2;
	s6 =	simm.s32 $0x108;
	_ =	swait.ge @!p0 [sflag:s8], $0x0  }
0x24: {  	s3 =	sadd.s32 $0x88, s3;
	s6 =	simm.s32 @!p1 $0x1082;
	[sflag:s4] =	ssyncset.s32 $0xFFFFF086  }
0x25: {  	[simem:s6], [sflag:s4] =	dma.local [hbm:s3], $0xF7A  }
0x26: {  	[smem:$0x3F9A] =	sst s1;
	(tag) =	ssettag s2;
	_ =	strace s9  }
0x27: {  	s1 =	sld [smem:$0x3FAA]  }
0x28: {  	s2 =	sld [smem:$0x3FAB]  }
0x29: {  	s4 =	sld [smem:$0x3FAD]  }
0x2a: {  	p0 =	seq.s32 s5, $0x0;
	s5 =	sld [smem:$0x3FAE]  }
0x2b: {  	s6 =	sld [smem:$0x3FAF]  }
0x2c: {  	s7 =	sld [smem:$0x3FB0]  }
0x2d: {  	s3 =	simm.s32 $0x108;
	s8 =	sld [smem:$0x3FB1]  }
0x2e: {  	s3 =	simm.s32 @!p0 $0x1082;
	s9 =	sld [smem:$0x3FB2]  }
0x2f: {  	lr =	sadd.s32 s0, s3;
	s0 =	sld [smem:$0x3FA9]  }
0x30: {  	s3 =	sld [smem:$0x3FAC]  }
0x31: {  	[smem:$0x3FB5] =	sst s10  }
0x32: {  	s10 =	sld [smem:$0x3FB3];
	_ =	sdelay $0x3  }
0x33: {  	p0 =	seq.s32 s10, $0x1;
	s10 =	sld [smem:$0x3FB5];
	_ =	sdelay $0x3  }
0x34: {  	[smem:$0x3FB5] =	sst s10  }
0x35: {  	s10 =	sld [smem:$0x3FB4];
	_ =	sdelay $0x3  }
0x36: {  	p1 =	seq.s32 s10, $0x1;
	s10 =	sld [smem:$0x3FB5];
	_ =	sdelay $0x3  }
0x37: {  	[smem:$0x3FB5] =	sst s10  }
0x38: {  	s10 =	sld [smem:$0x3FB6]  }
0x39: {  	_ = 	snop;
	(pc) =	sbr.ind lr, $3  }
0x3a: {  	_ = 	snop  }
0x3b: {  	_ = 	snop  }
0x3c: {  	p2 =	seq.s32 s10, $0x1;
	s10 =	sld [smem:$0x3FB5]  }
0x3d: {  	_ =	shalt  }
0x3e: {  	_ =	shalt  }
0x3f: {  	_ =	shalt  }
0x40: {  	_ =	shalt  }
0x41: {  	_ =	shalt  }
0x42: {  	_ =	shalt  }
0x43: {  	_ =	shalt  }
0x44: {  	_ =	shalt  }
0x45: {  	_ =	shalt  }
0x46: {  	_ =	shalt  }
0x47: {  	_ =	shalt  }
0x48: {  	_ =	shalt  }
0x49: {  	_ =	shalt  }
0x4a: {  	_ =	shalt  }
0x4b: {  	_ =	shalt  }
0x4c: {  	_ =	shalt  }
0x4d: {  	_ =	shalt  }
0x4e: {  	_ =	shalt  }
0x4f: {  	_ =	shalt  }
0x50: {  	_ =	shalt  }
0x51: {  	_ =	shalt  }
0x52: {  	_ =	shalt  }
0x53: {  	_ =	shalt  }
0x54: {  	_ =	shalt  }
0x55: {  	_ =	shalt  }
0x56: {  	_ =	shalt  }
0x57: {  	_ =	shalt  }
0x58: {  	_ =	shalt  }
0x59: {  	_ =	shalt  }
0x5a: {  	_ =	shalt  }
0x5b: {  	_ =	shalt  }
0x5c: {  	_ =	shalt  }
0x5d: {  	_ =	shalt  }
0x5e: {  	_ =	shalt  }
0x5f: {  	_ =	shalt  }
0x60: {  	_ =	shalt  }
0x61: {  	_ =	shalt  }
0x62: {  	_ =	shalt  }
0x63: {  	_ =	shalt  }
0x64: {  	_ =	shalt  }
0x65: {  	_ =	shalt  }
0x66: {  	_ =	shalt  }
0x67: {  	_ =	shalt  }
0x68: {  	_ =	shalt  }
0x69: {  	_ =	shalt  }
0x6a: {  	_ =	shalt  }
0x6b: {  	_ =	shalt  }
0x6c: {  	_ =	shalt  }
0x6d: {  	_ =	shalt  }
0x6e: {  	_ =	shalt  }
0x6f: {  	_ =	shalt  }
0x70: {  	_ =	shalt  }
0x71: {  	_ =	shalt  }
0x72: {  	_ =	shalt  }
0x73: {  	_ =	shalt  }
0x74: {  	_ =	shalt  }
0x75: {  	_ =	shalt  }
0x76: {  	_ =	shalt  }
0x77: {  	_ =	shalt  }
0x78: {  	_ =	shalt  }
0x79: {  	_ =	shalt  }
0x7a: {  	_ =	shalt  }
0x7b: {  	_ =	shalt  }
0x7c: {  	_ =	shalt  }
0x7d: {  	_ =	shalt  }
0x7e: {  	_ =	shalt  }
0x7f: {  	_ =	shalt  }
0x80: {  	_ =	shalt  }
0x81: {  	_ =	shalt  }
0x82: {  	_ =	shalt  }
0x83: {  	_ =	shalt  }
0x84: {  	_ =	shalt  }
0x85: {  	_ =	shalt  }
0x86: {  	_ =	shalt  }
0x87: {  	_ =	shalt  }
.Lfunc_end0:
.L_simem_size_0:
called_computation_lowered:
.L_overlay_start_0:
0x88: {  	s2 =	sld [smem:$0x3FD9]  }
0x89: {  	s3 =	sld [smem:$0x3FFE];
	_ =	sdelay $0x1  }
0x8a: {  	s1 =	srdreg.scid  }
0x8b: {  	s0 =	sand.u32 $0x1, s1  }
0x8c: {  	s14 =	sshll.u32 s0, $0xA;
	s2 =	sadd.s32 s3, s2  }
0x8d: {  	s2 =	sadd.s32 s2, s14  }
0x8e: {  	[smem:$0x3FC1] =	sst s2  }
0x8f: {  	_ = 	snop  }
0x90: {  	s2 =	sld [smem:$0x3FD0];
	_ =	sdelay $0x2  }
0x91: {  	s15 =	simm.s32 $0xA;
	s4 =	simm.s32 $0x10  }
0x92: {  	[smem:s4], [sflag:s15] =	dma.local [hbm:s2], $0x1  }
0x93: {  	_ =	swait.eq [sflag:s15], $0x1  }
0x94: {  	[sflag:s15] =	ssyncset.done $0x0  }
0x95: {  	[sflag:s15] =	ssyncadd.s32 $0xFFFFFFFF  }
0x96: {  	s16 =	sld [smem:$0x11];
	(tm) =	ssettm $0x1  }
0x97: {  	s17 =	sld [smem:$0x3FFB];
	_ =	sdelay $0x3  }
0x98: {  	_ =	strace s17  }
0x99: {  	s3 =	sld [smem:$0x3FFC];
	_ =	sdelay $0x3  }
0x9a: {  	_ =	strace s3  }
0x9b: {  	s3 =	sld [smem:$0x3FFD];
	_ =	sdelay $0x3  }
0x9c: {  	_ =	strace s3  }
0x9d: {  	_ =	strace $0x8FFFFFFF  }
0x9e: {  	s18 =	sld [smem:$0x3FDB];
	_ =	sdelay $0x1  }
0x9f: {  	s19 =	simm.s32 $_scs_section_size  }
0xa0: {  	s5 =	simm.s32 $_size__tile_overlayer_lowered;
	s6 =	simm.s32 $_tile_overlayer_lowered  }
0xa1: {  	s22 =	simm.s32 $0x1BFF;
	s21 =	sshll.u32 s6, $0x1;
	s3 =	sadd.s32 s19, s18  }
0xa2: {  	s7 =	simm.s32 $0x0;
	s20 =	sshll.u32 s5, $0x1;
	s5 =	sadd.s32 s21, s3  }
0xa3: {  	[timem:s7], [sflag:s22] =	dma.local [hbm:s5], s20  }
0xa4: {  	_ =	swait.ge [sflag:s22], s20  }
0xa5: {  	s4 =	ssub.s32 $0x0, s20;
	[sflag:s22] =	ssyncset.done $0x0  }
0xa6: {  	[sflag:s22] =	ssyncadd.s32 s4;
	_ =	sdelay $0x1  }
0xa7: {  	s23 =	simm.s32 $0x1B8B  }
0xa8: {  	_ =	swait.ge [sflag:s23], $0x1  }
0xa9: {  	[sflag:s23] =	ssyncset.done $0x0  }
0xaa: {  	s25 =	simm.s32 $0x1B8E;
	s24 =	sld [smem:$0x3FFE];
	[sflag:s23] =	ssyncadd.s32 $0xFFFFFFFF  }
0xab: {  	s26 =	simm.s32 $execute0_lowered;
	[smem:$0x3FD2] =	sst s25  }
0xac: {  	s5 =	sshll.u32 s26, $0x1;
	_ =	strace $0x80000046;
	[dreg:$0x1] =	wrdreg $0xFFFFFFFF  }
0xad: {  	s28 =	simm.s32 $_size_execute0_lowered;
	s3 =	sadd.s32 s3, s5;
	[dreg:$0x0] =	wrdreg $0x0  }
0xae: {  	s5 =	sshll.u32 s28, $0x1;
	[dreg:$0x2] =	wrdreg s3  }
0xaf: {  	[dreg:$0x3] =	wrdreg s5  }
0xb0: {  	[dreg:$0x4] =	wrdreg $0xC0  }
0xb1: {  	_ =	task [dreg:s7], $0x5FFFF  }
0xb2: {  	[dreg:$0x1] =	wrdreg $0xFFFFFFFF  }
0xb3: {  	[dreg:$0x0] =	wrdreg $0x60  }
0xb4: {  	[dreg:$0x2] =	wrdreg s24  }
0xb5: {  	[dreg:$0x3] =	wrdreg s16  }
0xb6: {  	[dreg:$0x4] =	wrdreg $0x67800  }
0xb7: {  	[dreg:$0x5] =	wrdreg $0x9  }
0xb8: {  	_ =	task.clear_ibuf [dreg:s7], $0x6FFFF;
	_ =	strace $0x90000046  }
0xb9: {  	s29 =	simm.s32 $0x9;
	_ =	strace $0x80000048  }
0xba: {  	_ =	swait.ge [sflag:s29], $0x1  }
0xbb: {  	[sflag:s29] =	ssyncadd.s32 $0xFFFFFFFF  }
0xbc: {  	_ =	strace $0x90000048  }
0xbd: {  	_ =	sfence  }
0xbe: {  	s30 =	sld [smem:$0x0];
	_ =	sdelay $0x2  }
0xbf: {  	s31 =	sshll.u32 s1, $0xD;
	s1 =	sshrl.u32 s1, $0x2  }
0xc0: {  	s3 =	sand.u32 $0x4000, s31;
	s1 =	sadd.s32 s1, s30  }
0xc1: {  	s0 =	sor.u32 s3, s0;
	s1 =	sshll.u32 s1, $0x11  }
0xc2: {  	s0 =	sor.u32 s1, s0  }
0xc3: {  	s0 =	sadd.s32 $0x8F2B, s0  }
0xc4: {  	[sflag:s0] =	ssyncadd.remote.s32 $0x1  }
0xc5: {  	_ =	sfence.sel $0xFFFF  }
0xc6: {  	[dreg:$0x0] =	wrdreg $0xFFFFFFFF;
	(pc) =	sbr.abs _section_cstart, $3  }
0xc7: {  	[dreg:$0x1] =	wrdreg $0xFFFFFFFF  }
0xc8: {  	_ =	task.clear_ibuf [dreg:s7], $0x2FFFF;
	_ =	strace $0x9FFFFFFF  }
0xc9: {  	(tm) =	ssettm $0x7FFFFFFF  }
tec
execute0_lowered:
.L_overlay_start_1:
0x0: {  	(tag) =	ssettag $0x1  }
0x1: {  	s6 =	rddreg [dreg:$0x0]  }
0x2: {  	s8 =	rddreg [dreg:$0x1]  }
0x3: {  	s2 =	rddreg [dreg:$0x2]  }
0x4: {  	s0 =	srdreg.scid;
	s1 =	rddreg [dreg:$0x3]  }
0x5: {  	s3 =	simm.s32 $0x0;
	s12 =	simm.s32 $0xCB800;
	s4 =	sand.u32 $0x1, s0  }
0x6: {  	s13 =	simm.s32 $0x2710;
	s0 =	stileid.u32;
	s5 =	smul.u32 $0x186A00, s4  }
0x7: {  	s16 =	simm.s32 $0x0;
	[smem:$0x7FF] =	sst s3;
	s7 =	smul.u32 $0x186A0, s0  }
0x8: {  	_ =	strace $0x80000047;
	s31 =	ssub.s32 $0x2, s4;
	s10 =	smul.u32 $0x1880, s0  }
0x9: {  	p0 =	seq.s32 s4, $0x1;
	s14 =	sshll.u32 s0, $0x6;
	s11 =	sshrl.u32 s31, $0x1  }
0xa: {  	s12 =	simm.s32 @!p0 $0xC8600;
	s14 =	sor.u32 $0x1C02, s14;
	s5 =	sadd.s32 s7, s5  }
0xb: {  	s4 =	sadd.s32 s10, s2;
	s10 =	sshrl.u32 s10, $0x3;
	s9 =	sshrl.u32 s5, $0x3  }
0xc: {  	s5 =	ssub.s32 s31, s11;
	s11 =	simm.s32 $0x2780;
	s15 =	sshrl.u32 s4, $0x3  }
0xd: {  	s30 =	sadd.s32 s9, s6;
	s5 =	smax.u32 s5, $0x1;
	s6 =	sadd.s32 s12, s6  }
0xe: {  	s8 =	sadd.s32 s9, s8;
	s9 =	simm.s32 $0x4F00;
	s12 =	simm.s32 $0x1  }
0xf: {  	v0 =	vimm.f32 $0.0e+00;
	s6 =	sadd.s32 s6, s10;
	s7 =	sadd.s32 $0x4E00, s30;
	s10 =	simm.s32 $0x2  }
.LBB2_1:
0x10: {  	s17 =	simm.s32 $0x40;
	s18 =	simm.s32 $0x0  }
.LBB2_2:
0x11: {  	p0 =	sne.s32 s17, $0x61C0;
	[tilespmem:s18+$0x4F00] =	vst v0;
	s18 =	smov.u32 s17;
	s17 =	sadd.s32 $0x40, s17  }
.Ltmp0:
0x12: {  	(pc) =	sbr.rel @p0 .LBB2_2-.Ltmp0, $2  }
0x13: {  	_ =	sdelay $0x2  }
0x14: {  	s18 =	sshra.s32 s18, $0x2  }
0x15: {  	[tilespmem:s18+$0x4F00] =	vst v0  }
0x16: {  	[spmem:s4] =	stream.linear.scatter [tilespmem:s9], [sflag:$0x2], $0x1880, $0x38;
	[tilespmem:$0x8000] =	vst v63  }
0x17: {  	_ =	swait.ge [sflag:s10], $0x1880  }
0x18: {  	[sflag:s10] =	ssyncset.done $0x0  }
0x19: {  	[sflag:s10] =	ssyncadd.s32 $0xFFFFE780  }
0x1a: {  	s17 =	sadd.s32 $0x0, s8;
	[bflag:$0x0] =	sbarrier.arrive $0xFFFF  }
0x1b: {  	[tilespmem:s11], [sflag:$0x1] =	stream.linear.gather [hbm4b:s17+s3], $0x2710, $0x38;
	[tilespmem:$0x8000] =	vst v63  }
0x1c: {  	s31 =	sadd.s32 $0x0, s7  }
0x1d: {  	[tilespmem:s3], [sflag:$0x1] =	stream.linear.gather [hbm4b:s31+s3], $0x2710, $0x38;
	[tilespmem:$0x8000] =	vst v63  }
0x1e: {  	_ =	swait.ge [sflag:s12], $0x2710  }
0x1f: {  	[sflag:s12] =	ssyncset.done $0x0  }
0x20: {  	[sflag:s12] =	ssyncadd.s32 $0xFFFFD8F0  }
0x21: {  	_ =	swait.ge [sflag:s12], $0x2710  }
0x22: {  	[sflag:s12] =	ssyncset.done $0x0  }
0x23: {  	[sflag:s12] =	ssyncadd.s32 $0xFFFFD8F0  }
0x24: {  	[spmem:s2] =	stream.indirect.scatter.add.f32 [tilespmem:s11], [sflag:$0x2], $0x1, s3, s13, $0xb8;
	[tilespmem:$0x8000] =	vst v63  }
0x25: {  	_ =	swait.ge [sflag:s10], $0x2710  }
0x26: {  	s18 =	simm.s32 $0x9C4;
	s17 =	simm.s32 $0x4E2;
	[sflag:s10] =	ssyncset.done $0x0  }
.LBB2_4:
0x27: {  	s19 =	sadd.s32 s17, s8  }
0x28: {  	[sflag:s10] =	ssyncadd.s32 $0xFFFFD8F0;
	s20 =	smov.u32 s18;
	s21 =	sadd.s32 $0x4E2, s18  }
0x29: {  	[tilespmem:s11], [sflag:$0x1] =	stream.linear.gather [hbm4b:s19+s3], $0x2710, $0x38;
	[tilespmem:$0x8000] =	vst v63  }
0x2a: {  	p0 =	sne.s32 s18, $0x2BF2;
	s18 =	sadd.s32 s17, s7;
	s17 =	smov.u32 s20  }
0x2b: {  	[tilespmem:s3], [sflag:$0x1] =	stream.linear.gather [hbm4b:s18+s3], $0x2710, $0x38;
	[tilespmem:$0x8000] =	vst v63  }
0x2c: {  	_ =	swait.ge [sflag:s12], $0x2710  }
0x2d: {  	[sflag:s12] =	ssyncset.done $0x0  }
0x2e: {  	[sflag:s12] =	ssyncadd.s32 $0xFFFFD8F0  }
0x2f: {  	_ =	swait.ge [sflag:s12], $0x2710  }
.Ltmp1:
0x30: {  	[sflag:s12] =	ssyncset.done $0x0;
	(pc) =	sbr.rel @p0 .LBB2_4-.Ltmp1, $4  }
0x31: {  	[sflag:s12] =	ssyncadd.s32 $0xFFFFD8F0  }
0x32: {  	[spmem:s2] =	stream.indirect.scatter.add.f32 [tilespmem:s11], [sflag:$0x2], $0x1, s3, s13, $0xb8;
	[tilespmem:$0x8000] =	vst v63  }
0x33: {  	_ =	swait.ge [sflag:s10], $0x2710  }
0x34: {  	s18 =	smov.u32 s21;
	[sflag:s10] =	ssyncset.done $0x0  }
0x35: {  	s18 =	sadd.s32 s17, s8;
	[sflag:s10] =	ssyncadd.s32 $0xFFFFD8F0  }
0x36: {  	[tilespmem:s11], [sflag:$0x1] =	stream.linear.gather [hbm4b:s18+s3], $0x2710, $0x38;
	[tilespmem:$0x8000] =	vst v63  }
0x37: {  	s31 =	sadd.s32 s17, s7  }
0x38: {  	[tilespmem:s3], [sflag:$0x1] =	stream.linear.gather [hbm4b:s31+s3], $0x2710, $0x38;
	[tilespmem:$0x8000] =	vst v63  }
0x39: {  	_ =	swait.ge [sflag:s12], $0x2710  }
0x3a: {  	[sflag:s12] =	ssyncset.done $0x0  }
0x3b: {  	[sflag:s12] =	ssyncadd.s32 $0xFFFFD8F0  }
0x3c: {  	_ =	swait.ge [sflag:s12], $0x2710  }
0x3d: {  	[sflag:s12] =	ssyncset.done $0x0  }
0x3e: {  	[sflag:s12] =	ssyncadd.s32 $0xFFFFD8F0  }
0x3f: {  	[spmem:s2] =	stream.indirect.scatter.add.f32 [tilespmem:s11], [sflag:$0x2], $0x1, s3, s13, $0xb8;
	[tilespmem:$0x8000] =	vst v63  }
0x40: {  	_ =	swait.ge [sflag:s10], $0x2710  }
0x41: {  	s16 =	sadd.s32 $0x1, s16;
	[sflag:s10] =	ssyncset.done $0x0  }
0x42: {  	p0 =	sne.s32 s16, s5;
	[sflag:s10] =	ssyncadd.s32 $0xFFFFD8F0  }
.Ltmp2:
0x43: {  	[bflag:$0x0] =	sbarrier.arrive $0xFFFF;
	(pc) =	sbr.rel @p0 .LBB2_1-.Ltmp2, $4  }
0x44: {  	[hbm:s6], [sflag:s14] =	dma.local [spmem:s15], $0x310  }
0x45: {  	_ =	swait.ge [sflag:s10], $0x310  }
0x46: {  	[sflag:s10] =	ssyncset.done $0x0  }
0x47: {  	[sflag:s10] =	ssyncadd.s32 $0xFFFFFCF0  }
0x48: {  	_ =	sfence.sel $0x180000  }
0x49: {  	[bflag:$0x0] =	sbarrier.arrive $0xFFFF  }
0x4a: {  	p0 =	sne.s32 s0, $0x0;
	_ =	strace $0x90000047  }
0x4b: {  	s0 =	sadd.s32 @!p0 $0x100000, s1;
	[bflag:$0x2] =	sbarrier.arrive $0xFFFF  }
0x4c: {  	[sflag:s0] =	ssyncadd.tile.s32 @!p0 $0x1;
	_ =	shalt  }
.Lfunc_end2:
_tile_overlayer_lowered:
.L_overlay_start_2:
0x4d: {  	(tag) =	ssettag $0x2  }
0x4e: {  	s0 =	rddreg [dreg:$0x0];
	s2 =	stileid.u32  }
0x4f: {  	s1 =	rddreg [dreg:$0x1];
	p0 =	sne.s32 s2, $0x0  }
0x50: {  	s3 =	rddreg [dreg:$0x2];
	[bflag:$0x3] =	sbarrier.arrive $0xFFFF;
	s2 =	simm.s32 @!p0 $0x1C02  }
0x51: {  	[timem:s3], [sflag:s2] =	dma.local @!p0 [hbm:s0], s1  }
0x52: {  	s0 =	simm.s32 @!p0 $0x2  }
0x53: {  	_ =	swait.ge @!p0 [sflag:s0], s1  }
0x54: {  	s1 =	ssub.s32 @!p0 $0x0, s1;
	[sflag:s0] =	ssyncset.done @!p0 $0x0  }
0x55: {  	[sflag:s0] =	ssyncadd.s32 @!p0 s1  }
0x56: {  	[bflag:$0x3] =	sbarrier.arrive $0xFFFF  }
0x57: {  	_ =	shalt  }

// kernel: kernel.15.cloned.1.call-start
scs
__scs_entry_jumppad:
0x0: {  	(pc) =	sbr.rel $0x88, $3  }
0x1: {  	(tag) =	ssettag $0x0;
	lr =	simm.s32 $0x1  }
0x2: {  	[smem:$0x3F9A] =	sst lr;
	_ =	strace $0xD0000000  }
0x3: {  	_ = 	snop  }
0x4: {  	_ = 	snop  }
0x5: {  	_ = 	snop  }
0x6: {  	_ = 	snop  }
0x7: {  	_ = 	snop  }
__scs_overlays_trampoline_lowered:
0x8: {  	[smem:$0x3FA9] =	sst s0  }
0x9: {  	[smem:$0x3FAA] =	sst s1  }
0xa: {  	[smem:$0x3FAB] =	sst s2  }
0xb: {  	[smem:$0x3FAC] =	sst s3  }
0xc: {  	[smem:$0x3FAD] =	sst s4  }
0xd: {  	[smem:$0x3FAE] =	sst s5  }
0xe: {  	[smem:$0x3FAF] =	sst s6  }
0xf: {  	[smem:$0x3FB0] =	sst s7  }
0x10: {  	[smem:$0x3FB1] =	sst s8  }
0x11: {  	[smem:$0x3FB2] =	sst s9;
	s0 =	simm.s32 @!p0 $0x0  }
0x12: {  	s1 =	sld [smem:$0x3F98];
	s0 =	simm.s32 @p0 $0x1  }
0x13: {  	[smem:$0x3FB3] =	sst s0;
	s0 =	simm.s32 @!p1 $0x0  }
0x14: {  	s2 =	sld [smem:$0x3F97];
	s0 =	simm.s32 @p1 $0x1  }
0x15: {  	[smem:$0x3FB4] =	sst s0;
	s0 =	simm.s32 @!p2 $0x0  }
0x16: {  	s3 =	sld [smem:$0x3FDB];
	s0 =	simm.s32 @p2 $0x1  }
0x17: {  	s4 =	simm.s32 $0x1BF5;
	[smem:$0x3FB6] =	sst s0  }
0x18: {  	s0 =	sld [smem:$0x3F99];
	_ =	swait.ge [sflag:s4], $0x0  }
0x19: {  	s7 =	sld [smem:$0x3F9A]  }
0x1a: {  	s8 =	sadd.s32 $0xFFFFE003, lr  }
0x1b: {  	s9 =	sadd.s32 $0xFFFFFEF7, lr;
	s5 =	simm.s32 $0xFFFFFFFF;
	p2 =	slt.u32 s8, $0xFFFFF086  }
0x1c: {  	p1 =	slt.u32 s9, $0xF7A;
	s5 =	simm.s32 @!p2 $0x0  }
0x1d: {  	s5 =	simm.s32 @p1 $0x1;
	p0 =	seq.s32 s7, s2  }
0x1e: {  	s7 =	smul.u32 @!p0 $0xF7A, s2;
	p2 =	seq.s32 @!p0 s5, $0x0  }
0x1f: {  	s9 =	smul.u32 $0xF7A, s1;
	s8 =	simm.s32 @!p0 $0x1BF5;
	p2 =	por !p2, p0  }
0x20: {  	[sflag:s8] =	ssyncset.s32 @!p0 $0xFFFFF086;
	s6 =	sadd.s32 @!p0 s3, s7;
	s7 =	simm.s32 @!p0 $0x108  }
0x21: {  	s3 =	sadd.s32 s3, s9;
	s6 =	sadd.s32 @!p0 $0x88, s6;
	s7 =	simm.s32 @p2 $0x1082  }
0x22: {  	[simem:s7], [sflag:s8] =	dma.local @!p0 [hbm:s6], $0xF7A  }
0x23: {  	s9 =	sor.u32 $0xD0000000, s2;
	s6 =	simm.s32 $0x108;
	_ =	swait.ge @!p0 [sflag:s8], $0x0  }
0x24: {  	s3 =	sadd.s32 $0x88, s3;
	s6 =	simm.s32 @!p1 $0x1082;
	[sflag:s4] =	ssyncset.s32 $0xFFFFF086  }
0x25: {  	[simem:s6], [sflag:s4] =	dma.local [hbm:s3], $0xF7A  }
0x26: {  	[smem:$0x3F9A] =	sst s1;
	(tag) =	ssettag s2;
	_ =	strace s9  }
0x27: {  	s1 =	sld [smem:$0x3FAA]  }
0x28: {  	s2 =	sld [smem:$0x3FAB]  }
0x29: {  	s4 =	sld [smem:$0x3FAD]  }
0x2a: {  	p0 =	seq.s32 s5, $0x0;
	s5 =	sld [smem:$0x3FAE]  }
0x2b: {  	s6 =	sld [smem:$0x3FAF]  }
0x2c: {  	s7 =	sld [smem:$0x3FB0]  }
0x2d: {  	s3 =	simm.s32 $0x108;
	s8 =	sld [smem:$0x3FB1]  }
0x2e: {  	s3 =	simm.s32 @!p0 $0x1082;
	s9 =	sld [smem:$0x3FB2]  }
0x2f: {  	lr =	sadd.s32 s0, s3;
	s0 =	sld [smem:$0x3FA9]  }
0x30: {  	s3 =	sld [smem:$0x3FAC]  }
0x31: {  	[smem:$0x3FB5] =	sst s10  }
0x32: {  	s10 =	sld [smem:$0x3FB3];
	_ =	sdelay $0x3  }
0x33: {  	p0 =	seq.s32 s10, $0x1;
	s10 =	sld [smem:$0x3FB5];
	_ =	sdelay $0x3  }
0x34: {  	[smem:$0x3FB5] =	sst s10  }
0x35: {  	s10 =	sld [smem:$0x3FB4];
	_ =	sdelay $0x3  }
0x36: {  	p1 =	seq.s32 s10, $0x1;
	s10 =	sld [smem:$0x3FB5];
	_ =	sdelay $0x3  }
0x37: {  	[smem:$0x3FB5] =	sst s10  }
0x38: {  	s10 =	sld [smem:$0x3FB6]  }
0x39: {  	_ = 	snop;
	(pc) =	sbr.ind lr, $3  }
0x3a: {  	_ = 	snop  }
0x3b: {  	_ = 	snop  }
0x3c: {  	p2 =	seq.s32 s10, $0x1;
	s10 =	sld [smem:$0x3FB5]  }
0x3d: {  	_ =	shalt  }
0x3e: {  	_ =	shalt  }
0x3f: {  	_ =	shalt  }
0x40: {  	_ =	shalt  }
0x41: {  	_ =	shalt  }
0x42: {  	_ =	shalt  }
0x43: {  	_ =	shalt  }
0x44: {  	_ =	shalt  }
0x45: {  	_ =	shalt  }
0x46: {  	_ =	shalt  }
0x47: {  	_ =	shalt  }
0x48: {  	_ =	shalt  }
0x49: {  	_ =	shalt  }
0x4a: {  	_ =	shalt  }
0x4b: {  	_ =	shalt  }
0x4c: {  	_ =	shalt  }
0x4d: {  	_ =	shalt  }
0x4e: {  	_ =	shalt  }
0x4f: {  	_ =	shalt  }
0x50: {  	_ =	shalt  }
0x51: {  	_ =	shalt  }
0x52: {  	_ =	shalt  }
0x53: {  	_ =	shalt  }
0x54: {  	_ =	shalt  }
0x55: {  	_ =	shalt  }
0x56: {  	_ =	shalt  }
0x57: {  	_ =	shalt  }
0x58: {  	_ =	shalt  }
0x59: {  	_ =	shalt  }
0x5a: {  	_ =	shalt  }
0x5b: {  	_ =	shalt  }
0x5c: {  	_ =	shalt  }
0x5d: {  	_ =	shalt  }
0x5e: {  	_ =	shalt  }
0x5f: {  	_ =	shalt  }
0x60: {  	_ =	shalt  }
0x61: {  	_ =	shalt  }
0x62: {  	_ =	shalt  }
0x63: {  	_ =	shalt  }
0x64: {  	_ =	shalt  }
0x65: {  	_ =	shalt  }
0x66: {  	_ =	shalt  }
0x67: {  	_ =	shalt  }
0x68: {  	_ =	shalt  }
0x69: {  	_ =	shalt  }
0x6a: {  	_ =	shalt  }
0x6b: {  	_ =	shalt  }
0x6c: {  	_ =	shalt  }
0x6d: {  	_ =	shalt  }
0x6e: {  	_ =	shalt  }
0x6f: {  	_ =	shalt  }
0x70: {  	_ =	shalt  }
0x71: {  	_ =	shalt  }
0x72: {  	_ =	shalt  }
0x73: {  	_ =	shalt  }
0x74: {  	_ =	shalt  }
0x75: {  	_ =	shalt  }
0x76: {  	_ =	shalt  }
0x77: {  	_ =	shalt  }
0x78: {  	_ =	shalt  }
0x79: {  	_ =	shalt  }
0x7a: {  	_ =	shalt  }
0x7b: {  	_ =	shalt  }
0x7c: {  	_ =	shalt  }
0x7d: {  	_ =	shalt  }
0x7e: {  	_ =	shalt  }
0x7f: {  	_ =	shalt  }
0x80: {  	_ =	shalt  }
0x81: {  	_ =	shalt  }
0x82: {  	_ =	shalt  }
0x83: {  	_ =	shalt  }
0x84: {  	_ =	shalt  }
0x85: {  	_ =	shalt  }
0x86: {  	_ =	shalt  }
0x87: {  	_ =	shalt  }
.Lfunc_end0:
.L_simem_size_0:
called_computation.1_lowered:
.L_overlay_start_0:
0x88: {  	s2 =	sld [smem:$0x3FD9]  }
0x89: {  	s3 =	sld [smem:$0x3FFE];
	_ =	sdelay $0x1  }
0x8a: {  	s1 =	srdreg.scid  }
0x8b: {  	s0 =	sand.u32 $0x1, s1  }
0x8c: {  	s14 =	sshll.u32 s0, $0xA;
	s2 =	sadd.s32 s3, s2  }
0x8d: {  	s2 =	sadd.s32 s2, s14  }
0x8e: {  	[smem:$0x3FC1] =	sst s2  }
0x8f: {  	_ = 	snop  }
0x90: {  	s2 =	sld [smem:$0x3FD0];
	_ =	sdelay $0x2  }
0x91: {  	s15 =	simm.s32 $0xA;
	s4 =	simm.s32 $0x10  }
0x92: {  	[smem:s4], [sflag:s15] =	dma.local [hbm:s2], $0x1  }
0x93: {  	_ =	swait.eq [sflag:s15], $0x1  }
0x94: {  	[sflag:s15] =	ssyncset.done $0x0  }
0x95: {  	[sflag:s15] =	ssyncadd.s32 $0xFFFFFFFF  }
0x96: {  	s16 =	sld [smem:$0x11];
	(tm) =	ssettm $0x1  }
0x97: {  	s17 =	sld [smem:$0x3FFB];
	_ =	sdelay $0x3  }
0x98: {  	_ =	strace s17  }
0x99: {  	s3 =	sld [smem:$0x3FFC];
	_ =	sdelay $0x3  }
0x9a: {  	_ =	strace s3  }
0x9b: {  	s3 =	sld [smem:$0x3FFD];
	_ =	sdelay $0x3  }
0x9c: {  	_ =	strace s3  }
0x9d: {  	_ =	strace $0x8FFFFFFF  }
0x9e: {  	s18 =	sld [smem:$0x3FDB];
	_ =	sdelay $0x1  }
0x9f: {  	s19 =	simm.s32 $_scs_section_size  }
0xa0: {  	s5 =	simm.s32 $_size__tile_overlayer_lowered;
	s6 =	simm.s32 $_tile_overlayer_lowered  }
0xa1: {  	s22 =	simm.s32 $0x1BFF;
	s21 =	sshll.u32 s6, $0x1;
	s3 =	sadd.s32 s19, s18  }
0xa2: {  	s7 =	simm.s32 $0x0;
	s20 =	sshll.u32 s5, $0x1;
	s5 =	sadd.s32 s21, s3  }
0xa3: {  	[timem:s7], [sflag:s22] =	dma.local [hbm:s5], s20  }
0xa4: {  	_ =	swait.ge [sflag:s22], s20  }
0xa5: {  	s4 =	ssub.s32 $0x0, s20;
	[sflag:s22] =	ssyncset.done $0x0  }
0xa6: {  	[sflag:s22] =	ssyncadd.s32 s4;
	_ =	sdelay $0x1  }
0xa7: {  	s23 =	simm.s32 $0x1B8B  }
0xa8: {  	_ =	swait.ge [sflag:s23], $0x1  }
0xa9: {  	[sflag:s23] =	ssyncset.done $0x0  }
0xaa: {  	s25 =	simm.s32 $0x1B8E;
	s24 =	sld [smem:$0x3FFE];
	[sflag:s23] =	ssyncadd.s32 $0xFFFFFFFF  }
0xab: {  	s26 =	simm.s32 $execute0_lowered;
	[smem:$0x3FD2] =	sst s25  }
0xac: {  	s5 =	sshll.u32 s26, $0x1;
	_ =	strace $0x80000049;
	[dreg:$0x1] =	wrdreg $0xFFFFFFFF  }
0xad: {  	s28 =	simm.s32 $_size_execute0_lowered;
	s3 =	sadd.s32 s3, s5;
	[dreg:$0x0] =	wrdreg $0x0  }
0xae: {  	s5 =	sshll.u32 s28, $0x1;
	[dreg:$0x2] =	wrdreg s3  }
0xaf: {  	[dreg:$0x3] =	wrdreg s5  }
0xb0: {  	[dreg:$0x4] =	wrdreg $0xC0  }
0xb1: {  	_ =	task [dreg:s7], $0x5FFFF  }
0xb2: {  	[dreg:$0x1] =	wrdreg $0xFFFFFFFF  }
0xb3: {  	[dreg:$0x0] =	wrdreg $0x60  }
0xb4: {  	[dreg:$0x2] =	wrdreg s24  }
0xb5: {  	[dreg:$0x3] =	wrdreg s16  }
0xb6: {  	[dreg:$0x4] =	wrdreg $0xB6800  }
0xb7: {  	[dreg:$0x5] =	wrdreg $0xCF000  }
0xb8: {  	[dreg:$0x6] =	wrdreg $0x9  }
0xb9: {  	_ =	task.clear_ibuf [dreg:s7], $0x7FFFF;
	_ =	strace $0x90000049  }
0xba: {  	s29 =	simm.s32 $0x9;
	_ =	strace $0x8000004B  }
0xbb: {  	_ =	swait.ge [sflag:s29], $0x1  }
0xbc: {  	[sflag:s29] =	ssyncadd.s32 $0xFFFFFFFF  }
0xbd: {  	_ =	strace $0x9000004B  }
0xbe: {  	_ =	sfence  }
0xbf: {  	s30 =	sld [smem:$0x0];
	_ =	sdelay $0x2  }
0xc0: {  	s31 =	sshll.u32 s1, $0xD;
	s1 =	sshrl.u32 s1, $0x2  }
0xc1: {  	s3 =	sand.u32 $0x4000, s31;
	s1 =	sadd.s32 s1, s30  }
0xc2: {  	s0 =	sor.u32 s3, s0;
	s1 =	sshll.u32 s1, $0x11  }
0xc3: {  	s0 =	sor.u32 s1, s0  }
0xc4: {  	s0 =	sadd.s32 $0x8F2B, s0  }
0xc5: {  	[sflag:s0] =	ssyncadd.remote.s32 $0x1  }
0xc6: {  	_ =	sfence.sel $0xFFFF  }
0xc7: {  	[dreg:$0x0] =	wrdreg $0xFFFFFFFF;
	(pc) =	sbr.abs _section_cstart, $3  }
0xc8: {  	[dreg:$0x1] =	wrdreg $0xFFFFFFFF  }
0xc9: {  	_ =	task.clear_ibuf [dreg:s7], $0x2FFFF;
	_ =	strace $0x9FFFFFFF  }
0xca: {  	(tm) =	ssettm $0x7FFFFFFF  }
0xcb: {  	_ =	shalt  }
tec
execute0_lowered:
.L_overlay_start_1:
0x0: {  	(tag) =	ssettag $0x1  }
0x1: {  	s7 =	rddreg [dreg:$0x0]  }
0x2: {  	s2 =	rddreg [dreg:$0x1]  }
0x3: {  	s3 =	rddreg [dreg:$0x2]  }
0x4: {  	s4 =	rddreg [dreg:$0x3]  }
0x5: {  	s1 =	stileid.u32;
	s0 =	rddreg [dreg:$0x4];
	s5 =	simm.s32 $0x0  }
0x6: {  	s6 =	srdreg.scid;
	s15 =	simm.s32 $0xD8000;
	s16 =	simm.s32 $0x4F00  }
0x7: {  	s17 =	simm.s32 $0x2780;
	s18 =	simm.s32 $0x1;
	s19 =	simm.s32 $0x2710  }
0x8: {  	s20 =	simm.s32 $0x7680;
	s22 =	simm.s32 $0x0;
	s10 =	smul.u32 $0x1880, s1  }
0x9: {  	[smem:$0x7FF] =	sst s5;
	s11 =	sand.u32 $0x1, s6;
	s6 =	sadd.s32 $0x66A00, s7  }
0xa: {  	s21 =	sshll.u32 s1, $0x6;
	_ =	strace $0x8000004A;
	s31 =	ssub.s32 $0x2, s11  }
0xb: {  	s12 =	sshll.u32 s11, $0x4;
	p0 =	seq.s32 s11, $0x1;
	s21 =	sor.u32 $0x1C02, s21  }
0xc: {  	s8 =	sshrl.u32 s10, $0x3;
	s9 =	sshrl.u32 s31, $0x1;
	s12 =	sor.u32 s1, s12  }
0xd: {  	s15 =	simm.s32 @!p0 $0xD4E00;
	s13 =	sadd.s32 s8, s7;
	s7 =	sadd.s32 $0x4E00, s7  }
0xe: {  	s14 =	ssub.s32 s31, s9;
	s9 =	sadd.s32 s10, s3;
	s10 =	sadd.s32 s10, s4  }
0xf: {  	s11 =	smul.u32 $0x186A0, s12;
	s8 =	sadd.s32 $0xC8600, s13;
	s12 =	smax.u32 s14, $0x1  }
0x10: {  	v0 =	vimm.f32 $0.0e+00;
	s13 =	sadd.s32 s15, s13;
	s14 =	simm.s32 $0x9E00;
	s15 =	simm.s32 $0x2  }
.LBB2_1:
0x11: {  	[tilespmem:s14], [sflag:$0x2] =	stream.linear.gather [hbm4b:s8+s5], $0x1880, $0x38;
	[tilespmem:$0xE780] =	vst v63  }
0x12: {  	_ =	swait.ge [sflag:s15], $0x1880  }
0x13: {  	[sflag:s15] =	ssyncset.done $0x0  }
0x14: {  	[sflag:s15] =	ssyncadd.s32 $0xFFFFE780  }
0x15: {  	[spmem:s9] =	stream.linear.scatter [tilespmem:s14], [sflag:$0x2], $0x1880, $0x38;
	[tilespmem:$0xE780] =	vst v63  }
0x16: {  	_ =	swait.ge [sflag:s15], $0x1880  }
0x17: {  	[sflag:s15] =	ssyncset.done $0x0  }
0x18: {  	s23 =	simm.s32 $0x40;
	s24 =	simm.s32 $0x0;
	[sflag:s15] =	ssyncadd.s32 $0xFFFFE780  }
.LBB2_2:
0x19: {  	p0 =	sne.s32 s23, $0x61C0;
	[tilespmem:s24+$0x9E00] =	vst v0;
	s24 =	smov.u32 s23;
	s23 =	sadd.s32 $0x40, s23  }
.Ltmp0:
0x1a: {  	(pc) =	sbr.rel @p0 .LBB2_2-.Ltmp0, $2  }
0x1b: {  	_ =	sdelay $0x2  }
0x1c: {  	s24 =	sshra.s32 s24, $0x2  }
0x1d: {  	[tilespmem:s24+$0x9E00] =	vst v0  }
0x1e: {  	[spmem:s10] =	stream.linear.scatter [tilespmem:s14], [sflag:$0x2], $0x1880, $0x38;
	[tilespmem:$0xE780] =	vst v63  }
0x1f: {  	_ =	swait.ge [sflag:s15], $0x1880  }
0x20: {  	[sflag:s15] =	ssyncset.done $0x0  }
0x21: {  	[sflag:s15] =	ssyncadd.s32 $0xFFFFE780  }
0x22: {  	s23 =	simm.s32 $0x0;
	s24 =	simm.s32 $0x0;
	[bflag:$0x0] =	sbarrier.arrive $0xFFFF  }
.LBB2_4:
0x23: {  	s25 =	smul.u32 $0x2710, s24;
	_ =	sdelay $0x1  }
0x24: {  	s25 =	sadd.s32 s11, s25  }
0x25: {  	s25 =	sshrl.u32 s25, $0x3  }
0x26: {  	s26 =	sadd.s32 s6, s25  }
0x27: {  	[tilespmem:s23], [sflag:$0x1] =	stream.linear.gather [hbm4b:s26+s23], $0x2710, $0x38;
	[tilespmem:$0xE780] =	vst v63  }
0x28: {  	s31 =	sadd.s32 s2, s25  }
0x29: {  	[tilespmem:s16], [sflag:$0x1] =	stream.linear.gather [hbm4b:s31+s23], $0x2710, $0x38;
	[tilespmem:$0xE780] =	vst v63  }
0x2a: {  	s25 =	sadd.s32 s7, s25  }
0x2b: {  	[tilespmem:s17], [sflag:$0x1] =	stream.linear.gather [hbm4b:s25+s23], $0x2710, $0x38;
	[tilespmem:$0xE780] =	vst v63  }
0x2c: {  	_ =	swait.ge [sflag:s18], $0x2710  }
0x2d: {  	[sflag:s18] =	ssyncset.done $0x0  }
0x2e: {  	[sflag:s18] =	ssyncadd.s32 $0xFFFFD8F0  }
0x2f: {  	[tilespmem:s20], [sflag:$0x2] =	stream.indirect.gather [spmem:s3], $0x1, s23, s19, $0xb8;
	[tilespmem:$0xE780] =	vst v63  }
0x30: {  	_ =	swait.ge [sflag:s15], $0x2710  }
0x31: {  	[sflag:s15] =	ssyncset.done $0x0  }
0x32: {  	[sflag:s15] =	ssyncadd.s32 $0xFFFFD8F0  }
0x33: {  	_ =	swait.ge [sflag:s18], $0x2710  }
0x34: {  	[sflag:s18] =	ssyncset.done $0x0  }
0x35: {  	s25 =	simm.s32 $0x0;
	[sflag:s18] =	ssyncadd.s32 $0xFFFFD8F0  }
0x36: {  	s26 =	simm.s32 $0x40;
	v1 =	vld [tilespmem:s25+$0x4F00]  }
.LBB2_5:
0x37: {  	p0 =	sne.s32 s26, $0x9C00;
	v2 =	vld [tilespmem:s25+$0x7680];
	_ =	sdelay $0x2  }
.Ltmp1:
0x38: {  	(pc) =	sbr.rel @p0 .LBB2_5-.Ltmp1, $4  }
0x39: {  	_ = 	snop  }
0x3a: {  	v2 =	vmul.f32 v1, v2  }
0x3b: {  	s28 =	sshra.s32 s26, $0x2  }
0x3c: {  	s26 =	sadd.s32 $0x40, s26;
	v1 =	vld [tilespmem:s28+$0x4F00];
	[tilespmem:s25+$0x7680] =	vst v2;
	s25 =	smov.u32 s28  }
0x3d: {  	v2 =	vld [tilespmem:s25+$0x7680];
	_ =	sdelay $0x4  }
0x3e: {  	v1 =	vmul.f32 v1, v2;
	_ =	sdelay $0x1  }
0x3f: {  	[tilespmem:s25+$0x7680] =	vst v1  }
0x40: {  	s24 =	sadd.s32 $0x1, s24;
	_ =	swait.ge [sflag:s18], $0x2710  }
0x41: {  	p0 =	sne.s32 s24, $0xA;
	[sflag:s18] =	ssyncset.done $0x0  }
.Ltmp2:
0x42: {  	[sflag:s18] =	ssyncadd.s32 $0xFFFFD8F0;
	(pc) =	sbr.rel @p0 .LBB2_4-.Ltmp2, $4  }
0x43: {  	[spmem:s4] =	stream.indirect.scatter.add.f32 [tilespmem:s20], [sflag:$0x2], $0x1, s17, s19, $0xb8;
	[tilespmem:$0xE780] =	vst v63  }
0x44: {  	_ =	swait.ge [sflag:s15], $0x2710  }
0x45: {  	[sflag:s15] =	ssyncset.done $0x0  }
0x46: {  	[sflag:s15] =	ssyncadd.s32 $0xFFFFD8F0  }
0x47: {  	s22 =	sadd.s32 $0x1, s22  }
0x48: {  	p0 =	sne.s32 s22, s12  }
.Ltmp3:
0x49: {  	[bflag:$0x0] =	sbarrier.arrive $0xFFFF;
	s23 =	sshrl.u32 s10, $0x3;
	(pc) =	sbr.rel @p0 .LBB2_1-.Ltmp3, $4  }
0x4a: {  	[hbm:s13], [sflag:s21] =	dma.local [spmem:s23], $0x310  }
0x4b: {  	_ =	swait.ge [sflag:s15], $0x310  }
0x4c: {  	[sflag:s15] =	ssyncset.done $0x0  }
0x4d: {  	[sflag:s15] =	ssyncadd.s32 $0xFFFFFCF0  }
0x4e: {  	_ =	sfence.sel $0x180000  }
0x4f: {  	[bflag:$0x0] =	sbarrier.arrive $0xFFFF  }
0x50: {  	p0 =	sne.s32 s1, $0x0;
	_ =	strace $0x9000004A  }
0x51: {  	s0 =	sadd.s32 @!p0 $0x100000, s0;
	[bflag:$0x2] =	sbarrier.arrive $0xFFFF  }
0x52: {  	[sflag:s0] =	ssyncadd.tile.s32 @!p0 $0x1;
	_ =	shalt  }
.Lfunc_end2:
_tile_overlayer_lowered:
.L_overlay_start_2:
0x53: {  	(tag) =	ssettag $0x2  }
0x54: {  	s0 =	rddreg [dreg:$0x0];
	s2 =	stileid.u32  }
0x55: {  	s1 =	rddreg [dreg:$0x1];
	p0 =	sne.s32 s2, $0x0  }
0x56: {  	s3 =	rddreg [dreg:$0x2];
	[bflag:$0x3] =	sbarrier.arrive $0xFFFF;
	s2 =	simm.s32 @!p0 $0x1C02  }
0x57: {  	[timem:s3], [sflag:s2] =	dma.local @!p0 [hbm:s0], s1  }
0x58: {  	s0 =	simm.s32 @!p0 $0x2  }
0x59: {  	_ =	swait.ge @!p0 [sflag:s0], s1  }
0x5a: {  	s1 =	ssub.s32 @!p0 $0x0, s1;
	[sflag:s0] =	ssyncset.done @!p0 $0x0  }
0x5b: {  	[sflag:s0] =	ssyncadd.s32 @!p0 s1  }
0x5c: {  	[bflag:$0x3] =	sbarrier.arrive $0xFFFF  }
0x5d: {  	_ =	shalt  }

// kernel: kernel.18.cloned.1.call-start
scs
__scs_entry_jumppad:
0x0: {  	(pc) =	sbr.rel $0x88, $3  }
0x1: {  	(tag) =	ssettag $0x0;
	lr =	simm.s32 $0x1  }
0x2: {  	[smem:$0x3F9A] =	sst lr;
	_ =	strace $0xD0000000  }
0x3: {  	_ = 	snop  }
0x4: {  	_ = 	snop  }
0x5: {  	_ = 	snop  }
0x6: {  	_ = 	snop  }
0x7: {  	_ = 	snop  }
__scs_overlays_trampoline_lowered:
0x8: {  	[smem:$0x3FA9] =	sst s0  }
0x9: {  	[smem:$0x3FAA] =	sst s1  }
0xa: {  	[smem:$0x3FAB] =	sst s2  }
0xb: {  	[smem:$0x3FAC] =	sst s3  }
0xc: {  	[smem:$0x3FAD] =	sst s4  }
0xd: {  	[smem:$0x3FAE] =	sst s5  }
0xe: {  	[smem:$0x3FAF] =	sst s6  }
0xf: {  	[smem:$0x3FB0] =	sst s7  }
0x10: {  	[smem:$0x3FB1] =	sst s8  }
0x11: {  	[smem:$0x3FB2] =	sst s9;
	s0 =	simm.s32 @!p0 $0x0  }
0x12: {  	s1 =	sld [smem:$0x3F98];
	s0 =	simm.s32 @p0 $0x1  }
0x13: {  	[smem:$0x3FB3] =	sst s0;
	s0 =	simm.s32 @!p1 $0x0  }
0x14: {  	s2 =	sld [smem:$0x3F97];
	s0 =	simm.s32 @p1 $0x1  }
0x15: {  	[smem:$0x3FB4] =	sst s0;
	s0 =	simm.s32 @!p2 $0x0  }
0x16: {  	s3 =	sld [smem:$0x3FDB];
	s0 =	simm.s32 @p2 $0x1  }
0x17: {  	s4 =	simm.s32 $0x1BF5;
	[smem:$0x3FB6] =	sst s0  }
0x18: {  	s0 =	sld [smem:$0x3F99];
	_ =	swait.ge [sflag:s4], $0x0  }
0x19: {  	s7 =	sld [smem:$0x3F9A]  }
0x1a: {  	s8 =	sadd.s32 $0xFFFFE003, lr  }
0x1b: {  	s9 =	sadd.s32 $0xFFFFFEF7, lr;
	s5 =	simm.s32 $0xFFFFFFFF;
	p2 =	slt.u32 s8, $0xFFFFF086  }
0x1c: {  	p1 =	slt.u32 s9, $0xF7A;
	s5 =	simm.s32 @!p2 $0x0  }
0x1d: {  	s5 =	simm.s32 @p1 $0x1;
	p0 =	seq.s32 s7, s2  }
0x1e: {  	s7 =	smul.u32 @!p0 $0xF7A, s2;
	p2 =	seq.s32 @!p0 s5, $0x0  }
0x1f: {  	s9 =	smul.u32 $0xF7A, s1;
	s8 =	simm.s32 @!p0 $0x1BF5;
	p2 =	por !p2, p0  }
0x20: {  	[sflag:s8] =	ssyncset.s32 @!p0 $0xFFFFF086;
	s6 =	sadd.s32 @!p0 s3, s7;
	s7 =	simm.s32 @!p0 $0x108  }
0x21: {  	s3 =	sadd.s32 s3, s9;
	s6 =	sadd.s32 @!p0 $0x88, s6;
	s7 =	simm.s32 @p2 $0x1082  }
0x22: {  	[simem:s7], [sflag:s8] =	dma.local @!p0 [hbm:s6], $0xF7A  }
0x23: {  	s9 =	sor.u32 $0xD0000000, s2;
	s6 =	simm.s32 $0x108;
	_ =	swait.ge @!p0 [sflag:s8], $0x0  }
0x24: {  	s3 =	sadd.s32 $0x88, s3;
	s6 =	simm.s32 @!p1 $0x1082;
	[sflag:s4] =	ssyncset.s32 $0xFFFFF086  }
0x25: {  	[simem:s6], [sflag:s4] =	dma.local [hbm:s3], $0xF7A  }
0x26: {  	[smem:$0x3F9A] =	sst s1;
	(tag) =	ssettag s2;
	_ =	strace s9  }
0x27: {  	s1 =	sld [smem:$0x3FAA]  }
0x28: {  	s2 =	sld [smem:$0x3FAB]  }
0x29: {  	s4 =	sld [smem:$0x3FAD]  }
0x2a: {  	p0 =	seq.s32 s5, $0x0;
	s5 =	sld [smem:$0x3FAE]  }
0x2b: {  	s6 =	sld [smem:$0x3FAF]  }
0x2c: {  	s7 =	sld [smem:$0x3FB0]  }
0x2d: {  	s3 =	simm.s32 $0x108;
	s8 =	sld [smem:$0x3FB1]  }
0x2e: {  	s3 =	simm.s32 @!p0 $0x1082;
	s9 =	sld [smem:$0x3FB2]  }
0x2f: {  	lr =	sadd.s32 s0, s3;
	s0 =	sld [smem:$0x3FA9]  }
0x30: {  	s3 =	sld [smem:$0x3FAC]  }
0x31: {  	[smem:$0x3FB5] =	sst s10  }
0x32: {  	s10 =	sld [smem:$0x3FB3];
	_ =	sdelay $0x3  }
0x33: {  	p0 =	seq.s32 s10, $0x1;
	s10 =	sld [smem:$0x3FB5];
	_ =	sdelay $0x3  }
0x34: {  	[smem:$0x3FB5] =	sst s10  }
0x35: {  	s10 =	sld [smem:$0x3FB4];
	_ =	sdelay $0x3  }
0x36: {  	p1 =	seq.s32 s10, $0x1;
	s10 =	sld [smem:$0x3FB5];
	_ =	sdelay $0x3  }
0x37: {  	[smem:$0x3FB5] =	sst s10  }
0x38: {  	s10 =	sld [smem:$0x3FB6]  }
0x39: {  	_ = 	snop;
	(pc) =	sbr.ind lr, $3  }
0x3a: {  	_ = 	snop  }
0x3b: {  	_ = 	snop  }
0x3c: {  	p2 =	seq.s32 s10, $0x1;
	s10 =	sld [smem:$0x3FB5]  }
0x3d: {  	_ =	shalt  }
0x3e: {  	_ =	shalt  }
0x3f: {  	_ =	shalt  }
0x40: {  	_ =	shalt  }
0x41: {  	_ =	shalt  }
0x42: {  	_ =	shalt  }
0x43: {  	_ =	shalt  }
0x44: {  	_ =	shalt  }
0x45: {  	_ =	shalt  }
0x46: {  	_ =	shalt  }
0x47: {  	_ =	shalt  }
0x48: {  	_ =	shalt  }
0x49: {  	_ =	shalt  }
0x4a: {  	_ =	shalt  }
0x4b: {  	_ =	shalt  }
0x4c: {  	_ =	shalt  }
0x4d: {  	_ =	shalt  }
0x4e: {  	_ =	shalt  }
0x4f: {  	_ =	shalt  }
0x50: {  	_ =	shalt  }
0x51: {  	_ =	shalt  }
0x52: {  	_ =	shalt  }
0x53: {  	_ =	shalt  }
0x54: {  	_ =	shalt  }
0x55: {  	_ =	shalt  }
0x56: {  	_ =	shalt  }
0x57: {  	_ =	shalt  }
0x58: {  	_ =	shalt  }
0x59: {  	_ =	shalt  }
0x5a: {  	_ =	shalt  }
0x5b: {  	_ =	shalt  }
0x5c: {  	_ =	shalt  }
0x5d: {  	_ =	shalt  }
0x5e: {  	_ =	shalt  }
0x5f: {  	_ =	shalt  }
0x60: {  	_ =	shalt  }
0x61: {  	_ =	shalt  }
0x62: {  	_ =	shalt  }
0x63: {  	_ =	shalt  }
0x64: {  	_ =	shalt  }
0x65: {  	_ =	shalt  }
0x66: {  	_ =	shalt  }
0x67: {  	_ =	shalt  }
0x68: {  	_ =	shalt  }
0x69: {  	_ =	shalt  }
0x6a: {  	_ =	shalt  }
0x6b: {  	_ =	shalt  }
0x6c: {  	_ =	shalt  }
0x6d: {  	_ =	shalt  }
0x6e: {  	_ =	shalt  }
0x6f: {  	_ =	shalt  }
0x70: {  	_ =	shalt  }
0x71: {  	_ =	shalt  }
0x72: {  	_ =	shalt  }
0x73: {  	_ =	shalt  }
0x74: {  	_ =	shalt  }
0x75: {  	_ =	shalt  }
0x76: {  	_ =	shalt  }
0x77: {  	_ =	shalt  }
0x78: {  	_ =	shalt  }
0x79: {  	_ =	shalt  }
0x7a: {  	_ =	shalt  }
0x7b: {  	_ =	shalt  }
0x7c: {  	_ =	shalt  }
0x7d: {  	_ =	shalt  }
0x7e: {  	_ =	shalt  }
0x7f: {  	_ =	shalt  }
0x80: {  	_ =	shalt  }
0x81: {  	_ =	shalt  }
0x82: {  	_ =	shalt  }
0x83: {  	_ =	shalt  }
0x84: {  	_ =	shalt  }
0x85: {  	_ =	shalt  }
0x86: {  	_ =	shalt  }
0x87: {  	_ =	shalt  }
.Lfunc_end0:
.L_simem_size_0:
called_computation.2_lowered:
.L_overlay_start_0:
0x88: {  	s2 =	sld [smem:$0x3FD9]  }
0x89: {  	s3 =	sld [smem:$0x3FFE];
	_ =	sdelay $0x1  }
0x8a: {  	s1 =	srdreg.scid  }
0x8b: {  	s0 =	sand.u32 $0x1, s1  }
0x8c: {  	s14 =	sshll.u32 s0, $0xA;
	s2 =	sadd.s32 s3, s2  }
0x8d: {  	s2 =	sadd.s32 s2, s14  }
0x8e: {  	[smem:$0x3FC1] =	sst s2  }
0x8f: {  	_ = 	snop  }
0x90: {  	s2 =	sld [smem:$0x3FD0];
	_ =	sdelay $0x2  }
0x91: {  	s15 =	simm.s32 $0xA;
	s4 =	simm.s32 $0x10  }
0x92: {  	[smem:s4], [sflag:s15] =	dma.local [hbm:s2], $0x1  }
0x93: {  	_ =	swait.eq [sflag:s15], $0x1  }
0x94: {  	[sflag:s15] =	ssyncset.done $0x0  }
0x95: {  	[sflag:s15] =	ssyncadd.s32 $0xFFFFFFFF  }
0x96: {  	s16 =	sld [smem:$0x11];
	(tm) =	ssettm $0x1  }
0x97: {  	s17 =	sld [smem:$0x3FFB];
	_ =	sdelay $0x3  }
0x98: {  	_ =	strace s17  }
0x99: {  	s3 =	sld [smem:$0x3FFC];
	_ =	sdelay $0x3  }
0x9a: {  	_ =	strace s3  }
0x9b: {  	s3 =	sld [smem:$0x3FFD];
	_ =	sdelay $0x3  }
0x9c: {  	_ =	strace s3  }
0x9d: {  	_ =	strace $0x8FFFFFFF  }
0x9e: {  	s18 =	sld [smem:$0x3FDB];
	_ =	sdelay $0x1  }
0x9f: {  	s19 =	simm.s32 $_scs_section_size  }
0xa0: {  	s5 =	simm.s32 $_size__tile_overlayer_lowered;
	s6 =	simm.s32 $_tile_overlayer_lowered  }
0xa1: {  	s22 =	simm.s32 $0x1BFF;
	s21 =	sshll.u32 s6, $0x1;
	s3 =	sadd.s32 s19, s18  }
0xa2: {  	s7 =	simm.s32 $0x0;
	s20 =	sshll.u32 s5, $0x1;
	s5 =	sadd.s32 s21, s3  }
0xa3: {  	[timem:s7], [sflag:s22] =	dma.local [hbm:s5], s20  }
0xa4: {  	_ =	swait.ge [sflag:s22], s20  }
0xa5: {  	s4 =	ssub.s32 $0x0, s20;
	[sflag:s22] =	ssyncset.done $0x0  }
0xa6: {  	[sflag:s22] =	ssyncadd.s32 s4;
	_ =	sdelay $0x1  }
0xa7: {  	s23 =	simm.s32 $0x1B8B  }
0xa8: {  	_ =	swait.ge [sflag:s23], $0x1  }
0xa9: {  	[sflag:s23] =	ssyncset.done $0x0  }
0xaa: {  	s25 =	simm.s32 $0x1B8E;
	s24 =	sld [smem:$0x3FFE];
	[sflag:s23] =	ssyncadd.s32 $0xFFFFFFFF  }
0xab: {  	s26 =	simm.s32 $execute0_lowered;
	[smem:$0x3FD2] =	sst s25  }
0xac: {  	s5 =	sshll.u32 s26, $0x1;
	_ =	strace $0x8000004C;
	[dreg:$0x1] =	wrdreg $0xFFFFFFFF  }
0xad: {  	s28 =	simm.s32 $_size_execute0_lowered;
	s3 =	sadd.s32 s3, s5;
	[dreg:$0x0] =	wrdreg $0x0  }
0xae: {  	s5 =	sshll.u32 s28, $0x1;
	[dreg:$0x2] =	wrdreg s3  }
0xaf: {  	[dreg:$0x3] =	wrdreg s5  }
0xb0: {  	[dreg:$0x4] =	wrdreg $0xC0  }
0xb1: {  	_ =	task [dreg:s7], $0x5FFFF  }
0xb2: {  	[dreg:$0x1] =	wrdreg $0xFFFFFFFF  }
0xb3: {  	[dreg:$0x0] =	wrdreg $0x60  }
0xb4: {  	[dreg:$0x2] =	wrdreg s24  }
0xb5: {  	[dreg:$0x3] =	wrdreg s16  }
0xb6: {  	[dreg:$0x4] =	wrdreg $0x14A000  }
0xb7: {  	[dreg:$0x5] =	wrdreg $0x162800  }
0xb8: {  	[dreg:$0x6] =	wrdreg $0x9  }
0xb9: {  	_ =	task.clear_ibuf [dreg:s7], $0x7FFFF;
	_ =	strace $0x9000004C  }
0xba: {  	s29 =	simm.s32 $0x9;
	_ =	strace $0x8000004E  }
0xbb: {  	_ =	swait.ge [sflag:s29], $0x1  }
0xbc: {  	[sflag:s29] =	ssyncadd.s32 $0xFFFFFFFF  }
0xbd: {  	_ =	strace $0x9000004E  }
0xbe: {  	_ =	sfence  }
0xbf: {  	s30 =	sld [smem:$0x0];
	_ =	sdelay $0x2  }
0xc0: {  	s31 =	sshll.u32 s1, $0xD;
	s1 =	sshrl.u32 s1, $0x2  }
0xc1: {  	s3 =	sand.u32 $0x4000, s31;
	s1 =	sadd.s32 s1, s30  }
0xc2: {  	s0 =	sor.u32 s3, s0;
	s1 =	sshll.u32 s1, $0x11  }
0xc3: {  	s0 =	sor.u32 s1, s0  }
0xc4: {  	s0 =	sadd.s32 $0x8F2B, s0  }
0xc5: {  	[sflag:s0] =	ssyncadd.remote.s32 $0x1  }
0xc6: {  	_ =	sfence.sel $0xFFFF  }
0xc7: {  	[dreg:$0x0] =	wrdreg $0xFFFFFFFF;
	(pc) =	sbr.abs _section_cstart, $3  }
0xc8: {  	[dreg:$0x1] =	wrdreg $0xFFFFFFFF  }
0xc9: {  	_ =	task.clear_ibuf [dreg:s7], $0x2FFFF;
	_ =	strace $0x9FFFFFFF  }
0xca: {  	(tm) =	ssettm $0x7FFFFFFF  }
0xcb: {  	_ =	shalt  }
tec
execute0_lowered:
.L_overlay_start_1:
0x0: {  	(tag) =	ssettag $0x1  }
0x1: {  	s0 =	rddreg [dreg:$0x0]  }
0x2: {  	s1 =	rddreg [dreg:$0x1]  }
0x3: {  	s2 =	rddreg [dreg:$0x2]  }
0x4: {  	s3 =	rddreg [dreg:$0x3];
	s5 =	simm.s32 $0x0  }
0x5: {  	s13 =	stileid.u32;
	s4 =	srdreg.scid;
	s19 =	simm.s32 $0xDB200  }
0x6: {  	s21 =	simm.s32 $0x2;
	s22 =	simm.s32 $0xB680;
	s29 =	simm.s32 $0x1  }
0x7: {  	s31 =	simm.s32 $0x4F00;
	s20 =	simm.s32 $0x7680;
	s23 =	simm.s32 $0x0  }
0x8: {  	[smem:$0x7FF] =	sst s5;
	s6 =	sadd.s32 $0xC8600, s0;
	s16 =	smul.u32 $0x1880, s13  }
0x9: {  	s4 =	sand.u32 $0x1, s4;
	s7 =	sadd.s32 $0x66A00, s0;
	s8 =	sadd.s32 $0x4E00, s0  }
0xa: {  	_ =	strace $0x8000004D;
	s9 =	ssub.s32 $0x2, s4;
	s12 =	sshll.u32 s4, $0x4  }
0xb: {  	p0 =	seq.s32 s4, $0x0;
	s10 =	sshrl.u32 s16, $0x3;
	s11 =	sshrl.u32 s9, $0x1  }
0xc: {  	s17 =	sor.u32 s13, s12;
	s14 =	sadd.s32 s16, s2;
	s16 =	sadd.s32 s16, s3  }
0xd: {  	s19 =	simm.s32 @!p0 $0xDE400;
	p0 =	sne.s32 s4, $0x0;
	s4 =	simm.s32 $0x2710  }
0xe: {  	s0 =	sadd.s32 s10, s0;
	s18 =	ssub.s32 s9, s11;
	s17 =	smul.u32 $0x186A0, s17  }
0xf: {  	s9 =	sadd.s32 $0xD4E00, s0;
	s10 =	sadd.s32 $0xD8000, s0;
	s11 =	sadd.s32 $0xCB800, s0  }
0x10: {  	s12 =	sadd.s32 $0xCEA00, s0;
	s13 =	sadd.s32 $0xD1C00, s0;
	s15 =	sadd.s32 $0xE1600, s0  }
0x11: {  	v0 =	vimm.f32 $0.0e+00;
	s18 =	smax.u32 s18, $0x1;
	s19 =	sadd.s32 s19, s0;
	s0 =	simm.s32 $0x2780  }
.LBB2_1:
0x12: {  	s24 =	simm.s32 $0x14980  }
0x13: {  	[tilespmem:s24], [sflag:$0x2] =	stream.linear.gather [hbm4b:s6+s5], $0x80, $0x38;
	[tilespmem:$0x17B00] =	vst v63  }
0x14: {  	_ =	swait.ge [sflag:s21], $0x80  }
0x15: {  	[sflag:s21] =	ssyncset.done $0x0  }
0x16: {  	[sflag:s21] =	ssyncadd.s32 $0xFFFFFF80  }
0x17: {  	[tilespmem:s22], [sflag:$0x1] =	stream.linear.gather [hbm4b:s9+s5], $0x1880, $0x38;
	[tilespmem:$0x17B00] =	vst v63  }
0x18: {  	s30 =	simm.s32 $0xCF00  }
0x19: {  	[tilespmem:s30], [sflag:$0x1] =	stream.linear.gather [hbm4b:s10+s5], $0x1880, $0x38;
	[tilespmem:$0x17B00] =	vst v63  }
0x1a: {  	s25 =	simm.s32 $0xE780  }
0x1b: {  	[tilespmem:s25], [sflag:$0x1] =	stream.linear.gather [hbm4b:s11+s5], $0x1880, $0x38;
	[tilespmem:$0x17B00] =	vst v63  }
0x1c: {  	s26 =	simm.s32 $0x10000  }
0x1d: {  	[tilespmem:s26], [sflag:$0x1] =	stream.linear.gather [hbm4b:s12+s5], $0x1880, $0x38;
	[tilespmem:$0x17B00] =	vst v63  }
0x1e: {  	s28 =	simm.s32 $0x11880  }
0x1f: {  	[tilespmem:s28], [sflag:$0x1] =	stream.linear.gather [hbm4b:s13+s5], $0x1880, $0x38;
	[tilespmem:$0x17B00] =	vst v63  }
0x20: {  	s30 =	simm.s32 $0x13100  }
0x21: {  	[tilespmem:s30], [sflag:$0x1] =	stream.linear.gather [hbm4b:s11+s5], $0x1880, $0x38;
	[tilespmem:$0x17B00] =	vst v63  }
0x22: {  	v1 =	vld [tilespmem:$0x14980];
	_ =	swait.ge [sflag:s29], $0x1880  }
0x23: {  	[sflag:s29] =	ssyncset.done $0x0  }
0x24: {  	[sflag:s29] =	ssyncadd.s32 $0xFFFFE780  }
0x25: {  	_ =	swait.ge [sflag:s29], $0x1880  }
0x26: {  	[sflag:s29] =	ssyncset.done $0x0  }
0x27: {  	[sflag:s29] =	ssyncadd.s32 $0xFFFFE780  }
0x28: {  	_ =	swait.ge [sflag:s29], $0x1880  }
0x29: {  	[sflag:s29] =	ssyncset.done $0x0  }
0x2a: {  	[sflag:s29] =	ssyncadd.s32 $0xFFFFE780  }
0x2b: {  	_ =	swait.ge [sflag:s29], $0x1880  }
0x2c: {  	[sflag:s29] =	ssyncset.done $0x0  }
0x2d: {  	[sflag:s29] =	ssyncadd.s32 $0xFFFFE780  }
0x2e: {  	_ =	swait.ge [sflag:s29], $0x1880  }
0x2f: {  	[sflag:s29] =	ssyncset.done $0x0  }
0x30: {  	[sflag:s29] =	ssyncadd.s32 $0xFFFFE780  }
0x31: {  	_ =	swait.ge [sflag:s29], $0x1880  }
0x32: {  	[sflag:s29] =	ssyncset.done $0x0  }
0x33: {  	s24 =	simm.s32 $0x0;
	[sflag:s29] =	ssyncadd.s32 $0xFFFFE780  }
0x34: {  	v2 =	vld [tilespmem:s24+$0x10000]  }
0x35: {  	s25 =	simm.s32 $0x40;
	v3 =	vsub.f32 $1.000000000e+00, v1;
	v4 =	vld [tilespmem:s24+$0xCF00]  }
.LBB2_2:
0x36: {  	p1 =	sne.s32 s25, $0x61C0;
	v5 =	vld [tilespmem:s24+$0xB680]  }
0x37: {  	v6 =	vld [tilespmem:s24+$0x11880]  }
0x38: {  	v7 =	vld [tilespmem:s24+$0xE780];
	_ =	sdelay $0x2  }
0x39: {  	v4 =	vadd.f32 v4, v5  }
0x3a: {  	v5 =	vld [tilespmem:s24+$0x13100]  }
0x3b: {  	v4 =	vmul.f32 v4, v2;
	v6 =	vmul.f32 v6, v7;
	_ =	sdelay $0x1  }
0x3c: {  	v4 =	vadd.f32 v6, v4;
	_ =	sdelay $0x1  }
0x3d: {  	v4 =	vmul.f32 v4, v3;
	v5 =	vmul.f32 v5, v1;
	_ =	sdelay $0x1  }
.Ltmp0:
0x3e: {  	v4 =	vadd.f32 v4, v5;
	(pc) =	sbr.rel @p1 .LBB2_2-.Ltmp0, $4  }
0x3f: {  	_ = 	snop  }
0x40: {  	s26 =	sshra.s32 s25, $0x2;
	[tilespmem:s24+$0xE780] =	vst v4;
	v5 =	vmul.f32 v4, v2  }
0x41: {  	v2 =	vld [tilespmem:s26+$0x10000]  }
0x42: {  	s25 =	sadd.s32 $0x40, s25;
	v4 =	vld [tilespmem:s26+$0xCF00];
	[tilespmem:s24+$0xB680] =	vst v5;
	s24 =	smov.u32 s26  }
0x43: {  	v5 =	vld [tilespmem:s24+$0xB680]  }
0x44: {  	v6 =	vld [tilespmem:s24+$0x11880]  }
0x45: {  	v7 =	vld [tilespmem:s24+$0xE780];
	_ =	sdelay $0x2  }
0x46: {  	v4 =	vadd.f32 v4, v5  }
0x47: {  	v63 =	vld [tilespmem:s24+$0x13100]  }
0x48: {  	v6 =	vmul.f32 v6, v7;
	v4 =	vmul.f32 v4, v2;
	_ =	sdelay $0x1  }
0x49: {  	v4 =	vadd.f32 v6, v4;
	_ =	sdelay $0x1  }
0x4a: {  	v1 =	vmul.f32 v63, v1;
	v3 =	vmul.f32 v4, v3;
	_ =	sdelay $0x1  }
0x4b: {  	v1 =	vadd.f32 v3, v1;
	_ =	sdelay $0x1  }
0x4c: {  	v2 =	vmul.f32 v1, v2  }
0x4d: {  	[tilespmem:s24+$0xE780] =	vst v1  }
0x4e: {  	[tilespmem:s24+$0xB680] =	vst v2  }
0x4f: {  	[spmem:s14] =	stream.linear.scatter [tilespmem:s22], [sflag:$0x2], $0x1880, $0x38;
	[tilespmem:$0x17B00] =	vst v63  }
0x50: {  	_ =	swait.ge [sflag:s21], $0x1880  }
0x51: {  	[sflag:s21] =	ssyncset.done $0x0  }
0x52: {  	s25 =	simm.s32 @!p0 $0xE780;
	s24 =	simm.s32 @!p0 $0x0;
	[sflag:s21] =	ssyncadd.s32 $0xFFFFE780  }
0x53: {  	[hbm4b:s15+s24] =	stream.linear.scatter @!p0 [tilespmem:s25], [sflag:$0x2], $0x1880, $0x38;
	[tilespmem:$0x17B00] =	vst v63  }
0x54: {  	s24 =	simm.s32 @!p0 $0x2  }
0x55: {  	_ =	swait.ge @!p0 [sflag:s24], $0x1880  }
0x56: {  	[sflag:s24] =	ssyncset.done @!p0 $0x0  }
0x57: {  	s25 =	simm.s32 $0x0;
	[sflag:s24] =	ssyncadd.s32 @!p0 $0xFFFFE780;
	s24 =	simm.s32 $0x40  }
.LBB2_4:
0x58: {  	p1 =	sne.s32 s24, $0x61C0;
	[tilespmem:s25+$0x9E00] =	vst v0;
	s25 =	smov.u32 s24;
	s24 =	sadd.s32 $0x40, s24  }
.Ltmp1:
0x59: {  	(pc) =	sbr.rel @p1 .LBB2_4-.Ltmp1, $2  }
0x5a: {  	_ =	sdelay $0x2  }
0x5b: {  	s25 =	sshra.s32 s25, $0x2  }
0x5c: {  	[tilespmem:s25+$0x9E00] =	vst v0;
	s24 =	simm.s32 $0x9E00  }
0x5d: {  	[spmem:s16] =	stream.linear.scatter [tilespmem:s24], [sflag:$0x2], $0x1880, $0x38;
	[tilespmem:$0x17B00] =	vst v63  }
0x5e: {  	_ =	swait.ge [sflag:s21], $0x1880  }
0x5f: {  	[sflag:s21] =	ssyncset.done $0x0  }
0x60: {  	[sflag:s21] =	ssyncadd.s32 $0xFFFFE780  }
0x61: {  	s25 =	simm.s32 $0x0;
	s24 =	simm.s32 $0x0;
	[bflag:$0x0] =	sbarrier.arrive $0xFFFF  }
.LBB2_6:
0x62: {  	s26 =	smul.u32 $0x2710, s25;
	_ =	sdelay $0x1  }
0x63: {  	s26 =	sadd.s32 s17, s26  }
0x64: {  	s26 =	sshrl.u32 s26, $0x3  }
0x65: {  	s28 =	sadd.s32 s7, s26  }
0x66: {  	[tilespmem:s24], [sflag:$0x1] =	stream.linear.gather [hbm4b:s28+s24], $0x2710, $0x38;
	[tilespmem:$0x17B00] =	vst v63  }
0x67: {  	s28 =	sadd.s32 s1, s26  }
0x68: {  	[tilespmem:s31], [sflag:$0x1] =	stream.linear.gather [hbm4b:s28+s24], $0x2710, $0x38;
	[tilespmem:$0x17B00] =	vst v63  }
0x69: {  	s26 =	sadd.s32 s8, s26  }
0x6a: {  	[tilespmem:s0], [sflag:$0x1] =	stream.linear.gather [hbm4b:s26+s24], $0x2710, $0x38;
	[tilespmem:$0x17B00] =	vst v63  }
0x6b: {  	_ =	swait.ge [sflag:s29], $0x2710  }
0x6c: {  	[sflag:s29] =	ssyncset.done $0x0  }
0x6d: {  	[sflag:s29] =	ssyncadd.s32 $0xFFFFD8F0  }
0x6e: {  	[tilespmem:s20], [sflag:$0x2] =	stream.indirect.gather [spmem:s2], $0x1, s24, s4, $0xb8;
	[tilespmem:$0x17B00] =	vst v63  }
0x6f: {  	_ =	swait.ge [sflag:s21], $0x2710  }
0x70: {  	[sflag:s21] =	ssyncset.done $0x0  }
0x71: {  	[sflag:s21] =	ssyncadd.s32 $0xFFFFD8F0  }
0x72: {  	_ =	swait.ge [sflag:s29], $0x2710  }
0x73: {  	[sflag:s29] =	ssyncset.done $0x0  }
0x74: {  	s26 =	simm.s32 $0x0;
	[sflag:s29] =	ssyncadd.s32 $0xFFFFD8F0  }
0x75: {  	s28 =	simm.s32 $0x40;
	v1 =	vld [tilespmem:s26+$0x4F00]  }
.LBB2_7:
0x76: {  	p1 =	sne.s32 s28, $0x9C00;
	v2 =	vld [tilespmem:s26+$0x7680];
	_ =	sdelay $0x2  }
.Ltmp2:
0x77: {  	(pc) =	sbr.rel @p1 .LBB2_7-.Ltmp2, $4  }
0x78: {  	_ = 	snop  }
0x79: {  	v2 =	vmul.f32 v1, v2  }
0x7a: {  	s30 =	sshra.s32 s28, $0x2  }
0x7b: {  	s28 =	sadd.s32 $0x40, s28;
	v1 =	vld [tilespmem:s30+$0x4F00];
	[tilespmem:s26+$0x7680] =	vst v2;
	s26 =	smov.u32 s30  }
0x7c: {  	v2 =	vld [tilespmem:s26+$0x7680];
	_ =	sdelay $0x4  }
0x7d: {  	v1 =	vmul.f32 v1, v2;
	_ =	sdelay $0x1  }
0x7e: {  	[tilespmem:s26+$0x7680] =	vst v1  }
0x7f: {  	s25 =	sadd.s32 $0x1, s25;
	_ =	swait.ge [sflag:s29], $0x2710  }
0x80: {  	p1 =	sne.s32 s25, $0xA;
	[sflag:s29] =	ssyncset.done $0x0  }
.Ltmp3:
0x81: {  	[sflag:s29] =	ssyncadd.s32 $0xFFFFD8F0;
	(pc) =	sbr.rel @p1 .LBB2_6-.Ltmp3, $4  }
0x82: {  	[spmem:s3] =	stream.indirect.scatter.add.f32 [tilespmem:s20], [sflag:$0x2], $0x1, s0, s4, $0xb8;
	[tilespmem:$0x17B00] =	vst v63  }
0x83: {  	_ =	swait.ge [sflag:s21], $0x2710  }
0x84: {  	[sflag:s21] =	ssyncset.done $0x0  }
0x85: {  	[sflag:s21] =	ssyncadd.s32 $0xFFFFD8F0  }
0x86: {  	s24 =	stileid.u32;
	s23 =	sadd.s32 $0x1, s23  }
0x87: {  	[bflag:$0x0] =	sbarrier.arrive $0xFFFF;
	s24 =	sshll.u32 s24, $0x6;
	p1 =	sne.s32 s23, s18  }
.Ltmp4:
0x88: {  	s25 =	sshrl.u32 s16, $0x3;
	s24 =	sor.u32 $0x1C02, s24;
	(pc) =	sbr.rel @p1 .LBB2_1-.Ltmp4, $4  }
0x89: {  	[hbm:s19], [sflag:s24] =	dma.local [spmem:s25], $0x310  }
0x8a: {  	_ =	swait.ge [sflag:s21], $0x310  }
0x8b: {  	[sflag:s21] =	ssyncset.done $0x0  }
0x8c: {  	[sflag:s21] =	ssyncadd.s32 $0xFFFFFCF0  }
0x8d: {  	_ =	sfence.sel $0x180000  }
0x8e: {  	[bflag:$0x0] =	sbarrier.arrive $0xFFFF  }
0x8f: {  	_ =	strace $0x9000004D  }
0x90: {  	s0 =	stileid.u32;
	[bflag:$0x2] =	sbarrier.arrive $0xFFFF  }
0x91: {  	p0 =	sne.s32 s0, $0x0;
	s0 =	rddreg [dreg:$0x4]  }
0x92: {  	s0 =	sadd.s32 @!p0 $0x100000, s0  }
0x93: {  	[sflag:s0] =	ssyncadd.tile.s32 @!p0 $0x1;
	_ =	shalt  }
.Lfunc_end2:
_tile_overlayer_lowered:
.L_overlay_start_2:
0x94: {  	(tag) =	ssettag $0x2  }
0x95: {  	s0 =	rddreg [dreg:$0x0];
	s2 =	stileid.u32  }
0x96: {  	s1 =	rddreg [dreg:$0x1];
	p0 =	sne.s32 s2, $0x0  }
0x97: {  	s3 =	rddreg [dreg:$0x2];
	[bflag:$0x3] =	sbarrier.arrive $0xFFFF;
	s2 =	simm.s32 @!p0 $0x1C02  }
0x98: {  	[timem:s3], [sflag:s2] =	dma.local @!p0 [hbm:s0], s1  }
0x99: {  	s0 =	simm.s32 @!p0 $0x2  }
0x9a: {  	_ =	swait.ge @!p0 [sflag:s0], s1  }
0x9b: {  	s1 =	ssub.s32 @!p0 $0x0, s1;
	[sflag:s0] =	ssyncset.done @!p0 $0x0  }
0x9c: {  	[sflag:s0] =	ssyncadd.s32 @!p0 s1  }
0x9d: {  	[bflag:$0x3] =	sbarrier.arrive $0xFFFF  }
0x9e: {  	_ =	shalt  }

// kernel: kernel.21.cloned.1.call-start
scs
__scs_entry_jumppad:
0x0: {  	(pc) =	sbr.rel $0x88, $3  }
0x1: {  	(tag) =	ssettag $0x0;
	lr =	simm.s32 $0x1  }
0x2: {  	[smem:$0x3F9A] =	sst lr;
	_ =	strace $0xD0000000  }
0x3: {  	_ = 	snop  }
0x4: {  	_ = 	snop  }
0x5: {  	_ = 	snop  }
0x6: {  	_ = 	snop  }
0x7: {  	_ = 	snop  }
__scs_overlays_trampoline_lowered:
0x8: {  	[smem:$0x3FA9] =	sst s0  }
0x9: {  	[smem:$0x3FAA] =	sst s1  }
0xa: {  	[smem:$0x3FAB] =	sst s2  }
0xb: {  	[smem:$0x3FAC] =	sst s3  }
0xc: {  	[smem:$0x3FAD] =	sst s4  }
0xd: {  	[smem:$0x3FAE] =	sst s5  }
0xe: {  	[smem:$0x3FAF] =	sst s6  }
0xf: {  	[smem:$0x3FB0] =	sst s7  }
0x10: {  	[smem:$0x3FB1] =	sst s8  }
0x11: {  	[smem:$0x3FB2] =	sst s9;
	s0 =	simm.s32 @!p0 $0x0  }
0x12: {  	s1 =	sld [smem:$0x3F98];
	s0 =	simm.s32 @p0 $0x1  }
0x13: {  	[smem:$0x3FB3] =	sst s0;
	s0 =	simm.s32 @!p1 $0x0  }
0x14: {  	s2 =	sld [smem:$0x3F97];
	s0 =	simm.s32 @p1 $0x1  }
0x15: {  	[smem:$0x3FB4] =	sst s0;
	s0 =	simm.s32 @!p2 $0x0  }
0x16: {  	s3 =	sld [smem:$0x3FDB];
	s0 =	simm.s32 @p2 $0x1  }
0x17: {  	s4 =	simm.s32 $0x1BF5;
	[smem:$0x3FB6] =	sst s0  }
0x18: {  	s0 =	sld [smem:$0x3F99];
	_ =	swait.ge [sflag:s4], $0x0  }
0x19: {  	s7 =	sld [smem:$0x3F9A]  }
0x1a: {  	s8 =	sadd.s32 $0xFFFFE003, lr  }
0x1b: {  	s9 =	sadd.s32 $0xFFFFFEF7, lr;
	s5 =	simm.s32 $0xFFFFFFFF;
	p2 =	slt.u32 s8, $0xFFFFF086  }
0x1c: {  	p1 =	slt.u32 s9, $0xF7A;
	s5 =	simm.s32 @!p2 $0x0  }
0x1d: {  	s5 =	simm.s32 @p1 $0x1;
	p0 =	seq.s32 s7, s2  }
0x1e: {  	s7 =	smul.u32 @!p0 $0xF7A, s2;
	p2 =	seq.s32 @!p0 s5, $0x0  }
0x1f: {  	s9 =	smul.u32 $0xF7A, s1;
	s8 =	simm.s32 @!p0 $0x1BF5;
	p2 =	por !p2, p0  }
0x20: {  	[sflag:s8] =	ssyncset.s32 @!p0 $0xFFFFF086;
	s6 =	sadd.s32 @!p0 s3, s7;
	s7 =	simm.s32 @!p0 $0x108  }
0x21: {  	s3 =	sadd.s32 s3, s9;
	s6 =	sadd.s32 @!p0 $0x88, s6;
	s7 =	simm.s32 @p2 $0x1082  }
0x22: {  	[simem:s7], [sflag:s8] =	dma.local @!p0 [hbm:s6], $0xF7A  }
0x23: {  	s9 =	sor.u32 $0xD0000000, s2;
	s6 =	simm.s32 $0x108;
	_ =	swait.ge @!p0 [sflag:s8], $0x0  }
0x24: {  	s3 =	sadd.s32 $0x88, s3;
	s6 =	simm.s32 @!p1 $0x1082;
	[sflag:s4] =	ssyncset.s32 $0xFFFFF086  }
0x25: {  	[simem:s6], [sflag:s4] =	dma.local [hbm:s3], $0xF7A  }
0x26: {  	[smem:$0x3F9A] =	sst s1;
	(tag) =	ssettag s2;
	_ =	strace s9  }
0x27: {  	s1 =	sld [smem:$0x3FAA]  }
0x28: {  	s2 =	sld [smem:$0x3FAB]  }
0x29: {  	s4 =	sld [smem:$0x3FAD]  }
0x2a: {  	p0 =	seq.s32 s5, $0x0;
	s5 =	sld [smem:$0x3FAE]  }
0x2b: {  	s6 =	sld [smem:$0x3FAF]  }
0x2c: {  	s7 =	sld [smem:$0x3FB0]  }
0x2d: {  	s3 =	simm.s32 $0x108;
	s8 =	sld [smem:$0x3FB1]  }
0x2e: {  	s3 =	simm.s32 @!p0 $0x1082;
	s9 =	sld [smem:$0x3FB2]  }
0x2f: {  	lr =	sadd.s32 s0, s3;
	s0 =	sld [smem:$0x3FA9]  }
0x30: {  	s3 =	sld [smem:$0x3FAC]  }
0x31: {  	[smem:$0x3FB5] =	sst s10  }
0x32: {  	s10 =	sld [smem:$0x3FB3];
	_ =	sdelay $0x3  }
0x33: {  	p0 =	seq.s32 s10, $0x1;
	s10 =	sld [smem:$0x3FB5];
	_ =	sdelay $0x3  }
0x34: {  	[smem:$0x3FB5] =	sst s10  }
0x35: {  	s10 =	sld [smem:$0x3FB4];
	_ =	sdelay $0x3  }
0x36: {  	p1 =	seq.s32 s10, $0x1;
	s10 =	sld [smem:$0x3FB5];
	_ =	sdelay $0x3  }
0x37: {  	[smem:$0x3FB5] =	sst s10  }
0x38: {  	s10 =	sld [smem:$0x3FB6]  }
0x39: {  	_ = 	snop;
	(pc) =	sbr.ind lr, $3  }
0x3a: {  	_ = 	snop  }
0x3b: {  	_ = 	snop  }
0x3c: {  	p2 =	seq.s32 s10, $0x1;
	s10 =	sld [smem:$0x3FB5]  }
0x3d: {  	_ =	shalt  }
0x3e: {  	_ =	shalt  }
0x3f: {  	_ =	shalt  }
0x40: {  	_ =	shalt  }
0x41: {  	_ =	shalt  }
0x42: {  	_ =	shalt  }
0x43: {  	_ =	shalt  }
0x44: {  	_ =	shalt  }
0x45: {  	_ =	shalt  }
0x46: {  	_ =	shalt  }
0x47: {  	_ =	shalt  }
0x48: {  	_ =	shalt  }
0x49: {  	_ =	shalt  }
0x4a: {  	_ =	shalt  }
0x4b: {  	_ =	shalt  }
0x4c: {  	_ =	shalt  }
0x4d: {  	_ =	shalt  }
0x4e: {  	_ =	shalt  }
0x4f: {  	_ =	shalt  }
0x50: {  	_ =	shalt  }
0x51: {  	_ =	shalt  }
0x52: {  	_ =	shalt  }
0x53: {  	_ =	shalt  }
0x54: {  	_ =	shalt  }
0x55: {  	_ =	shalt  }
0x56: {  	_ =	shalt  }
0x57: {  	_ =	shalt  }
0x58: {  	_ =	shalt  }
0x59: {  	_ =	shalt  }
0x5a: {  	_ =	shalt  }
0x5b: {  	_ =	shalt  }
0x5c: {  	_ =	shalt  }
0x5d: {  	_ =	shalt  }
0x5e: {  	_ =	shalt  }
0x5f: {  	_ =	shalt  }
0x60: {  	_ =	shalt  }
0x61: {  	_ =	shalt  }
0x62: {  	_ =	shalt  }
0x63: {  	_ =	shalt  }
0x64: {  	_ =	shalt  }
0x65: {  	_ =	shalt  }
0x66: {  	_ =	shalt  }
0x67: {  	_ =	shalt  }
0x68: {  	_ =	shalt  }
0x69: {  	_ =	shalt  }
0x6a: {  	_ =	shalt  }
0x6b: {  	_ =	shalt  }
0x6c: {  	_ =	shalt  }
0x6d: {  	_ =	shalt  }
0x6e: {  	_ =	shalt  }
0x6f: {  	_ =	shalt  }
0x70: {  	_ =	shalt  }
0x71: {  	_ =	shalt  }
0x72: {  	_ =	shalt  }
0x73: {  	_ =	shalt  }
0x74: {  	_ =	shalt  }
0x75: {  	_ =	shalt  }
0x76: {  	_ =	shalt  }
0x77: {  	_ =	shalt  }
0x78: {  	_ =	shalt  }
0x79: {  	_ =	shalt  }
0x7a: {  	_ =	shalt  }
0x7b: {  	_ =	shalt  }
0x7c: {  	_ =	shalt  }
0x7d: {  	_ =	shalt  }
0x7e: {  	_ =	shalt  }
0x7f: {  	_ =	shalt  }
0x80: {  	_ =	shalt  }
0x81: {  	_ =	shalt  }
0x82: {  	_ =	shalt  }
0x83: {  	_ =	shalt  }
0x84: {  	_ =	shalt  }
0x85: {  	_ =	shalt  }
0x86: {  	_ =	shalt  }
0x87: {  	_ =	shalt  }
.Lfunc_end0:
.L_simem_size_0:
called_computation.3_lowered:
.L_overlay_start_0:
0x88: {  	s2 =	sld [smem:$0x3FD9]  }
0x89: {  	s3 =	sld [smem:$0x3FFE];
	_ =	sdelay $0x1  }
0x8a: {  	s1 =	srdreg.scid  }
0x8b: {  	s0 =	sand.u32 $0x1, s1  }
0x8c: {  	s14 =	sshll.u32 s0, $0xA;
	s2 =	sadd.s32 s3, s2  }
0x8d: {  	s2 =	sadd.s32 s2, s14  }
0x8e: {  	[smem:$0x3FC1] =	sst s2  }
0x8f: {  	_ = 	snop  }
0x90: {  	s2 =	sld [smem:$0x3FD0];
	_ =	sdelay $0x2  }
0x91: {  	s15 =	simm.s32 $0xA;
	s4 =	simm.s32 $0x10  }
0x92: {  	[smem:s4], [sflag:s15] =	dma.local [hbm:s2], $0x1  }
0x93: {  	_ =	swait.eq [sflag:s15], $0x1  }
0x94: {  	[sflag:s15] =	ssyncset.done $0x0  }
0x95: {  	[sflag:s15] =	ssyncadd.s32 $0xFFFFFFFF  }
0x96: {  	s16 =	sld [smem:$0x11];
	(tm) =	ssettm $0x1  }
0x97: {  	s17 =	sld [smem:$0x3FFB];
	_ =	sdelay $0x3  }
0x98: {  	_ =	strace s17  }
0x99: {  	s3 =	sld [smem:$0x3FFC];
	_ =	sdelay $0x3  }
0x9a: {  	_ =	strace s3  }
0x9b: {  	s3 =	sld [smem:$0x3FFD];
	_ =	sdelay $0x3  }
0x9c: {  	_ =	strace s3  }
0x9d: {  	_ =	strace $0x8FFFFFFF  }
0x9e: {  	s18 =	sld [smem:$0x3FDB];
	_ =	sdelay $0x1  }
0x9f: {  	s19 =	simm.s32 $_scs_section_size  }
0xa0: {  	s5 =	simm.s32 $_size__tile_overlayer_lowered;
	s6 =	simm.s32 $_tile_overlayer_lowered  }
0xa1: {  	s22 =	simm.s32 $0x1BFF;
	s21 =	sshll.u32 s6, $0x1;
	s3 =	sadd.s32 s19, s18  }
0xa2: {  	s7 =	simm.s32 $0x0;
	s20 =	sshll.u32 s5, $0x1;
	s5 =	sadd.s32 s21, s3  }
0xa3: {  	[timem:s7], [sflag:s22] =	dma.local [hbm:s5], s20  }
0xa4: {  	_ =	swait.ge [sflag:s22], s20  }
0xa5: {  	s4 =	ssub.s32 $0x0, s20;
	[sflag:s22] =	ssyncset.done $0x0  }
0xa6: {  	[sflag:s22] =	ssyncadd.s32 s4;
	_ =	sdelay $0x1  }
0xa7: {  	s23 =	simm.s32 $0x1B8B  }
0xa8: {  	_ =	swait.ge [sflag:s23], $0x1  }
0xa9: {  	[sflag:s23] =	ssyncset.done $0x0  }
0xaa: {  	s25 =	simm.s32 $0x1B8E;
	s24 =	sld [smem:$0x3FFE];
	[sflag:s23] =	ssyncadd.s32 $0xFFFFFFFF  }
0xab: {  	s26 =	simm.s32 $execute0_lowered;
	[smem:$0x3FD2] =	sst s25  }
0xac: {  	s5 =	sshll.u32 s26, $0x1;
	_ =	strace $0x8000004F;
	[dreg:$0x1] =	wrdreg $0xFFFFFFFF  }
0xad: {  	s28 =	simm.s32 $_size_execute0_lowered;
	s3 =	sadd.s32 s3, s5;
	[dreg:$0x0] =	wrdreg $0x0  }
0xae: {  	s5 =	sshll.u32 s28, $0x1;
	[dreg:$0x2] =	wrdreg s3  }
0xaf: {  	[dreg:$0x3] =	wrdreg s5  }
0xb0: {  	[dreg:$0x4] =	wrdreg $0xC0  }
0xb1: {  	_ =	task [dreg:s7], $0x5FFFF  }
0xb2: {  	[dreg:$0x1] =	wrdreg $0xFFFFFFFF  }
0xb3: {  	[dreg:$0x0] =	wrdreg $0x60  }
0xb4: {  	[dreg:$0x2] =	wrdreg s24  }
0xb5: {  	[dreg:$0x3] =	wrdreg s16  }
0xb6: {  	[dreg:$0x4] =	wrdreg $0x14A000  }
0xb7: {  	[dreg:$0x5] =	wrdreg $0x162800  }
0xb8: {  	[dreg:$0x6] =	wrdreg $0x9  }
0xb9: {  	_ =	task.clear_ibuf [dreg:s7], $0x7FFFF;
	_ =	strace $0x9000004F  }
0xba: {  	s29 =	simm.s32 $0x9;
	_ =	strace $0x80000051  }
0xbb: {  	_ =	swait.ge [sflag:s29], $0x1  }
0xbc: {  	[sflag:s29] =	ssyncadd.s32 $0xFFFFFFFF  }
0xbd: {  	_ =	strace $0x90000051  }
0xbe: {  	_ =	sfence  }
0xbf: {  	s30 =	sld [smem:$0x0];
	_ =	sdelay $0x2  }
0xc0: {  	s31 =	sshll.u32 s1, $0xD;
	s1 =	sshrl.u32 s1, $0x2  }
0xc1: {  	s3 =	sand.u32 $0x4000, s31;
	s1 =	sadd.s32 s1, s30  }
0xc2: {  	s0 =	sor.u32 s3, s0;
	s1 =	sshll.u32 s1, $0x11  }
0xc3: {  	s0 =	sor.u32 s1, s0  }
0xc4: {  	s0 =	sadd.s32 $0x8F2B, s0  }
0xc5: {  	[sflag:s0] =	ssyncadd.remote.s32 $0x1  }
0xc6: {  	_ =	sfence.sel $0xFFFF  }
0xc7: {  	[dreg:$0x0] =	wrdreg $0xFFFFFFFF;
	(pc) =	sbr.abs _section_cstart, $3  }
0xc8: {  	[dreg:$0x1] =	wrdreg $0xFFFFFFFF  }
0xc9: {  	_ =	task.clear_ibuf [dreg:s7], $0x2FFFF;
	_ =	strace $0x9FFFFFFF  }
0xca: {  	(tm) =	ssettm $0x7FFFFFFF  }
0xcb: {  	_ =	shalt  }
tec
execute0_lowered:
.L_overlay_start_1:
0x0: {  	(tag) =	ssettag $0x1  }
0x1: {  	s0 =	rddreg [dreg:$0x0]  }
0x2: {  	s1 =	rddreg [dreg:$0x1]  }
0x3: {  	s2 =	rddreg [dreg:$0x2]  }
0x4: {  	s4 =	rddreg [dreg:$0x3]  }
0x5: {  	s5 =	simm.s32 $0x0;
	s6 =	stileid.u32;
	s8 =	srdreg.scid  }
0x6: {  	s20 =	simm.s32 $0xD4E00;
	s22 =	simm.s32 $0x2;
	s23 =	simm.s32 $0xB680  }
0x7: {  	s30 =	simm.s32 $0x1;
	s24 =	simm.s32 $0x7680;
	s25 =	simm.s32 $0x0  }
0x8: {  	[smem:$0x7FF] =	sst s5;
	s3 =	smul.u32 $0x1880, s6;
	s7 =	sadd.s32 $0xC8600, s0  }
0x9: {  	s21 =	sand.u32 $0x1, s8;
	s8 =	sadd.s32 $0x4E00, s0;
	_ =	strace $0x80000050  }
0xa: {  	[dreg:$0x5] =	wrdreg s7;
	s7 =	sadd.s32 $0x66A00, s0;
	s10 =	ssub.s32 $0x2, s21  }
0xb: {  	s11 =	sshll.u32 s21, $0x4;
	p0 =	seq.s32 s21, $0x0;
	s9 =	sshrl.u32 s3, $0x3  }
0xc: {  	s31 =	sshrl.u32 s10, $0x1;
	s18 =	sor.u32 s6, s11;
	s15 =	sadd.s32 s3, s2  }
0xd: {  	s17 =	sadd.s32 s3, s4;
	s20 =	simm.s32 @!p0 $0xD8000;
	p0 =	sne.s32 s21, $0x0  }
0xe: {  	s3 =	simm.s32 $0x2780;
	s21 =	simm.s32 $0x2710;
	s0 =	sadd.s32 s9, s0  }
0xf: {  	s19 =	ssub.s32 s10, s31;
	s18 =	smul.u32 $0x186A0, s18;
	s9 =	sadd.s32 $0xDB200, s0  }
0x10: {  	s10 =	sadd.s32 $0xDE400, s0;
	s11 =	sadd.s32 $0xE1600, s0;
	s12 =	sadd.s32 $0xCEA00, s0  }
0x11: {  	s13 =	sadd.s32 $0xD1C00, s0;
	s14 =	sadd.s32 $0xCB800, s0;
	s16 =	sadd.s32 $0xE4800, s0  }
0x12: {  	v0 =	vimm.f32 $0.0e+00;
	s19 =	smax.u32 s19, $0x1;
	s20 =	sadd.s32 s20, s0;
	s0 =	simm.s32 $0x4F00  }
.LBB2_1:
0x13: {  	s6 =	rddreg [dreg:$0x5];
	s26 =	simm.s32 $0x14980  }
0x14: {  	[tilespmem:s26], [sflag:$0x2] =	stream.linear.gather [hbm4b:s6+s5], $0x80, $0x38;
	[tilespmem:$0x17B00] =	vst v63  }
0x15: {  	_ =	swait.ge [sflag:s22], $0x80  }
0x16: {  	[sflag:s22] =	ssyncset.done $0x0  }
0x17: {  	[sflag:s22] =	ssyncadd.s32 $0xFFFFFF80  }
0x18: {  	[tilespmem:s23], [sflag:$0x1] =	stream.linear.gather [hbm4b:s9+s5], $0x1880, $0x38;
	[tilespmem:$0x17B00] =	vst v63  }
0x19: {  	s29 =	simm.s32 $0xCF00  }
0x1a: {  	[tilespmem:s29], [sflag:$0x1] =	stream.linear.gather [hbm4b:s10+s5], $0x1880, $0x38;
	[tilespmem:$0x17B00] =	vst v63  }
0x1b: {  	s31 =	simm.s32 $0xE780  }
0x1c: {  	[tilespmem:s31], [sflag:$0x1] =	stream.linear.gather [hbm4b:s11+s5], $0x1880, $0x38;
	[tilespmem:$0x17B00] =	vst v63  }
0x1d: {  	s26 =	simm.s32 $0x10000  }
0x1e: {  	[tilespmem:s26], [sflag:$0x1] =	stream.linear.gather [hbm4b:s12+s5], $0x1880, $0x38;
	[tilespmem:$0x17B00] =	vst v63  }
0x1f: {  	s29 =	simm.s32 $0x11880  }
0x20: {  	[tilespmem:s29], [sflag:$0x1] =	stream.linear.gather [hbm4b:s13+s5], $0x1880, $0x38;
	[tilespmem:$0x17B00] =	vst v63  }
0x21: {  	s31 =	simm.s32 $0x13100  }
0x22: {  	[tilespmem:s31], [sflag:$0x1] =	stream.linear.gather [hbm4b:s14+s5], $0x1880, $0x38;
	[tilespmem:$0x17B00] =	vst v63  }
0x23: {  	v1 =	vld [tilespmem:$0x14980];
	_ =	swait.ge [sflag:s30], $0x1880  }
0x24: {  	[sflag:s30] =	ssyncset.done $0x0  }
0x25: {  	[sflag:s30] =	ssyncadd.s32 $0xFFFFE780  }
0x26: {  	_ =	swait.ge [sflag:s30], $0x1880  }
0x27: {  	[sflag:s30] =	ssyncset.done $0x0  }
0x28: {  	[sflag:s30] =	ssyncadd.s32 $0xFFFFE780  }
0x29: {  	_ =	swait.ge [sflag:s30], $0x1880  }
0x2a: {  	[sflag:s30] =	ssyncset.done $0x0  }
0x2b: {  	[sflag:s30] =	ssyncadd.s32 $0xFFFFE780  }
0x2c: {  	_ =	swait.ge [sflag:s30], $0x1880  }
0x2d: {  	[sflag:s30] =	ssyncset.done $0x0  }
0x2e: {  	[sflag:s30] =	ssyncadd.s32 $0xFFFFE780  }
0x2f: {  	_ =	swait.ge [sflag:s30], $0x1880  }
0x30: {  	[sflag:s30] =	ssyncset.done $0x0  }
0x31: {  	[sflag:s30] =	ssyncadd.s32 $0xFFFFE780  }
0x32: {  	_ =	swait.ge [sflag:s30], $0x1880  }
0x33: {  	[sflag:s30] =	ssyncset.done $0x0  }
0x34: {  	s26 =	simm.s32 $0x0;
	[sflag:s30] =	ssyncadd.s32 $0xFFFFE780  }
0x35: {  	v2 =	vld [tilespmem:s26+$0x10000]  }
0x36: {  	s28 =	simm.s32 $0x40;
	v3 =	vsub.f32 $1.000000000e+00, v1;
	v4 =	vld [tilespmem:s26+$0xCF00]  }
.LBB2_2:
0x37: {  	p1 =	sne.s32 s28, $0x61C0;
	v5 =	vld [tilespmem:s26+$0xB680]  }
0x38: {  	v6 =	vld [tilespmem:s26+$0x11880]  }
0x39: {  	v7 =	vld [tilespmem:s26+$0xE780];
	_ =	sdelay $0x2  }
0x3a: {  	v4 =	vadd.f32 v4, v5  }
0x3b: {  	v5 =	vld [tilespmem:s26+$0x13100]  }
0x3c: {  	v4 =	vmul.f32 v4, v2;
	v6 =	vmul.f32 v6, v7;
	_ =	sdelay $0x1  }
0x3d: {  	v4 =	vadd.f32 v6, v4;
	_ =	sdelay $0x1  }
0x3e: {  	v4 =	vmul.f32 v4, v3;
	v5 =	vmul.f32 v5, v1;
	_ =	sdelay $0x1  }
.Ltmp0:
0x3f: {  	v4 =	vadd.f32 v4, v5;
	(pc) =	sbr.rel @p1 .LBB2_2-.Ltmp0, $4  }
0x40: {  	_ = 	snop  }
0x41: {  	s29 =	sshra.s32 s28, $0x2;
	[tilespmem:s26+$0xE780] =	vst v4;
	v5 =	vmul.f32 v4, v2  }
0x42: {  	v2 =	vld [tilespmem:s29+$0x10000]  }
0x43: {  	s28 =	sadd.s32 $0x40, s28;
	v4 =	vld [tilespmem:s29+$0xCF00];
	[tilespmem:s26+$0xB680] =	vst v5;
	s26 =	smov.u32 s29  }
0x44: {  	v5 =	vld [tilespmem:s26+$0xB680]  }
0x45: {  	v6 =	vld [tilespmem:s26+$0x11880]  }
0x46: {  	v7 =	vld [tilespmem:s26+$0xE780];
	_ =	sdelay $0x2  }
0x47: {  	v4 =	vadd.f32 v4, v5  }
0x48: {  	v63 =	vld [tilespmem:s26+$0x13100]  }
0x49: {  	v6 =	vmul.f32 v6, v7;
	v4 =	vmul.f32 v4, v2;
	_ =	sdelay $0x1  }
0x4a: {  	v4 =	vadd.f32 v6, v4;
	_ =	sdelay $0x1  }
0x4b: {  	v1 =	vmul.f32 v63, v1;
	v3 =	vmul.f32 v4, v3;
	_ =	sdelay $0x1  }
0x4c: {  	v1 =	vadd.f32 v3, v1;
	_ =	sdelay $0x1  }
0x4d: {  	v2 =	vmul.f32 v1, v2  }
0x4e: {  	[tilespmem:s26+$0xE780] =	vst v1  }
0x4f: {  	[tilespmem:s26+$0xB680] =	vst v2  }
0x50: {  	[spmem:s15] =	stream.linear.scatter [tilespmem:s23], [sflag:$0x2], $0x1880, $0x38;
	[tilespmem:$0x17B00] =	vst v63  }
0x51: {  	_ =	swait.ge [sflag:s22], $0x1880  }
0x52: {  	[sflag:s22] =	ssyncset.done $0x0  }
0x53: {  	s28 =	simm.s32 @!p0 $0xE780;
	s26 =	simm.s32 @!p0 $0x0;
	[sflag:s22] =	ssyncadd.s32 $0xFFFFE780  }
0x54: {  	[hbm4b:s16+s26] =	stream.linear.scatter @!p0 [tilespmem:s28], [sflag:$0x2], $0x1880, $0x38;
	[tilespmem:$0x17B00] =	vst v63  }
0x55: {  	s26 =	simm.s32 @!p0 $0x2  }
0x56: {  	_ =	swait.ge @!p0 [sflag:s26], $0x1880  }
0x57: {  	[sflag:s26] =	ssyncset.done @!p0 $0x0  }
0x58: {  	s28 =	simm.s32 $0x0;
	[sflag:s26] =	ssyncadd.s32 @!p0 $0xFFFFE780;
	s26 =	simm.s32 $0x40  }
.LBB2_4:
0x59: {  	p1 =	sne.s32 s26, $0x61C0;
	[tilespmem:s28+$0x9E00] =	vst v0;
	s28 =	smov.u32 s26;
	s26 =	sadd.s32 $0x40, s26  }
.Ltmp1:
0x5a: {  	(pc) =	sbr.rel @p1 .LBB2_4-.Ltmp1, $2  }
0x5b: {  	_ =	sdelay $0x2  }
0x5c: {  	s28 =	sshra.s32 s28, $0x2  }
0x5d: {  	[tilespmem:s28+$0x9E00] =	vst v0;
	s6 =	simm.s32 $0x9E00  }
0x5e: {  	[spmem:s17] =	stream.linear.scatter [tilespmem:s6], [sflag:$0x2], $0x1880, $0x38;
	[tilespmem:$0x17B00] =	vst v63  }
0x5f: {  	_ =	swait.ge [sflag:s22], $0x1880  }
0x60: {  	[sflag:s22] =	ssyncset.done $0x0  }
0x61: {  	[sflag:s22] =	ssyncadd.s32 $0xFFFFE780  }
0x62: {  	s26 =	simm.s32 $0x0;
	s28 =	simm.s32 $0x0;
	[bflag:$0x0] =	sbarrier.arrive $0xFFFF  }
.LBB2_6:
0x63: {  	s29 =	smul.u32 $0x2710, s28;
	_ =	sdelay $0x1  }
0x64: {  	s29 =	sadd.s32 s18, s29  }
0x65: {  	s29 =	sshrl.u32 s29, $0x3  }
0x66: {  	s31 =	sadd.s32 s7, s29  }
0x67: {  	[tilespmem:s26], [sflag:$0x1] =	stream.linear.gather [hbm4b:s31+s26], $0x2710, $0x38;
	[tilespmem:$0x17B00] =	vst v63  }
0x68: {  	s31 =	sadd.s32 s1, s29  }
0x69: {  	[tilespmem:s0], [sflag:$0x1] =	stream.linear.gather [hbm4b:s31+s26], $0x2710, $0x38;
	[tilespmem:$0x17B00] =	vst v63  }
0x6a: {  	s29 =	sadd.s32 s8, s29  }
0x6b: {  	[tilespmem:s3], [sflag:$0x1] =	stream.linear.gather [hbm4b:s29+s26], $0x2710, $0x38;
	[tilespmem:$0x17B00] =	vst v63  }
0x6c: {  	_ =	swait.ge [sflag:s30], $0x2710  }
0x6d: {  	[sflag:s30] =	ssyncset.done $0x0  }
0x6e: {  	[sflag:s30] =	ssyncadd.s32 $0xFFFFD8F0  }
0x6f: {  	[tilespmem:s24], [sflag:$0x2] =	stream.indirect.gather [spmem:s2], $0x1, s26, s21, $0xb8;
	[tilespmem:$0x17B00] =	vst v63  }
0x70: {  	_ =	swait.ge [sflag:s22], $0x2710  }
0x71: {  	[sflag:s22] =	ssyncset.done $0x0  }
0x72: {  	[sflag:s22] =	ssyncadd.s32 $0xFFFFD8F0  }
0x73: {  	_ =	swait.ge [sflag:s30], $0x2710  }
0x74: {  	[sflag:s30] =	ssyncset.done $0x0  }
0x75: {  	s29 =	simm.s32 $0x0;
	[sflag:s30] =	ssyncadd.s32 $0xFFFFD8F0  }
0x76: {  	s31 =	simm.s32 $0x40;
	v1 =	vld [tilespmem:s29+$0x4F00]  }
.LBB2_7:
0x77: {  	p1 =	sne.s32 s31, $0x9C00;
	v2 =	vld [tilespmem:s29+$0x7680];
	_ =	sdelay $0x2  }
.Ltmp2:
0x78: {  	(pc) =	sbr.rel @p1 .LBB2_7-.Ltmp2, $4  }
0x79: {  	_ = 	snop  }
0x7a: {  	v2 =	vmul.f32 v1, v2  }
0x7b: {  	s6 =	sshra.s32 s31, $0x2  }
0x7c: {  	s31 =	sadd.s32 $0x40, s31;
	v1 =	vld [tilespmem:s6+$0x4F00];
	[tilespmem:s29+$0x7680] =	vst v2;
	s29 =	smov.u32 s6  }
0x7d: {  	v2 =	vld [tilespmem:s29+$0x7680];
	_ =	sdelay $0x4  }
0x7e: {  	v1 =	vmul.f32 v1, v2;
	_ =	sdelay $0x1  }
0x7f: {  	[tilespmem:s29+$0x7680] =	vst v1  }
0x80: {  	s28 =	sadd.s32 $0x1, s28;
	_ =	swait.ge [sflag:s30], $0x2710  }
0x81: {  	p1 =	sne.s32 s28, $0xA;
	[sflag:s30] =	ssyncset.done $0x0  }
.Ltmp3:
0x82: {  	[sflag:s30] =	ssyncadd.s32 $0xFFFFD8F0;
	(pc) =	sbr.rel @p1 .LBB2_6-.Ltmp3, $4  }
0x83: {  	[spmem:s4] =	stream.indirect.scatter.add.f32 [tilespmem:s24], [sflag:$0x2], $0x1, s3, s21, $0xb8;
	[tilespmem:$0x17B00] =	vst v63  }
0x84: {  	_ =	swait.ge [sflag:s22], $0x2710  }
0x85: {  	[sflag:s22] =	ssyncset.done $0x0  }
0x86: {  	[sflag:s22] =	ssyncadd.s32 $0xFFFFD8F0  }
0x87: {  	s6 =	stileid.u32;
	s25 =	sadd.s32 $0x1, s25  }
0x88: {  	[bflag:$0x0] =	sbarrier.arrive $0xFFFF;
	s6 =	sshll.u32 s6, $0x6;
	p1 =	sne.s32 s25, s19  }
.Ltmp4:
0x89: {  	s26 =	sshrl.u32 s17, $0x3;
	s6 =	sor.u32 $0x1C02, s6;
	(pc) =	sbr.rel @p1 .LBB2_1-.Ltmp4, $4  }
0x8a: {  	[hbm:s20], [sflag:s6] =	dma.local [spmem:s26], $0x310  }
0x8b: {  	_ =	swait.ge [sflag:s22], $0x310  }
0x8c: {  	[sflag:s22] =	ssyncset.done $0x0  }
0x8d: {  	[sflag:s22] =	ssyncadd.s32 $0xFFFFFCF0  }
0x8e: {  	_ =	sfence.sel $0x180000  }
0x8f: {  	[bflag:$0x0] =	sbarrier.arrive $0xFFFF  }
0x90: {  	_ =	strace $0x90000050  }
0x91: {  	s0 =	stileid.u32;
	[bflag:$0x2] =	sbarrier.arrive $0xFFFF  }
0x92: {  	p0 =	sne.s32 s0, $0x0;
	s0 =	rddreg [dreg:$0x4]  }
0x93: {  	s0 =	sadd.s32 @!p0 $0x100000, s0  }
0x94: {  	[sflag:s0] =	ssyncadd.tile.s32 @!p0 $0x1;
	_ =	shalt  }
.Lfunc_end2:
_tile_overlayer_lowered:
.L_overlay_start_2:
0x95: {  	(tag) =	ssettag $0x2  }
0x96: {  	s0 =	rddreg [dreg:$0x0];
	s2 =	stileid.u32  }
0x97: {  	s1 =	rddreg [dreg:$0x1];
	p0 =	sne.s32 s2, $0x0  }
0x98: {  	s3 =	rddreg [dreg:$0x2];
	[bflag:$0x3] =	sbarrier.arrive $0xFFFF;
	s2 =	simm.s32 @!p0 $0x1C02  }
0x99: {  	[timem:s3], [sflag:s2] =	dma.local @!p0 [hbm:s0], s1  }
0x9a: {  	s0 =	simm.s32 @!p0 $0x2  }
0x9b: {  	_ =	swait.ge @!p0 [sflag:s0], s1  }
0x9c: {  	s1 =	ssub.s32 @!p0 $0x0, s1;
	[sflag:s0] =	ssyncset.done @!p0 $0x0  }
0x9d: {  	[sflag:s0] =	ssyncadd.s32 @!p0 s1  }
0x9e: {  	[bflag:$0x3] =	sbarrier.arrive $0xFFFF  }
0x9f: {  	_ =	shalt  }

// kernel: kernel.24.cloned.1.call-start
scs
__scs_entry_jumppad:
0x0: {  	(pc) =	sbr.rel $0x88, $3  }
0x1: {  	(tag) =	ssettag $0x0;
	lr =	simm.s32 $0x1  }
0x2: {  	[smem:$0x3F9A] =	sst lr;
	_ =	strace $0xD0000000  }
0x3: {  	_ = 	snop  }
0x4: {  	_ = 	snop  }
0x5: {  	_ = 	snop  }
0x6: {  	_ = 	snop  }
0x7: {  	_ = 	snop  }
__scs_overlays_trampoline_lowered:
0x8: {  	[smem:$0x3FA9] =	sst s0  }
0x9: {  	[smem:$0x3FAA] =	sst s1  }
0xa: {  	[smem:$0x3FAB] =	sst s2  }
0xb: {  	[smem:$0x3FAC] =	sst s3  }
0xc: {  	[smem:$0x3FAD] =	sst s4  }
0xd: {  	[smem:$0x3FAE] =	sst s5  }
0xe: {  	[smem:$0x3FAF] =	sst s6  }
0xf: {  	[smem:$0x3FB0] =	sst s7  }
0x10: {  	[smem:$0x3FB1] =	sst s8  }
0x11: {  	[smem:$0x3FB2] =	sst s9;
	s0 =	simm.s32 @!p0 $0x0  }
0x12: {  	s1 =	sld [smem:$0x3F98];
	s0 =	simm.s32 @p0 $0x1  }
0x13: {  	[smem:$0x3FB3] =	sst s0;
	s0 =	simm.s32 @!p1 $0x0  }
0x14: {  	s2 =	sld [smem:$0x3F97];
	s0 =	simm.s32 @p1 $0x1  }
0x15: {  	[smem:$0x3FB4] =	sst s0;
	s0 =	simm.s32 @!p2 $0x0  }
0x16: {  	s3 =	sld [smem:$0x3FDB];
	s0 =	simm.s32 @p2 $0x1  }
0x17: {  	s4 =	simm.s32 $0x1BF5;
	[smem:$0x3FB6] =	sst s0  }
0x18: {  	s0 =	sld [smem:$0x3F99];
	_ =	swait.ge [sflag:s4], $0x0  }
0x19: {  	s7 =	sld [smem:$0x3F9A]  }
0x1a: {  	s8 =	sadd.s32 $0xFFFFE003, lr  }
0x1b: {  	s9 =	sadd.s32 $0xFFFFFEF7, lr;
	s5 =	simm.s32 $0xFFFFFFFF;
	p2 =	slt.u32 s8, $0xFFFFF086  }
0x1c: {  	p1 =	slt.u32 s9, $0xF7A;
	s5 =	simm.s32 @!p2 $0x0  }
0x1d: {  	s5 =	simm.s32 @p1 $0x1;
	p0 =	seq.s32 s7, s2  }
0x1e: {  	s7 =	smul.u32 @!p0 $0xF7A, s2;
	p2 =	seq.s32 @!p0 s5, $0x0  }
0x1f: {  	s9 =	smul.u32 $0xF7A, s1;
	s8 =	simm.s32 @!p0 $0x1BF5;
	p2 =	por !p2, p0  }
0x20: {  	[sflag:s8] =	ssyncset.s32 @!p0 $0xFFFFF086;
	s6 =	sadd.s32 @!p0 s3, s7;
	s7 =	simm.s32 @!p0 $0x108  }
0x21: {  	s3 =	sadd.s32 s3, s9;
	s6 =	sadd.s32 @!p0 $0x88, s6;
	s7 =	simm.s32 @p2 $0x1082  }
0x22: {  	[simem:s7], [sflag:s8] =	dma.local @!p0 [hbm:s6], $0xF7A  }
0x23: {  	s9 =	sor.u32 $0xD0000000, s2;
	s6 =	simm.s32 $0x108;
	_ =	swait.ge @!p0 [sflag:s8], $0x0  }
0x24: {  	s3 =	sadd.s32 $0x88, s3;
	s6 =	simm.s32 @!p1 $0x1082;
	[sflag:s4] =	ssyncset.s32 $0xFFFFF086  }
0x25: {  	[simem:s6], [sflag:s4] =	dma.local [hbm:s3], $0xF7A  }
0x26: {  	[smem:$0x3F9A] =	sst s1;
	(tag) =	ssettag s2;
	_ =	strace s9  }
0x27: {  	s1 =	sld [smem:$0x3FAA]  }
0x28: {  	s2 =	sld [smem:$0x3FAB]  }
0x29: {  	s4 =	sld [smem:$0x3FAD]  }
0x2a: {  	p0 =	seq.s32 s5, $0x0;
	s5 =	sld [smem:$0x3FAE]  }
0x2b: {  	s6 =	sld [smem:$0x3FAF]  }
0x2c: {  	s7 =	sld [smem:$0x3FB0]  }
0x2d: {  	s3 =	simm.s32 $0x108;
	s8 =	sld [smem:$0x3FB1]  }
0x2e: {  	s3 =	simm.s32 @!p0 $0x1082;
	s9 =	sld [smem:$0x3FB2]  }
0x2f: {  	lr =	sadd.s32 s0, s3;
	s0 =	sld [smem:$0x3FA9]  }
0x30: {  	s3 =	sld [smem:$0x3FAC]  }
0x31: {  	[smem:$0x3FB5] =	sst s10  }
0x32: {  	s10 =	sld [smem:$0x3FB3];
	_ =	sdelay $0x3  }
0x33: {  	p0 =	seq.s32 s10, $0x1;
	s10 =	sld [smem:$0x3FB5];
	_ =	sdelay $0x3  }
0x34: {  	[smem:$0x3FB5] =	sst s10  }
0x35: {  	s10 =	sld [smem:$0x3FB4];
	_ =	sdelay $0x3  }
0x36: {  	p1 =	seq.s32 s10, $0x1;
	s10 =	sld [smem:$0x3FB5];
	_ =	sdelay $0x3  }
0x37: {  	[smem:$0x3FB5] =	sst s10  }
0x38: {  	s10 =	sld [smem:$0x3FB6]  }
0x39: {  	_ = 	snop;
	(pc) =	sbr.ind lr, $3  }
0x3a: {  	_ = 	snop  }
0x3b: {  	_ = 	snop  }
0x3c: {  	p2 =	seq.s32 s10, $0x1;
	s10 =	sld [smem:$0x3FB5]  }
0x3d: {  	_ =	shalt  }
0x3e: {  	_ =	shalt  }
0x3f: {  	_ =	shalt  }
0x40: {  	_ =	shalt  }
0x41: {  	_ =	shalt  }
0x42: {  	_ =	shalt  }
0x43: {  	_ =	shalt  }
0x44: {  	_ =	shalt  }
0x45: {  	_ =	shalt  }
0x46: {  	_ =	shalt  }
0x47: {  	_ =	shalt  }
0x48: {  	_ =	shalt  }
0x49: {  	_ =	shalt  }
0x4a: {  	_ =	shalt  }
0x4b: {  	_ =	shalt  }
0x4c: {  	_ =	shalt  }
0x4d: {  	_ =	shalt  }
0x4e: {  	_ =	shalt  }
0x4f: {  	_ =	shalt  }
0x50: {  	_ =	shalt  }
0x51: {  	_ =	shalt  }
0x52: {  	_ =	shalt  }
0x53: {  	_ =	shalt  }
0x54: {  	_ =	shalt  }
0x55: {  	_ =	shalt  }
0x56: {  	_ =	shalt  }
0x57: {  	_ =	shalt  }
0x58: {  	_ =	shalt  }
0x59: {  	_ =	shalt  }
0x5a: {  	_ =	shalt  }
0x5b: {  	_ =	shalt  }
0x5c: {  	_ =	shalt  }
0x5d: {  	_ =	shalt  }
0x5e: {  	_ =	shalt  }
0x5f: {  	_ =	shalt  }
0x60: {  	_ =	shalt  }
0x61: {  	_ =	shalt  }
0x62: {  	_ =	shalt  }
0x63: {  	_ =	shalt  }
0x64: {  	_ =	shalt  }
0x65: {  	_ =	shalt  }
0x66: {  	_ =	shalt  }
0x67: {  	_ =	shalt  }
0x68: {  	_ =	shalt  }
0x69: {  	_ =	shalt  }
0x6a: {  	_ =	shalt  }
0x6b: {  	_ =	shalt  }
0x6c: {  	_ =	shalt  }
0x6d: {  	_ =	shalt  }
0x6e: {  	_ =	shalt  }
0x6f: {  	_ =	shalt  }
0x70: {  	_ =	shalt  }
0x71: {  	_ =	shalt  }
0x72: {  	_ =	shalt  }
0x73: {  	_ =	shalt  }
0x74: {  	_ =	shalt  }
0x75: {  	_ =	shalt  }
0x76: {  	_ =	shalt  }
0x77: {  	_ =	shalt  }
0x78: {  	_ =	shalt  }
0x79: {  	_ =	shalt  }
0x7a: {  	_ =	shalt  }
0x7b: {  	_ =	shalt  }
0x7c: {  	_ =	shalt  }
0x7d: {  	_ =	shalt  }
0x7e: {  	_ =	shalt  }
0x7f: {  	_ =	shalt  }
0x80: {  	_ =	shalt  }
0x81: {  	_ =	shalt  }
0x82: {  	_ =	shalt  }
0x83: {  	_ =	shalt  }
0x84: {  	_ =	shalt  }
0x85: {  	_ =	shalt  }
0x86: {  	_ =	shalt  }
0x87: {  	_ =	shalt  }
.Lfunc_end0:
.L_simem_size_0:
called_computation.4_lowered:
.L_overlay_start_0:
0x88: {  	s2 =	sld [smem:$0x3FD9]  }
0x89: {  	s3 =	sld [smem:$0x3FFE];
	_ =	sdelay $0x1  }
0x8a: {  	s1 =	srdreg.scid  }
0x8b: {  	s0 =	sand.u32 $0x1, s1  }
0x8c: {  	s14 =	sshll.u32 s0, $0xA;
	s2 =	sadd.s32 s3, s2  }
0x8d: {  	s2 =	sadd.s32 s2, s14  }
0x8e: {  	[smem:$0x3FC1] =	sst s2  }
0x8f: {  	_ = 	snop  }
0x90: {  	s2 =	sld [smem:$0x3FD0];
	_ =	sdelay $0x2  }
0x91: {  	s15 =	simm.s32 $0xA;
	s4 =	simm.s32 $0x10  }
0x92: {  	[smem:s4], [sflag:s15] =	dma.local [hbm:s2], $0x1  }
0x93: {  	_ =	swait.eq [sflag:s15], $0x1  }
0x94: {  	[sflag:s15] =	ssyncset.done $0x0  }
0x95: {  	[sflag:s15] =	ssyncadd.s32 $0xFFFFFFFF  }
0x96: {  	s16 =	sld [smem:$0x11];
	(tm) =	ssettm $0x1  }
0x97: {  	s17 =	sld [smem:$0x3FFB];
	_ =	sdelay $0x3  }
0x98: {  	_ =	strace s17  }
0x99: {  	s3 =	sld [smem:$0x3FFC];
	_ =	sdelay $0x3  }
0x9a: {  	_ =	strace s3  }
0x9b: {  	s3 =	sld [smem:$0x3FFD];
	_ =	sdelay $0x3  }
0x9c: {  	_ =	strace s3  }
0x9d: {  	_ =	strace $0x8FFFFFFF  }
0x9e: {  	s18 =	sld [smem:$0x3FDB];
	_ =	sdelay $0x1  }
0x9f: {  	s19 =	simm.s32 $_scs_section_size  }
0xa0: {  	s5 =	simm.s32 $_size__tile_overlayer_lowered;
	s6 =	simm.s32 $_tile_overlayer_lowered  }
0xa1: {  	s22 =	simm.s32 $0x1BFF;
	s21 =	sshll.u32 s6, $0x1;
	s3 =	sadd.s32 s19, s18  }
0xa2: {  	s7 =	simm.s32 $0x0;
	s20 =	sshll.u32 s5, $0x1;
	s5 =	sadd.s32 s21, s3  }
0xa3: {  	[timem:s7], [sflag:s22] =	dma.local [hbm:s5], s20  }
0xa4: {  	_ =	swait.ge [sflag:s22], s20  }
0xa5: {  	s4 =	ssub.s32 $0x0, s20;
	[sflag:s22] =	ssyncset.done $0x0  }
0xa6: {  	[sflag:s22] =	ssyncadd.s32 s4;
	_ =	sdelay $0x1  }
0xa7: {  	s23 =	simm.s32 $0x1B8B  }
0xa8: {  	_ =	swait.ge [sflag:s23], $0x1  }
0xa9: {  	[sflag:s23] =	ssyncset.done $0x0  }
0xaa: {  	s25 =	simm.s32 $0x1B8E;
	s24 =	sld [smem:$0x3FFE];
	[sflag:s23] =	ssyncadd.s32 $0xFFFFFFFF  }
0xab: {  	s26 =	simm.s32 $execute0_lowered;
	[smem:$0x3FD2] =	sst s25  }
0xac: {  	s5 =	sshll.u32 s26, $0x1;
	_ =	strace $0x80000052;
	[dreg:$0x1] =	wrdreg $0xFFFFFFFF  }
0xad: {  	s28 =	simm.s32 $_size_execute0_lowered;
	s3 =	sadd.s32 s3, s5;
	[dreg:$0x0] =	wrdreg $0x0  }
0xae: {  	s5 =	sshll.u32 s28, $0x1;
	[dreg:$0x2] =	wrdreg s3  }
0xaf: {  	[dreg:$0x3] =	wrdreg s5  }
0xb0: {  	[dreg:$0x4] =	wrdreg $0xC0  }
0xb1: {  	_ =	task [dreg:s7], $0x5FFFF  }
0xb2: {  	[dreg:$0x1] =	wrdreg $0xFFFFFFFF  }
0xb3: {  	[dreg:$0x0] =	wrdreg $0x60  }
0xb4: {  	[dreg:$0x2] =	wrdreg s24  }
0xb5: {  	[dreg:$0x3] =	wrdreg s16  }
0xb6: {  	[dreg:$0x4] =	wrdreg $0x14A000  }
0xb7: {  	[dreg:$0x5] =	wrdreg $0x162800  }
0xb8: {  	[dreg:$0x6] =	wrdreg $0x9  }
0xb9: {  	_ =	task.clear_ibuf [dreg:s7], $0x7FFFF;
	_ =	strace $0x90000052  }
0xba: {  	s29 =	simm.s32 $0x9;
	_ =	strace $0x80000054  }
0xbb: {  	_ =	swait.ge [sflag:s29], $0x1  }
0xbc: {  	[sflag:s29] =	ssyncadd.s32 $0xFFFFFFFF  }
0xbd: {  	_ =	strace $0x90000054  }
0xbe: {  	_ =	sfence  }
0xbf: {  	s30 =	sld [smem:$0x0];
	_ =	sdelay $0x2  }
0xc0: {  	s31 =	sshll.u32 s1, $0xD;
	s1 =	sshrl.u32 s1, $0x2  }
0xc1: {  	s3 =	sand.u32 $0x4000, s31;
	s1 =	sadd.s32 s1, s30  }
0xc2: {  	s0 =	sor.u32 s3, s0;
	s1 =	sshll.u32 s1, $0x11  }
0xc3: {  	s0 =	sor.u32 s1, s0  }
0xc4: {  	s0 =	sadd.s32 $0x8F2B, s0  }
0xc5: {  	[sflag:s0] =	ssyncadd.remote.s32 $0x1  }
0xc6: {  	_ =	sfence.sel $0xFFFF  }
0xc7: {  	[dreg:$0x0] =	wrdreg $0xFFFFFFFF;
	(pc) =	sbr.abs _section_cstart, $3  }
0xc8: {  	[dreg:$0x1] =	wrdreg $0xFFFFFFFF  }
0xc9: {  	_ =	task.clear_ibuf [dreg:s7], $0x2FFFF;
	_ =	strace $0x9FFFFFFF  }
0xca: {  	(tm) =	ssettm $0x7FFFFFFF  }
0xcb: {  	_ =	shalt  }
tec
execute0_lowered:
.L_overlay_start_1:
0x0: {  	(tag) =	ssettag $0x1  }
0x1: {  	s0 =	rddreg [dreg:$0x0]  }
0x2: {  	s1 =	rddreg [dreg:$0x1]  }
0x3: {  	s2 =	rddreg [dreg:$0x2]  }
0x4: {  	s4 =	rddreg [dreg:$0x3]  }
0x5: {  	s5 =	simm.s32 $0x0;
	s6 =	stileid.u32;
	s8 =	srdreg.scid  }
0x6: {  	s20 =	simm.s32 $0xDB200;
	s22 =	simm.s32 $0x2;
	s23 =	simm.s32 $0xB680  }
0x7: {  	s30 =	simm.s32 $0x1;
	s24 =	simm.s32 $0x7680;
	s25 =	simm.s32 $0x0  }
0x8: {  	[smem:$0x7FF] =	sst s5;
	s3 =	smul.u32 $0x1880, s6;
	s7 =	sadd.s32 $0xC8600, s0  }
0x9: {  	s21 =	sand.u32 $0x1, s8;
	s8 =	sadd.s32 $0x4E00, s0;
	_ =	strace $0x80000053  }
0xa: {  	[dreg:$0x5] =	wrdreg s7;
	s7 =	sadd.s32 $0x66A00, s0;
	s10 =	ssub.s32 $0x2, s21  }
0xb: {  	s11 =	sshll.u32 s21, $0x4;
	p0 =	seq.s32 s21, $0x0;
	s9 =	sshrl.u32 s3, $0x3  }
0xc: {  	s31 =	sshrl.u32 s10, $0x1;
	s18 =	sor.u32 s6, s11;
	s15 =	sadd.s32 s3, s2  }
0xd: {  	s17 =	sadd.s32 s3, s4;
	s20 =	simm.s32 @!p0 $0xDE400;
	p0 =	sne.s32 s21, $0x0  }
0xe: {  	s3 =	simm.s32 $0x2780;
	s21 =	simm.s32 $0x2710;
	s0 =	sadd.s32 s9, s0  }
0xf: {  	s19 =	ssub.s32 s10, s31;
	s18 =	smul.u32 $0x186A0, s18;
	s9 =	sadd.s32 $0xD4E00, s0  }
0x10: {  	s10 =	sadd.s32 $0xD8000, s0;
	s11 =	sadd.s32 $0xE4800, s0;
	s12 =	sadd.s32 $0xCEA00, s0  }
0x11: {  	s13 =	sadd.s32 $0xD1C00, s0;
	s14 =	sadd.s32 $0xCB800, s0;
	s16 =	sadd.s32 $0xE1600, s0  }
0x12: {  	v0 =	vimm.f32 $0.0e+00;
	s19 =	smax.u32 s19, $0x1;
	s20 =	sadd.s32 s20, s0;
	s0 =	simm.s32 $0x4F00  }
.LBB2_1:
0x13: {  	s6 =	rddreg [dreg:$0x5];
	s26 =	simm.s32 $0x14980  }
0x14: {  	[tilespmem:s26], [sflag:$0x2] =	stream.linear.gather [hbm4b:s6+s5], $0x80, $0x38;
	[tilespmem:$0x17B00] =	vst v63  }
0x15: {  	_ =	swait.ge [sflag:s22], $0x80  }
0x16: {  	[sflag:s22] =	ssyncset.done $0x0  }
0x17: {  	[sflag:s22] =	ssyncadd.s32 $0xFFFFFF80  }
0x18: {  	[tilespmem:s23], [sflag:$0x1] =	stream.linear.gather [hbm4b:s9+s5], $0x1880, $0x38;
	[tilespmem:$0x17B00] =	vst v63  }
0x19: {  	s29 =	simm.s32 $0xCF00  }
0x1a: {  	[tilespmem:s29], [sflag:$0x1] =	stream.linear.gather [hbm4b:s10+s5], $0x1880, $0x38;
	[tilespmem:$0x17B00] =	vst v63  }
0x1b: {  	s31 =	simm.s32 $0xE780  }
0x1c: {  	[tilespmem:s31], [sflag:$0x1] =	stream.linear.gather [hbm4b:s11+s5], $0x1880, $0x38;
	[tilespmem:$0x17B00] =	vst v63  }
0x1d: {  	s26 =	simm.s32 $0x10000  }
0x1e: {  	[tilespmem:s26], [sflag:$0x1] =	stream.linear.gather [hbm4b:s12+s5], $0x1880, $0x38;
	[tilespmem:$0x17B00] =	vst v63  }
0x1f: {  	s29 =	simm.s32 $0x11880  }
0x20: {  	[tilespmem:s29], [sflag:$0x1] =	stream.linear.gather [hbm4b:s13+s5], $0x1880, $0x38;
	[tilespmem:$0x17B00] =	vst v63  }
0x21: {  	s31 =	simm.s32 $0x13100  }
0x22: {  	[tilespmem:s31], [sflag:$0x1] =	stream.linear.gather [hbm4b:s14+s5], $0x1880, $0x38;
	[tilespmem:$0x17B00] =	vst v63  }
0x23: {  	v1 =	vld [tilespmem:$0x14980];
	_ =	swait.ge [sflag:s30], $0x1880  }
0x24: {  	[sflag:s30] =	ssyncset.done $0x0  }
0x25: {  	[sflag:s30] =	ssyncadd.s32 $0xFFFFE780  }
0x26: {  	_ =	swait.ge [sflag:s30], $0x1880  }
0x27: {  	[sflag:s30] =	ssyncset.done $0x0  }
0x28: {  	[sflag:s30] =	ssyncadd.s32 $0xFFFFE780  }
0x29: {  	_ =	swait.ge [sflag:s30], $0x1880  }
0x2a: {  	[sflag:s30] =	ssyncset.done $0x0  }
0x2b: {  	[sflag:s30] =	ssyncadd.s32 $0xFFFFE780  }
0x2c: {  	_ =	swait.ge [sflag:s30], $0x1880  }
0x2d: {  	[sflag:s30] =	ssyncset.done $0x0  }
0x2e: {  	[sflag:s30] =	ssyncadd.s32 $0xFFFFE780  }
0x2f: {  	_ =	swait.ge [sflag:s30], $0x1880  }
0x30: {  	[sflag:s30] =	ssyncset.done $0x0  }
0x31: {  	[sflag:s30] =	ssyncadd.s32 $0xFFFFE780  }
0x32: {  	_ =	swait.ge [sflag:s30], $0x1880  }
0x33: {  	[sflag:s30] =	ssyncset.done $0x0  }
0x34: {  	s26 =	simm.s32 $0x0;
	[sflag:s30] =	ssyncadd.s32 $0xFFFFE780  }
0x35: {  	v2 =	vld [tilespmem:s26+$0x10000]  }
0x36: {  	s28 =	simm.s32 $0x40;
	v3 =	vsub.f32 $1.000000000e+00, v1;
	v4 =	vld [tilespmem:s26+$0xCF00]  }
.LBB2_2:
0x37: {  	p1 =	sne.s32 s28, $0x61C0;
	v5 =	vld [tilespmem:s26+$0xB680]  }
0x38: {  	v6 =	vld [tilespmem:s26+$0x11880]  }
0x39: {  	v7 =	vld [tilespmem:s26+$0xE780];
	_ =	sdelay $0x2  }
0x3a: {  	v4 =	vadd.f32 v4, v5  }
0x3b: {  	v5 =	vld [tilespmem:s26+$0x13100]  }
0x3c: {  	v4 =	vmul.f32 v4, v2;
	v6 =	vmul.f32 v6, v7;
	_ =	sdelay $0x1  }
0x3d: {  	v4 =	vadd.f32 v6, v4;
	_ =	sdelay $0x1  }
0x3e: {  	v4 =	vmul.f32 v4, v3;
	v5 =	vmul.f32 v5, v1;
	_ =	sdelay $0x1  }
.Ltmp0:
0x3f: {  	v4 =	vadd.f32 v4, v5;
	(pc) =	sbr.rel @p1 .LBB2_2-.Ltmp0, $4  }
0x40: {  	_ = 	snop  }
0x41: {  	s29 =	sshra.s32 s28, $0x2;
	[tilespmem:s26+$0xE780] =	vst v4;
	v5 =	vmul.f32 v4, v2  }
0x42: {  	v2 =	vld [tilespmem:s29+$0x10000]  }
0x43: {  	s28 =	sadd.s32 $0x40, s28;
	v4 =	vld [tilespmem:s29+$0xCF00];
	[tilespmem:s26+$0xB680] =	vst v5;
	s26 =	smov.u32 s29  }
0x44: {  	v5 =	vld [tilespmem:s26+$0xB680]  }
0x45: {  	v6 =	vld [tilespmem:s26+$0x11880]  }
0x46: {  	v7 =	vld [tilespmem:s26+$0xE780];
	_ =	sdelay $0x2  }
0x47: {  	v4 =	vadd.f32 v4, v5  }
0x48: {  	v63 =	vld [tilespmem:s26+$0x13100]  }
0x49: {  	v6 =	vmul.f32 v6, v7;
	v4 =	vmul.f32 v4, v2;
	_ =	sdelay $0x1  }
0x4a: {  	v4 =	vadd.f32 v6, v4;
	_ =	sdelay $0x1  }
0x4b: {  	v1 =	vmul.f32 v63, v1;
	v3 =	vmul.f32 v4, v3;
	_ =	sdelay $0x1  }
0x4c: {  	v1 =	vadd.f32 v3, v1;
	_ =	sdelay $0x1  }
0x4d: {  	v2 =	vmul.f32 v1, v2  }
0x4e: {  	[tilespmem:s26+$0xE780] =	vst v1  }
0x4f: {  	[tilespmem:s26+$0xB680] =	vst v2  }
0x50: {  	[spmem:s15] =	stream.linear.scatter [tilespmem:s23], [sflag:$0x2], $0x1880, $0x38;
	[tilespmem:$0x17B00] =	vst v63  }
0x51: {  	_ =	swait.ge [sflag:s22], $0x1880  }
0x52: {  	[sflag:s22] =	ssyncset.done $0x0  }
0x53: {  	s28 =	simm.s32 @!p0 $0xE780;
	s26 =	simm.s32 @!p0 $0x0;
	[sflag:s22] =	ssyncadd.s32 $0xFFFFE780  }
0x54: {  	[hbm4b:s16+s26] =	stream.linear.scatter @!p0 [tilespmem:s28], [sflag:$0x2], $0x1880, $0x38;
	[tilespmem:$0x17B00] =	vst v63  }
0x55: {  	s26 =	simm.s32 @!p0 $0x2  }
0x56: {  	_ =	swait.ge @!p0 [sflag:s26], $0x1880  }
0x57: {  	[sflag:s26] =	ssyncset.done @!p0 $0x0  }
0x58: {  	s28 =	simm.s32 $0x0;
	[sflag:s26] =	ssyncadd.s32 @!p0 $0xFFFFE780;
	s26 =	simm.s32 $0x40  }
.LBB2_4:
0x59: {  	p1 =	sne.s32 s26, $0x61C0;
	[tilespmem:s28+$0x9E00] =	vst v0;
	s28 =	smov.u32 s26;
	s26 =	sadd.s32 $0x40, s26  }
.Ltmp1:
0x5a: {  	(pc) =	sbr.rel @p1 .LBB2_4-.Ltmp1, $2  }
0x5b: {  	_ =	sdelay $0x2  }
0x5c: {  	s28 =	sshra.s32 s28, $0x2  }
0x5d: {  	[tilespmem:s28+$0x9E00] =	vst v0;
	s6 =	simm.s32 $0x9E00  }
0x5e: {  	[spmem:s17] =	stream.linear.scatter [tilespmem:s6], [sflag:$0x2], $0x1880, $0x38;
	[tilespmem:$0x17B00] =	vst v63  }
0x5f: {  	_ =	swait.ge [sflag:s22], $0x1880  }
0x60: {  	[sflag:s22] =	ssyncset.done $0x0  }
0x61: {  	[sflag:s22] =	ssyncadd.s32 $0xFFFFE780  }
0x62: {  	s26 =	simm.s32 $0x0;
	s28 =	simm.s32 $0x0;
	[bflag:$0x0] =	sbarrier.arrive $0xFFFF  }
.LBB2_6:
0x63: {  	s29 =	smul.u32 $0x2710, s28;
	_ =	sdelay $0x1  }
0x64: {  	s29 =	sadd.s32 s18, s29  }
0x65: {  	s29 =	sshrl.u32 s29, $0x3  }
0x66: {  	s31 =	sadd.s32 s7, s29  }
0x67: {  	[tilespmem:s26], [sflag:$0x1] =	stream.linear.gather [hbm4b:s31+s26], $0x2710, $0x38;
	[tilespmem:$0x17B00] =	vst v63  }
0x68: {  	s31 =	sadd.s32 s1, s29  }
0x69: {  	[tilespmem:s0], [sflag:$0x1] =	stream.linear.gather [hbm4b:s31+s26], $0x2710, $0x38;
	[tilespmem:$0x17B00] =	vst v63  }
0x6a: {  	s29 =	sadd.s32 s8, s29  }
0x6b: {  	[tilespmem:s3], [sflag:$0x1] =	stream.linear.gather [hbm4b:s29+s26], $0x2710, $0x38;
	[tilespmem:$0x17B00] =	vst v63  }
0x6c: {  	_ =	swait.ge [sflag:s30], $0x2710  }
0x6d: {  	[sflag:s30] =	ssyncset.done $0x0  }
0x6e: {  	[sflag:s30] =	ssyncadd.s32 $0xFFFFD8F0  }
0x6f: {  	[tilespmem:s24], [sflag:$0x2] =	stream.indirect.gather [spmem:s2], $0x1, s26, s21, $0xb8;
	[tilespmem:$0x17B00] =	vst v63  }
0x70: {  	_ =	swait.ge [sflag:s22], $0x2710  }
0x71: {  	[sflag:s22] =	ssyncset.done $0x0  }
0x72: {  	[sflag:s22] =	ssyncadd.s32 $0xFFFFD8F0  }
0x73: {  	_ =	swait.ge [sflag:s30], $0x2710  }
0x74: {  	[sflag:s30] =	ssyncset.done $0x0  }
0x75: {  	s29 =	simm.s32 $0x0;
	[sflag:s30] =	ssyncadd.s32 $0xFFFFD8F0  }
0x76: {  	s31 =	simm.s32 $0x40;
	v1 =	vld [tilespmem:s29+$0x4F00]  }
.LBB2_7:
0x77: {  	p1 =	sne.s32 s31, $0x9C00;
	v2 =	vld [tilespmem:s29+$0x7680];
	_ =	sdelay $0x2  }
.Ltmp2:
0x78: {  	(pc) =	sbr.rel @p1 .LBB2_7-.Ltmp2, $4  }
0x79: {  	_ = 	snop  }
0x7a: {  	v2 =	vmul.f32 v1, v2  }
0x7b: {  	s6 =	sshra.s32 s31, $0x2  }
0x7c: {  	s31 =	sadd.s32 $0x40, s31;
	v1 =	vld [tilespmem:s6+$0x4F00];
	[tilespmem:s29+$0x7680] =	vst v2;
	s29 =	smov.u32 s6  }
0x7d: {  	v2 =	vld [tilespmem:s29+$0x7680];
	_ =	sdelay $0x4  }
0x7e: {  	v1 =	vmul.f32 v1, v2;
	_ =	sdelay $0x1  }
0x7f: {  	[tilespmem:s29+$0x7680] =	vst v1  }
0x80: {  	s28 =	sadd.s32 $0x1, s28;
	_ =	swait.ge [sflag:s30], $0x2710  }
0x81: {  	p1 =	sne.s32 s28, $0xA;
	[sflag:s30] =	ssyncset.done $0x0  }
.Ltmp3:
0x82: {  	[sflag:s30] =	ssyncadd.s32 $0xFFFFD8F0;
	(pc) =	sbr.rel @p1 .LBB2_6-.Ltmp3, $4  }
0x83: {  	[spmem:s4] =	stream.indirect.scatter.add.f32 [tilespmem:s24], [sflag:$0x2], $0x1, s3, s21, $0xb8;
	[tilespmem:$0x17B00] =	vst v63  }
0x84: {  	_ =	swait.ge [sflag:s22], $0x2710  }
0x85: {  	[sflag:s22] =	ssyncset.done $0x0  }
0x86: {  	[sflag:s22] =	ssyncadd.s32 $0xFFFFD8F0  }
0x87: {  	s6 =	stileid.u32;
	s25 =	sadd.s32 $0x1, s25  }
0x88: {  	[bflag:$0x0] =	sbarrier.arrive $0xFFFF;
	s6 =	sshll.u32 s6, $0x6;
	p1 =	sne.s32 s25, s19  }
.Ltmp4:
0x89: {  	s26 =	sshrl.u32 s17, $0x3;
	s6 =	sor.u32 $0x1C02, s6;
	(pc) =	sbr.rel @p1 .LBB2_1-.Ltmp4, $4  }
0x8a: {  	[hbm:s20], [sflag:s6] =	dma.local [spmem:s26], $0x310  }
0x8b: {  	_ =	swait.ge [sflag:s22], $0x310  }
0x8c: {  	[sflag:s22] =	ssyncset.done $0x0  }
0x8d: {  	[sflag:s22] =	ssyncadd.s32 $0xFFFFFCF0  }
0x8e: {  	_ =	sfence.sel $0x180000  }
0x8f: {  	[bflag:$0x0] =	sbarrier.arrive $0xFFFF  }
0x90: {  	_ =	strace $0x90000053  }
0x91: {  	s0 =	stileid.u32;
	[bflag:$0x2] =	sbarrier.arrive $0xFFFF  }
0x92: {  	p0 =	sne.s32 s0, $0x0;
	s0 =	rddreg [dreg:$0x4]  }
0x93: {  	s0 =	sadd.s32 @!p0 $0x100000, s0  }
0x94: {  	[sflag:s0] =	ssyncadd.tile.s32 @!p0 $0x1;
	_ =	shalt  }
.Lfunc_end2:
_tile_overlayer_lowered:
.L_overlay_start_2:
0x95: {  	(tag) =	ssettag $0x2  }
0x96: {  	s0 =	rddreg [dreg:$0x0];
	s2 =	stileid.u32  }
0x97: {  	s1 =	rddreg [dreg:$0x1];
	p0 =	sne.s32 s2, $0x0  }
0x98: {  	s3 =	rddreg [dreg:$0x2];
	[bflag:$0x3] =	sbarrier.arrive $0xFFFF;
	s2 =	simm.s32 @!p0 $0x1C02  }
0x99: {  	[timem:s3], [sflag:s2] =	dma.local @!p0 [hbm:s0], s1  }
0x9a: {  	s0 =	simm.s32 @!p0 $0x2  }
0x9b: {  	_ =	swait.ge @!p0 [sflag:s0], s1  }
0x9c: {  	s1 =	ssub.s32 @!p0 $0x0, s1;
	[sflag:s0] =	ssyncset.done @!p0 $0x0  }
0x9d: {  	[sflag:s0] =	ssyncadd.s32 @!p0 s1  }
0x9e: {  	[bflag:$0x3] =	sbarrier.arrive $0xFFFF  }
0x9f: {  	_ =	shalt  }

// kernel: kernel.27.cloned.1.call-start
scs
__scs_entry_jumppad:
0x0: {  	(pc) =	sbr.rel $0x88, $3  }
0x1: {  	(tag) =	ssettag $0x0;
	lr =	simm.s32 $0x1  }
0x2: {  	[smem:$0x3F9A] =	sst lr;
	_ =	strace $0xD0000000  }
0x3: {  	_ = 	snop  }
0x4: {  	_ = 	snop  }
0x5: {  	_ = 	snop  }
0x6: {  	_ = 	snop  }
0x7: {  	_ = 	snop  }
__scs_overlays_trampoline_lowered:
0x8: {  	[smem:$0x3FA9] =	sst s0  }
0x9: {  	[smem:$0x3FAA] =	sst s1  }
0xa: {  	[smem:$0x3FAB] =	sst s2  }
0xb: {  	[smem:$0x3FAC] =	sst s3  }
0xc: {  	[smem:$0x3FAD] =	sst s4  }
0xd: {  	[smem:$0x3FAE] =	sst s5  }
0xe: {  	[smem:$0x3FAF] =	sst s6  }
0xf: {  	[smem:$0x3FB0] =	sst s7  }
0x10: {  	[smem:$0x3FB1] =	sst s8  }
0x11: {  	[smem:$0x3FB2] =	sst s9;
	s0 =	simm.s32 @!p0 $0x0  }
0x12: {  	s1 =	sld [smem:$0x3F98];
	s0 =	simm.s32 @p0 $0x1  }
0x13: {  	[smem:$0x3FB3] =	sst s0;
	s0 =	simm.s32 @!p1 $0x0  }
0x14: {  	s2 =	sld [smem:$0x3F97];
	s0 =	simm.s32 @p1 $0x1  }
0x15: {  	[smem:$0x3FB4] =	sst s0;
	s0 =	simm.s32 @!p2 $0x0  }
0x16: {  	s3 =	sld [smem:$0x3FDB];
	s0 =	simm.s32 @p2 $0x1  }
0x17: {  	s4 =	simm.s32 $0x1BF5;
	[smem:$0x3FB6] =	sst s0  }
0x18: {  	s0 =	sld [smem:$0x3F99];
	_ =	swait.ge [sflag:s4], $0x0  }
0x19: {  	s7 =	sld [smem:$0x3F9A]  }
0x1a: {  	s8 =	sadd.s32 $0xFFFFE003, lr  }
0x1b: {  	s9 =	sadd.s32 $0xFFFFFEF7, lr;
	s5 =	simm.s32 $0xFFFFFFFF;
	p2 =	slt.u32 s8, $0xFFFFF086  }
0x1c: {  	p1 =	slt.u32 s9, $0xF7A;
	s5 =	simm.s32 @!p2 $0x0  }
0x1d: {  	s5 =	simm.s32 @p1 $0x1;
	p0 =	seq.s32 s7, s2  }
0x1e: {  	s7 =	smul.u32 @!p0 $0xF7A, s2;
	p2 =	seq.s32 @!p0 s5, $0x0  }
0x1f: {  	s9 =	smul.u32 $0xF7A, s1;
	s8 =	simm.s32 @!p0 $0x1BF5;
	p2 =	por !p2, p0  }
0x20: {  	[sflag:s8] =	ssyncset.s32 @!p0 $0xFFFFF086;
	s6 =	sadd.s32 @!p0 s3, s7;
	s7 =	simm.s32 @!p0 $0x108  }
0x21: {  	s3 =	sadd.s32 s3, s9;
	s6 =	sadd.s32 @!p0 $0x88, s6;
	s7 =	simm.s32 @p2 $0x1082  }
0x22: {  	[simem:s7], [sflag:s8] =	dma.local @!p0 [hbm:s6], $0xF7A  }
0x23: {  	s9 =	sor.u32 $0xD0000000, s2;
	s6 =	simm.s32 $0x108;
	_ =	swait.ge @!p0 [sflag:s8], $0x0  }
0x24: {  	s3 =	sadd.s32 $0x88, s3;
	s6 =	simm.s32 @!p1 $0x1082;
	[sflag:s4] =	ssyncset.s32 $0xFFFFF086  }
0x25: {  	[simem:s6], [sflag:s4] =	dma.local [hbm:s3], $0xF7A  }
0x26: {  	[smem:$0x3F9A] =	sst s1;
	(tag) =	ssettag s2;
	_ =	strace s9  }
0x27: {  	s1 =	sld [smem:$0x3FAA]  }
0x28: {  	s2 =	sld [smem:$0x3FAB]  }
0x29: {  	s4 =	sld [smem:$0x3FAD]  }
0x2a: {  	p0 =	seq.s32 s5, $0x0;
	s5 =	sld [smem:$0x3FAE]  }
0x2b: {  	s6 =	sld [smem:$0x3FAF]  }
0x2c: {  	s7 =	sld [smem:$0x3FB0]  }
0x2d: {  	s3 =	simm.s32 $0x108;
	s8 =	sld [smem:$0x3FB1]  }
0x2e: {  	s3 =	simm.s32 @!p0 $0x1082;
	s9 =	sld [smem:$0x3FB2]  }
0x2f: {  	lr =	sadd.s32 s0, s3;
	s0 =	sld [smem:$0x3FA9]  }
0x30: {  	s3 =	sld [smem:$0x3FAC]  }
0x31: {  	[smem:$0x3FB5] =	sst s10  }
0x32: {  	s10 =	sld [smem:$0x3FB3];
	_ =	sdelay $0x3  }
0x33: {  	p0 =	seq.s32 s10, $0x1;
	s10 =	sld [smem:$0x3FB5];
	_ =	sdelay $0x3  }
0x34: {  	[smem:$0x3FB5] =	sst s10  }
0x35: {  	s10 =	sld [smem:$0x3FB4];
	_ =	sdelay $0x3  }
0x36: {  	p1 =	seq.s32 s10, $0x1;
	s10 =	sld [smem:$0x3FB5];
	_ =	sdelay $0x3  }
0x37: {  	[smem:$0x3FB5] =	sst s10  }
0x38: {  	s10 =	sld [smem:$0x3FB6]  }
0x39: {  	_ = 	snop;
	(pc) =	sbr.ind lr, $3  }
0x3a: {  	_ = 	snop  }
0x3b: {  	_ = 	snop  }
0x3c: {  	p2 =	seq.s32 s10, $0x1;
	s10 =	sld [smem:$0x3FB5]  }
0x3d: {  	_ =	shalt  }
0x3e: {  	_ =	shalt  }
0x3f: {  	_ =	shalt  }
0x40: {  	_ =	shalt  }
0x41: {  	_ =	shalt  }
0x42: {  	_ =	shalt  }
0x43: {  	_ =	shalt  }
0x44: {  	_ =	shalt  }
0x45: {  	_ =	shalt  }
0x46: {  	_ =	shalt  }
0x47: {  	_ =	shalt  }
0x48: {  	_ =	shalt  }
0x49: {  	_ =	shalt  }
0x4a: {  	_ =	shalt  }
0x4b: {  	_ =	shalt  }
0x4c: {  	_ =	shalt  }
0x4d: {  	_ =	shalt  }
0x4e: {  	_ =	shalt  }
0x4f: {  	_ =	shalt  }
0x50: {  	_ =	shalt  }
0x51: {  	_ =	shalt  }
0x52: {  	_ =	shalt  }
0x53: {  	_ =	shalt  }
0x54: {  	_ =	shalt  }
0x55: {  	_ =	shalt  }
0x56: {  	_ =	shalt  }
0x57: {  	_ =	shalt  }
0x58: {  	_ =	shalt  }
0x59: {  	_ =	shalt  }
0x5a: {  	_ =	shalt  }
0x5b: {  	_ =	shalt  }
0x5c: {  	_ =	shalt  }
0x5d: {  	_ =	shalt  }
0x5e: {  	_ =	shalt  }
0x5f: {  	_ =	shalt  }
0x60: {  	_ =	shalt  }
0x61: {  	_ =	shalt  }
0x62: {  	_ =	shalt  }
0x63: {  	_ =	shalt  }
0x64: {  	_ =	shalt  }
0x65: {  	_ =	shalt  }
0x66: {  	_ =	shalt  }
0x67: {  	_ =	shalt  }
0x68: {  	_ =	shalt  }
0x69: {  	_ =	shalt  }
0x6a: {  	_ =	shalt  }
0x6b: {  	_ =	shalt  }
0x6c: {  	_ =	shalt  }
0x6d: {  	_ =	shalt  }
0x6e: {  	_ =	shalt  }
0x6f: {  	_ =	shalt  }
0x70: {  	_ =	shalt  }
0x71: {  	_ =	shalt  }
0x72: {  	_ =	shalt  }
0x73: {  	_ =	shalt  }
0x74: {  	_ =	shalt  }
0x75: {  	_ =	shalt  }
0x76: {  	_ =	shalt  }
0x77: {  	_ =	shalt  }
0x78: {  	_ =	shalt  }
0x79: {  	_ =	shalt  }
0x7a: {  	_ =	shalt  }
0x7b: {  	_ =	shalt  }
0x7c: {  	_ =	shalt  }
0x7d: {  	_ =	shalt  }
0x7e: {  	_ =	shalt  }
0x7f: {  	_ =	shalt  }
0x80: {  	_ =	shalt  }
0x81: {  	_ =	shalt  }
0x82: {  	_ =	shalt  }
0x83: {  	_ =	shalt  }
0x84: {  	_ =	shalt  }
0x85: {  	_ =	shalt  }
0x86: {  	_ =	shalt  }
0x87: {  	_ =	shalt  }
.Lfunc_end0:
.L_simem_size_0:
called_computation.5_lowered:
.L_overlay_start_0:
0x88: {  	s2 =	sld [smem:$0x3FD9]  }
0x89: {  	s3 =	sld [smem:$0x3FFE];
	_ =	sdelay $0x1  }
0x8a: {  	s1 =	srdreg.scid  }
0x8b: {  	s0 =	sand.u32 $0x1, s1  }
0x8c: {  	s14 =	sshll.u32 s0, $0xA;
	s2 =	sadd.s32 s3, s2  }
0x8d: {  	s2 =	sadd.s32 s2, s14  }
0x8e: {  	[smem:$0x3FC1] =	sst s2  }
0x8f: {  	_ = 	snop  }
0x90: {  	s2 =	sld [smem:$0x3FD0];
	_ =	sdelay $0x2  }
0x91: {  	s15 =	simm.s32 $0xA;
	s4 =	simm.s32 $0x10  }
0x92: {  	[smem:s4], [sflag:s15] =	dma.local [hbm:s2], $0x1  }
0x93: {  	_ =	swait.eq [sflag:s15], $0x1  }
0x94: {  	[sflag:s15] =	ssyncset.done $0x0  }
0x95: {  	[sflag:s15] =	ssyncadd.s32 $0xFFFFFFFF  }
0x96: {  	s16 =	sld [smem:$0x11];
	(tm) =	ssettm $0x1  }
0x97: {  	s17 =	sld [smem:$0x3FFB];
	_ =	sdelay $0x3  }
0x98: {  	_ =	strace s17  }
0x99: {  	s3 =	sld [smem:$0x3FFC];
	_ =	sdelay $0x3  }
0x9a: {  	_ =	strace s3  }
0x9b: {  	s3 =	sld [smem:$0x3FFD];
	_ =	sdelay $0x3  }
0x9c: {  	_ =	strace s3  }
0x9d: {  	_ =	strace $0x8FFFFFFF  }
0x9e: {  	s18 =	sld [smem:$0x3FDB];
	_ =	sdelay $0x1  }
0x9f: {  	s19 =	simm.s32 $_scs_section_size  }
0xa0: {  	s5 =	simm.s32 $_size__tile_overlayer_lowered;
	s6 =	simm.s32 $_tile_overlayer_lowered  }
0xa1: {  	s22 =	simm.s32 $0x1BFF;
	s21 =	sshll.u32 s6, $0x1;
	s3 =	sadd.s32 s19, s18  }
0xa2: {  	s7 =	simm.s32 $0x0;
	s20 =	sshll.u32 s5, $0x1;
	s5 =	sadd.s32 s21, s3  }
0xa3: {  	[timem:s7], [sflag:s22] =	dma.local [hbm:s5], s20  }
0xa4: {  	_ =	swait.ge [sflag:s22], s20  }
0xa5: {  	s4 =	ssub.s32 $0x0, s20;
	[sflag:s22] =	ssyncset.done $0x0  }
0xa6: {  	[sflag:s22] =	ssyncadd.s32 s4;
	_ =	sdelay $0x1  }
0xa7: {  	s23 =	simm.s32 $0x1B8B  }
0xa8: {  	_ =	swait.ge [sflag:s23], $0x1  }
0xa9: {  	[sflag:s23] =	ssyncset.done $0x0  }
0xaa: {  	s25 =	simm.s32 $0x1B8E;
	s24 =	sld [smem:$0x3FFE];
	[sflag:s23] =	ssyncadd.s32 $0xFFFFFFFF  }
0xab: {  	s26 =	simm.s32 $execute0_lowered;
	[smem:$0x3FD2] =	sst s25  }
0xac: {  	s5 =	sshll.u32 s26, $0x1;
	_ =	strace $0x80000055;
	[dreg:$0x1] =	wrdreg $0xFFFFFFFF  }
0xad: {  	s28 =	simm.s32 $_size_execute0_lowered;
	s3 =	sadd.s32 s3, s5;
	[dreg:$0x0] =	wrdreg $0x0  }
0xae: {  	s5 =	sshll.u32 s28, $0x1;
	[dreg:$0x2] =	wrdreg s3  }
0xaf: {  	[dreg:$0x3] =	wrdreg s5  }
0xb0: {  	[dreg:$0x4] =	wrdreg $0xC0  }
0xb1: {  	_ =	task [dreg:s7], $0x5FFFF  }
0xb2: {  	[dreg:$0x1] =	wrdreg $0xFFFFFFFF  }
0xb3: {  	[dreg:$0x0] =	wrdreg $0x60  }
0xb4: {  	[dreg:$0x2] =	wrdreg s24  }
0xb5: {  	[dreg:$0x3] =	wrdreg s16  }
0xb6: {  	[dreg:$0x4] =	wrdreg $0x14A000  }
0xb7: {  	[dreg:$0x5] =	wrdreg $0x162800  }
0xb8: {  	[dreg:$0x6] =	wrdreg $0x9  }
0xb9: {  	_ =	task.clear_ibuf [dreg:s7], $0x7FFFF;
	_ =	strace $0x90000055  }
0xba: {  	s29 =	simm.s32 $0x9;
	_ =	strace $0x80000057  }
0xbb: {  	_ =	swait.ge [sflag:s29], $0x1  }
0xbc: {  	[sflag:s29] =	ssyncadd.s32 $0xFFFFFFFF  }
0xbd: {  	_ =	strace $0x90000057  }
0xbe: {  	_ =	sfence  }
0xbf: {  	s30 =	sld [smem:$0x0];
	_ =	sdelay $0x2  }
0xc0: {  	s31 =	sshll.u32 s1, $0xD;
	s1 =	sshrl.u32 s1, $0x2  }
0xc1: {  	s3 =	sand.u32 $0x4000, s31;
	s1 =	sadd.s32 s1, s30  }
0xc2: {  	s0 =	sor.u32 s3, s0;
	s1 =	sshll.u32 s1, $0x11  }
0xc3: {  	s0 =	sor.u32 s1, s0  }
0xc4: {  	s0 =	sadd.s32 $0x8F2B, s0  }
0xc5: {  	[sflag:s0] =	ssyncadd.remote.s32 $0x1  }
0xc6: {  	_ =	sfence.sel $0xFFFF  }
0xc7: {  	[dreg:$0x0] =	wrdreg $0xFFFFFFFF;
	(pc) =	sbr.abs _section_cstart, $3  }
0xc8: {  	[dreg:$0x1] =	wrdreg $0xFFFFFFFF  }
0xc9: {  	_ =	task.clear_ibuf [dreg:s7], $0x2FFFF;
	_ =	strace $0x9FFFFFFF  }
0xca: {  	(tm) =	ssettm $0x7FFFFFFF  }
0xcb: {  	_ =	shalt  }
tec
execute0_lowered:
.L_overlay_start_1:
0x0: {  	(tag) =	ssettag $0x1  }
0x1: {  	s0 =	rddreg [dreg:$0x0]  }
0x2: {  	s1 =	rddreg [dreg:$0x1]  }
0x3: {  	s2 =	rddreg [dreg:$0x2]  }
0x4: {  	s4 =	rddreg [dreg:$0x3]  }
0x5: {  	s5 =	simm.s32 $0x0;
	s6 =	stileid.u32;
	s8 =	srdreg.scid  }
0x6: {  	s20 =	simm.s32 $0xD4E00;
	s22 =	simm.s32 $0x2;
	s23 =	simm.s32 $0xB680  }
0x7: {  	s30 =	simm.s32 $0x1;
	s24 =	simm.s32 $0x7680;
	s25 =	simm.s32 $0x0  }
0x8: {  	[smem:$0x7FF] =	sst s5;
	s3 =	smul.u32 $0x1880, s6;
	s7 =	sadd.s32 $0xC8600, s0  }
0x9: {  	s21 =	sand.u32 $0x1, s8;
	s8 =	sadd.s32 $0x4E00, s0;
	_ =	strace $0x80000056  }
0xa: {  	[dreg:$0x5] =	wrdreg s7;
	s7 =	sadd.s32 $0x66A00, s0;
	s10 =	ssub.s32 $0x2, s21  }
0xb: {  	s11 =	sshll.u32 s21, $0x4;
	p0 =	seq.s32 s21, $0x0;
	s9 =	sshrl.u32 s3, $0x3  }
0xc: {  	s31 =	sshrl.u32 s10, $0x1;
	s18 =	sor.u32 s6, s11;
	s15 =	sadd.s32 s3, s2  }
0xd: {  	s17 =	sadd.s32 s3, s4;
	s20 =	simm.s32 @!p0 $0xD8000;
	p0 =	sne.s32 s21, $0x0  }
0xe: {  	s3 =	simm.s32 $0x2780;
	s21 =	simm.s32 $0x2710;
	s0 =	sadd.s32 s9, s0  }
0xf: {  	s19 =	ssub.s32 s10, s31;
	s18 =	smul.u32 $0x186A0, s18;
	s9 =	sadd.s32 $0xDB200, s0  }
0x10: {  	s10 =	sadd.s32 $0xDE400, s0;
	s11 =	sadd.s32 $0xE1600, s0;
	s12 =	sadd.s32 $0xCEA00, s0  }
0x11: {  	s13 =	sadd.s32 $0xD1C00, s0;
	s14 =	sadd.s32 $0xCB800, s0;
	s16 =	sadd.s32 $0xE4800, s0  }
0x12: {  	v0 =	vimm.f32 $0.0e+00;
	s19 =	smax.u32 s19, $0x1;
	s20 =	sadd.s32 s20, s0;
	s0 =	simm.s32 $0x4F00  }
.LBB2_1:
0x13: {  	s6 =	rddreg [dreg:$0x5];
	s26 =	simm.s32 $0x14980  }
0x14: {  	[tilespmem:s26], [sflag:$0x2] =	stream.linear.gather [hbm4b:s6+s5], $0x80, $0x38;
	[tilespmem:$0x17B00] =	vst v63  }
0x15: {  	_ =	swait.ge [sflag:s22], $0x80  }
0x16: {  	[sflag:s22] =	ssyncset.done $0x0  }
0x17: {  	[sflag:s22] =	ssyncadd.s32 $0xFFFFFF80  }
0x18: {  	[tilespmem:s23], [sflag:$0x1] =	stream.linear.gather [hbm4b:s9+s5], $0x1880, $0x38;
	[tilespmem:$0x17B00] =	vst v63  }
0x19: {  	s29 =	simm.s32 $0xCF00  }
0x1a: {  	[tilespmem:s29], [sflag:$0x1] =	stream.linear.gather [hbm4b:s10+s5], $0x1880, $0x38;
	[tilespmem:$0x17B00] =	vst v63  }
0x1b: {  	s31 =	simm.s32 $0xE780  }
0x1c: {  	[tilespmem:s31], [sflag:$0x1] =	stream.linear.gather [hbm4b:s11+s5], $0x1880, $0x38;
	[tilespmem:$0x17B00] =	vst v63  }
0x1d: {  	s26 =	simm.s32 $0x10000  }
0x1e: {  	[tilespmem:s26], [sflag:$0x1] =	stream.linear.gather [hbm4b:s12+s5], $0x1880, $0x38;
	[tilespmem:$0x17B00] =	vst v63  }
0x1f: {  	s29 =	simm.s32 $0x11880  }
0x20: {  	[tilespmem:s29], [sflag:$0x1] =	stream.linear.gather [hbm4b:s13+s5], $0x1880, $0x38;
	[tilespmem:$0x17B00] =	vst v63  }
0x21: {  	s31 =	simm.s32 $0x13100  }
0x22: {  	[tilespmem:s31], [sflag:$0x1] =	stream.linear.gather [hbm4b:s14+s5], $0x1880, $0x38;
	[tilespmem:$0x17B00] =	vst v63  }
0x23: {  	v1 =	vld [tilespmem:$0x14980];
	_ =	swait.ge [sflag:s30], $0x1880  }
0x24: {  	[sflag:s30] =	ssyncset.done $0x0  }
0x25: {  	[sflag:s30] =	ssyncadd.s32 $0xFFFFE780  }
0x26: {  	_ =	swait.ge [sflag:s30], $0x1880  }
0x27: {  	[sflag:s30] =	ssyncset.done $0x0  }
0x28: {  	[sflag:s30] =	ssyncadd.s32 $0xFFFFE780  }
0x29: {  	_ =	swait.ge [sflag:s30], $0x1880  }
0x2a: {  	[sflag:s30] =	ssyncset.done $0x0  }
0x2b: {  	[sflag:s30] =	ssyncadd.s32 $0xFFFFE780  }
0x2c: {  	_ =	swait.ge [sflag:s30], $0x1880  }
0x2d: {  	[sflag:s30] =	ssyncset.done $0x0  }
0x2e: {  	[sflag:s30] =	ssyncadd.s32 $0xFFFFE780  }
0x2f: {  	_ =	swait.ge [sflag:s30], $0x1880  }
0x30: {  	[sflag:s30] =	ssyncset.done $0x0  }
0x31: {  	[sflag:s30] =	ssyncadd.s32 $0xFFFFE780  }
0x32: {  	_ =	swait.ge [sflag:s30], $0x1880  }
0x33: {  	[sflag:s30] =	ssyncset.done $0x0  }
0x34: {  	s26 =	simm.s32 $0x0;
	[sflag:s30] =	ssyncadd.s32 $0xFFFFE780  }
0x35: {  	v2 =	vld [tilespmem:s26+$0x10000]  }
0x36: {  	s28 =	simm.s32 $0x40;
	v3 =	vsub.f32 $1.000000000e+00, v1;
	v4 =	vld [tilespmem:s26+$0xCF00]  }
.LBB2_2:
0x37: {  	p1 =	sne.s32 s28, $0x61C0;
	v5 =	vld [tilespmem:s26+$0xB680]  }
0x38: {  	v6 =	vld [tilespmem:s26+$0x11880]  }
0x39: {  	v7 =	vld [tilespmem:s26+$0xE780];
	_ =	sdelay $0x2  }
0x3a: {  	v4 =	vadd.f32 v4, v5  }
0x3b: {  	v5 =	vld [tilespmem:s26+$0x13100]  }
0x3c: {  	v4 =	vmul.f32 v4, v2;
	v6 =	vmul.f32 v6, v7;
	_ =	sdelay $0x1  }
0x3d: {  	v4 =	vadd.f32 v6, v4;
	_ =	sdelay $0x1  }
0x3e: {  	v4 =	vmul.f32 v4, v3;
	v5 =	vmul.f32 v5, v1;
	_ =	sdelay $0x1  }
.Ltmp0:
0x3f: {  	v4 =	vadd.f32 v4, v5;
	(pc) =	sbr.rel @p1 .LBB2_2-.Ltmp0, $4  }
0x40: {  	_ = 	snop  }
0x41: {  	s29 =	sshra.s32 s28, $0x2;
	[tilespmem:s26+$0xE780] =	vst v4;
	v5 =	vmul.f32 v4, v2  }
0x42: {  	v2 =	vld [tilespmem:s29+$0x10000]  }
0x43: {  	s28 =	sadd.s32 $0x40, s28;
	v4 =	vld [tilespmem:s29+$0xCF00];
	[tilespmem:s26+$0xB680] =	vst v5;
	s26 =	smov.u32 s29  }
0x44: {  	v5 =	vld [tilespmem:s26+$0xB680]  }
0x45: {  	v6 =	vld [tilespmem:s26+$0x11880]  }
0x46: {  	v7 =	vld [tilespmem:s26+$0xE780];
	_ =	sdelay $0x2  }
0x47: {  	v4 =	vadd.f32 v4, v5  }
0x48: {  	v63 =	vld [tilespmem:s26+$0x13100]  }
0x49: {  	v6 =	vmul.f32 v6, v7;
	v4 =	vmul.f32 v4, v2;
	_ =	sdelay $0x1  }
0x4a: {  	v4 =	vadd.f32 v6, v4;
	_ =	sdelay $0x1  }
0x4b: {  	v1 =	vmul.f32 v63, v1;
	v3 =	vmul.f32 v4, v3;
	_ =	sdelay $0x1  }
0x4c: {  	v1 =	vadd.f32 v3, v1;
	_ =	sdelay $0x1  }
0x4d: {  	v2 =	vmul.f32 v1, v2  }
0x4e: {  	[tilespmem:s26+$0xE780] =	vst v1  }
0x4f: {  	[tilespmem:s26+$0xB680] =	vst v2  }
0x50: {  	[spmem:s15] =	stream.linear.scatter [tilespmem:s23], [sflag:$0x2], $0x1880, $0x38;
	[tilespmem:$0x17B00] =	vst v63  }
0x51: {  	_ =	swait.ge [sflag:s22], $0x1880  }
0x52: {  	[sflag:s22] =	ssyncset.done $0x0  }
0x53: {  	s28 =	simm.s32 @!p0 $0xE780;
	s26 =	simm.s32 @!p0 $0x0;
	[sflag:s22] =	ssyncadd.s32 $0xFFFFE780  }
0x54: {  	[hbm4b:s16+s26] =	stream.linear.scatter @!p0 [tilespmem:s28], [sflag:$0x2], $0x1880, $0x38;
	[tilespmem:$0x17B00] =	vst v63  }
0x55: {  	s26 =	simm.s32 @!p0 $0x2  }
0x56: {  	_ =	swait.ge @!p0 [sflag:s26], $0x1880  }
0x57: {  	[sflag:s26] =	ssyncset.done @!p0 $0x0  }
0x58: {  	s28 =	simm.s32 $0x0;
	[sflag:s26] =	ssyncadd.s32 @!p0 $0xFFFFE780;
	s26 =	simm.s32 $0x40  }
.LBB2_4:
0x59: {  	p1 =	sne.s32 s26, $0x61C0;
	[tilespmem:s28+$0x9E00] =	vst v0;
	s28 =	smov.u32 s26;
	s26 =	sadd.s32 $0x40, s26  }
.Ltmp1:
0x5a: {  	(pc) =	sbr.rel @p1 .LBB2_4-.Ltmp1, $2  }
0x5b: {  	_ =	sdelay $0x2  }
0x5c: {  	s28 =	sshra.s32 s28, $0x2  }
0x5d: {  	[tilespmem:s28+$0x9E00] =	vst v0;
	s6 =	simm.s32 $0x9E00  }
0x5e: {  	[spmem:s17] =	stream.linear.scatter [tilespmem:s6], [sflag:$0x2], $0x1880, $0x38;
	[tilespmem:$0x17B00] =	vst v63  }
0x5f: {  	_ =	swait.ge [sflag:s22], $0x1880  }
0x60: {  	[sflag:s22] =	ssyncset.done $0x0  }
0x61: {  	[sflag:s22] =	ssyncadd.s32 $0xFFFFE780  }
0x62: {  	s26 =	simm.s32 $0x0;
	s28 =	simm.s32 $0x0;
	[bflag:$0x0] =	sbarrier.arrive $0xFFFF  }
.LBB2_6:
0x63: {  	s29 =	smul.u32 $0x2710, s28;
	_ =	sdelay $0x1  }
0x64: {  	s29 =	sadd.s32 s18, s29  }
0x65: {  	s29 =	sshrl.u32 s29, $0x3  }
0x66: {  	s31 =	sadd.s32 s7, s29  }
0x67: {  	[tilespmem:s26], [sflag:$0x1] =	stream.linear.gather [hbm4b:s31+s26], $0x2710, $0x38;
	[tilespmem:$0x17B00] =	vst v63  }
0x68: {  	s31 =	sadd.s32 s1, s29  }
0x69: {  	[tilespmem:s0], [sflag:$0x1] =	stream.linear.gather [hbm4b:s31+s26], $0x2710, $0x38;
	[tilespmem:$0x17B00] =	vst v63  }
0x6a: {  	s29 =	sadd.s32 s8, s29  }
0x6b: {  	[tilespmem:s3], [sflag:$0x1] =	stream.linear.gather [hbm4b:s29+s26], $0x2710, $0x38;
	[tilespmem:$0x17B00] =	vst v63  }
0x6c: {  	_ =	swait.ge [sflag:s30], $0x2710  }
0x6d: {  	[sflag:s30] =	ssyncset.done $0x0  }
0x6e: {  	[sflag:s30] =	ssyncadd.s32 $0xFFFFD8F0  }
0x6f: {  	[tilespmem:s24], [sflag:$0x2] =	stream.indirect.gather [spmem:s2], $0x1, s26, s21, $0xb8;
	[tilespmem:$0x17B00] =	vst v63  }
0x70: {  	_ =	swait.ge [sflag:s22], $0x2710  }
0x71: {  	[sflag:s22] =	ssyncset.done $0x0  }
0x72: {  	[sflag:s22] =	ssyncadd.s32 $0xFFFFD8F0  }
0x73: {  	_ =	swait.ge [sflag:s30], $0x2710  }
0x74: {  	[sflag:s30] =	ssyncset.done $0x0  }
0x75: {  	s29 =	simm.s32 $0x0;
	[sflag:s30] =	ssyncadd.s32 $0xFFFFD8F0  }
0x76: {  	s31 =	simm.s32 $0x40;
	v1 =	vld [tilespmem:s29+$0x4F00]  }
.LBB2_7:
0x77: {  	p1 =	sne.s32 s31, $0x9C00;
	v2 =	vld [tilespmem:s29+$0x7680];
	_ =	sdelay $0x2  }
.Ltmp2:
0x78: {  	(pc) =	sbr.rel @p1 .LBB2_7-.Ltmp2, $4  }
0x79: {  	_ = 	snop  }
0x7a: {  	v2 =	vmul.f32 v1, v2  }
0x7b: {  	s6 =	sshra.s32 s31, $0x2  }
0x7c: {  	s31 =	sadd.s32 $0x40, s31;
	v1 =	vld [tilespmem:s6+$0x4F00];
	[tilespmem:s29+$0x7680] =	vst v2;
	s29 =	smov.u32 s6  }
0x7d: {  	v2 =	vld [tilespmem:s29+$0x7680];
	_ =	sdelay $0x4  }
0x7e: {  	v1 =	vmul.f32 v1, v2;
	_ =	sdelay $0x1  }
0x7f: {  	[tilespmem:s29+$0x7680] =	vst v1  }
0x80: {  	s28 =	sadd.s32 $0x1, s28;
	_ =	swait.ge [sflag:s30], $0x2710  }
0x81: {  	p1 =	sne.s32 s28, $0xA;
	[sflag:s30] =	ssyncset.done $0x0  }
.Ltmp3:
0x82: {  	[sflag:s30] =	ssyncadd.s32 $0xFFFFD8F0;
	(pc) =	sbr.rel @p1 .LBB2_6-.Ltmp3, $4  }
0x83: {  	[spmem:s4] =	stream.indirect.scatter.add.f32 [tilespmem:s24], [sflag:$0x2], $0x1, s3, s21, $0xb8;
	[tilespmem:$0x17B00] =	vst v63  }
0x84: {  	_ =	swait.ge [sflag:s22], $0x2710  }
0x85: {  	[sflag:s22] =	ssyncset.done $0x0  }
0x86: {  	[sflag:s22] =	ssyncadd.s32 $0xFFFFD8F0  }
0x87: {  	s6 =	stileid.u32;
	s25 =	sadd.s32 $0x1, s25  }
0x88: {  	[bflag:$0x0] =	sbarrier.arrive $0xFFFF;
	s6 =	sshll.u32 s6, $0x6;
	p1 =	sne.s32 s25, s19  }
.Ltmp4:
0x89: {  	s26 =	sshrl.u32 s17, $0x3;
	s6 =	sor.u32 $0x1C02, s6;
	(pc) =	sbr.rel @p1 .LBB2_1-.Ltmp4, $4  }
0x8a: {  	[hbm:s20], [sflag:s6] =	dma.local [spmem:s26], $0x310  }
0x8b: {  	_ =	swait.ge [sflag:s22], $0x310  }
0x8c: {  	[sflag:s22] =	ssyncset.done $0x0  }
0x8d: {  	[sflag:s22] =	ssyncadd.s32 $0xFFFFFCF0  }
0x8e: {  	_ =	sfence.sel $0x180000  }
0x8f: {  	[bflag:$0x0] =	sbarrier.arrive $0xFFFF  }
0x90: {  	_ =	strace $0x90000056  }
0x91: {  	s0 =	stileid.u32;
	[bflag:$0x2] =	sbarrier.arrive $0xFFFF  }
0x92: {  	p0 =	sne.s32 s0, $0x0;
	s0 =	rddreg [dreg:$0x4]  }
0x93: {  	s0 =	sadd.s32 @!p0 $0x100000, s0  }
0x94: {  	[sflag:s0] =	ssyncadd.tile.s32 @!p0 $0x1;
	_ =	shalt  }
.Lfunc_end2:
_tile_overlayer_lowered:
.L_overlay_start_2:
0x95: {  	(tag) =	ssettag $0x2  }
0x96: {  	s0 =	rddreg [dreg:$0x0];
	s2 =	stileid.u32  }
0x97: {  	s1 =	rddreg [dreg:$0x1];
	p0 =	sne.s32 s2, $0x0  }
0x98: {  	s3 =	rddreg [dreg:$0x2];
	[bflag:$0x3] =	sbarrier.arrive $0xFFFF;
	s2 =	simm.s32 @!p0 $0x1C02  }
0x99: {  	[timem:s3], [sflag:s2] =	dma.local @!p0 [hbm:s0], s1  }
0x9a: {  	s0 =	simm.s32 @!p0 $0x2  }
0x9b: {  	_ =	swait.ge @!p0 [sflag:s0], s1  }
0x9c: {  	s1 =	ssub.s32 @!p0 $0x0, s1;
	[sflag:s0] =	ssyncset.done @!p0 $0x0  }
0x9d: {  	[sflag:s0] =	ssyncadd.s32 @!p0 s1  }
0x9e: {  	[bflag:$0x3] =	sbarrier.arrive $0xFFFF  }
0x9f: {  	_ =	shalt  }

</sc_bundles>
